<compile_context>
chip_gen: v7x
topology: tpu7x:2x2x1
jax: 0.10.2.dev20260603
libtpu: 0.0.44.dev20260713+nightly
codegen_flags: <defaults>
</compile_context>

<pallas_src>
import jax
import jax.numpy as jnp
from jax import lax
from jax.experimental import pallas as pl
from jax.experimental.pallas import tpu as pltpu
from jax.experimental.pallas import tpu_sc as plsc

N_NODES = 10000
N_EDGES = 320000
N_WORKERS = 32
E_PER_W = N_EDGES // N_WORKERS
CHUNK = 80
N_CHUNKS = E_PER_W // CHUNK
ROWS_PER_TILE = N_NODES // 16

_MESH = dict(core_axis_name="c", subcore_axis_name="s")
_SC_PARAMS = pltpu.CompilerParams(needs_layout_passes=False)


def _sc_deg_body(dst_hbm, out_hbm, dstv, hist):
    c = lax.axis_index("c")
    s = lax.axis_index("s")
    wid = s * 2 + c
    pltpu.sync_copy(dst_hbm.at[wid], dstv)

    def zero(i, _):
        hist[pl.ds(i * 16, 16)] = jnp.zeros((16,), jnp.int32)
        return 0

    lax.fori_loop(0, N_NODES // 16, zero, 0)

    ones = jnp.ones((16,), jnp.int32)

    def step(i, _):
        idx = dstv[pl.ds(i * 16, 16)]
        plsc.addupdate_scatter(hist, [idx], ones)
        return 0

    lax.fori_loop(0, E_PER_W // 16, step, 0)
    pltpu.sync_copy(hist, out_hbm.at[wid])


def _sc_deg(dst32):
    k = pl.kernel(
        _sc_deg_body,
        out_type=jax.ShapeDtypeStruct((N_WORKERS, N_NODES), jnp.int32),
        scratch_types=[
            pltpu.VMEM((E_PER_W,), jnp.int32),
            pltpu.VMEM((N_NODES,), jnp.int32),
        ],
        mesh=plsc.VectorSubcoreMesh(**_MESH),
        compiler_params=_SC_PARAMS,
    )
    return k(dst32)


def _sc_agg_body(g_hbm, src_hbm, dst_hbm, out_hbm, srcv,
                 d0, d1, d2, b0, b1, b2, acc,
                 sg0, sg1, sg2, sd0, sd1, sd2, ss0, ss1, ss2):
    c = lax.axis_index("c")
    s = lax.axis_index("s")
    wid = s * 2 + c
    pltpu.sync_copy(src_hbm.at[wid], srcv)

    def zbuf(r, _):
        for k in range(8):
            b0[r, pl.ds(k * 16, 16)] = jnp.zeros((16,), jnp.float32)
        return 0

    lax.fori_loop(0, CHUNK, zbuf, 0)
    base = s * ROWS_PER_TILE
    for t in range(7):
        pltpu.sync_copy(b0, acc.at[pl.ds(base + t * CHUNK, CHUNK)])
    pltpu.sync_copy(b0.at[pl.ds(0, 65)], acc.at[pl.ds(base + 560, 65)])
    plsc.subcore_barrier()

    D = (d0, d1, d2)
    B = (b0, b1, b2)
    SG = (sg0, sg1, sg2)
    SD = (sd0, sd1, sd2)
    SS = (ss0, ss1, ss2)

    def g_at(j):
        return g_hbm.at[srcv.at[pl.ds(j * CHUNK, CHUNK)]]

    def dst_at(j):
        return dst_hbm.at[wid * N_CHUNKS + j]

    def issue_gd(m, k):
        pltpu.async_copy(dst_at(m), D[k], SD[k])
        pltpu.async_copy(g_at(m), B[k], SG[k])

    def wait_gd(m, k):
        pltpu.make_async_copy(g_at(m), B[k], SG[k]).wait()
        pltpu.make_async_copy(dst_at(m), D[k], SD[k]).wait()

    def issue_s(k):
        pltpu.async_copy(B[k], acc.at[D[k]], SS[k], add=True)

    def wait_s(k):
        pltpu.make_async_copy(B[k], acc.at[D[k]], SS[k]).wait()

    issue_gd(0, 0)
    issue_gd(1, 1)
    wait_gd(0, 0)
    issue_s(0)
    issue_gd(2, 2)
    wait_gd(1, 1)
    issue_s(1)
    wait_s(0)
    issue_gd(3, 0)
    wait_gd(2, 2)
    issue_s(2)
    wait_s(1)
    issue_gd(4, 1)
    wait_gd(3, 0)
    issue_s(0)

    def tri(i, _):
        m = 4 + 3 * i
        wait_s(2)
        issue_gd(m + 1, 2)
        wait_gd(m, 1)
        issue_s(1)
        wait_s(0)
        issue_gd(m + 2, 0)
        wait_gd(m + 1, 2)
        issue_s(2)
        wait_s(1)
        issue_gd(m + 3, 1)
        wait_gd(m + 2, 0)
        issue_s(0)
        return 0

    lax.fori_loop(0, 40, tri, 0)
    wait_s(2)
    wait_gd(124, 1)
    issue_s(1)
    wait_s(0)
    wait_s(1)
    plsc.subcore_barrier()
    pltpu.sync_copy(acc.at[pl.ds(base, ROWS_PER_TILE)], out_hbm.at[c, s])


def _sc_agg(g, src32, dst32):
    k = pl.kernel(
        _sc_agg_body,
        out_type=jax.ShapeDtypeStruct((2, 16, ROWS_PER_TILE, 128), jnp.float32),
        scratch_types=[
            pltpu.VMEM((E_PER_W,), jnp.int32),
            pltpu.VMEM((CHUNK,), jnp.int32),
            pltpu.VMEM((CHUNK,), jnp.int32),
            pltpu.VMEM((CHUNK,), jnp.int32),
            pltpu.VMEM((CHUNK, 128), jnp.float32),
            pltpu.VMEM((CHUNK, 128), jnp.float32),
            pltpu.VMEM((CHUNK, 128), jnp.float32),
            pltpu.VMEM_SHARED((N_NODES, 128), jnp.float32),
        ] + [pltpu.SemaphoreType.DMA] * 9,
        mesh=plsc.VectorSubcoreMesh(**_MESH),
        compiler_params=_SC_PARAMS,
    )
    return k(g, src32, dst32)


_BLK = 1000


def _tc_pre_body(h_ref, x_ref, d_ref, g_ref):
    deg = jnp.sum(h_ref[...], axis=0).astype(jnp.float32) + 1.0
    dinv = lax.rsqrt(deg).reshape(N_NODES, 1)
    d_ref[...] = dinv
    g_ref[...] = dinv * x_ref[...]


def _tc_pre(hists, x):
    return pl.pallas_call(
        _tc_pre_body,
        out_shape=[
            jax.ShapeDtypeStruct((N_NODES, 1), jnp.float32),
            jax.ShapeDtypeStruct((N_NODES, 128), jnp.float32),
        ],
    )(hists, x)


def _tc_mid_body(p0, p1, g1, d, w1, bb1, w2, o_ref):
    a = d[...] * (p0[...] + p1[...] + g1[...])
    h = jnp.dot(a, w1[...], preferred_element_type=jnp.float32) + bb1[...]
    h = jnp.maximum(h, 0.0)
    t = jnp.dot(h, w2[...], preferred_element_type=jnp.float32)
    o_ref[...] = d[...] * t


def _tc_mid(p0, p1, g1, dinv_col, W1, b1, W2):
    grid = (N_NODES // _BLK,)
    row = lambda i: (i, 0)
    full = lambda i: (0, 0)
    return pl.pallas_call(
        _tc_mid_body,
        grid=grid,
        in_specs=[
            pl.BlockSpec((_BLK, 128), row),
            pl.BlockSpec((_BLK, 128), row),
            pl.BlockSpec((_BLK, 128), row),
            pl.BlockSpec((_BLK, 1), row),
            pl.BlockSpec((128, 256), full),
            pl.BlockSpec((1, 256), full),
            pl.BlockSpec((256, 128), full),
        ],
        out_specs=pl.BlockSpec((_BLK, 128), row),
        out_shape=jax.ShapeDtypeStruct((N_NODES, 128), jnp.float32),
    )(p0, p1, g1, dinv_col, W1, b1.reshape(1, 256), W2)


def _tc_post_body(q0, q1, g2, d, bb2, o_ref):
    a = d[...] * (q0[...] + q1[...] + g2[...]) + bb2[...]
    m = jnp.max(a, axis=-1, keepdims=True)
    e = jnp.exp(a - m)
    o_ref[...] = e / jnp.sum(e, axis=-1, keepdims=True)


def _tc_post(q0, q1, g2, dinv_col, b2):
    grid = (N_NODES // _BLK,)
    row = lambda i: (i, 0)
    full = lambda i: (0, 0)
    return pl.pallas_call(
        _tc_post_body,
        grid=grid,
        in_specs=[
            pl.BlockSpec((_BLK, 128), row),
            pl.BlockSpec((_BLK, 128), row),
            pl.BlockSpec((_BLK, 128), row),
            pl.BlockSpec((_BLK, 1), row),
            pl.BlockSpec((1, 128), full),
        ],
        out_specs=pl.BlockSpec((_BLK, 128), row),
        out_shape=jax.ShapeDtypeStruct((N_NODES, 128), jnp.float32),
    )(q0, q1, g2, dinv_col, b2.reshape(1, 128))


def kernel(x, edge_index, W1, b1, W2, b2):
    src = edge_index[0].astype(jnp.int32)
    dst = edge_index[1].astype(jnp.int32)
    src_r = src.reshape(N_WORKERS, E_PER_W)
    dst_r = dst.reshape(N_WORKERS * N_CHUNKS, CHUNK)
    dst_flat = dst.reshape(N_WORKERS, E_PER_W)

    hists = _sc_deg(dst_flat)
    dinv_col, g1 = _tc_pre(hists, x)
    p = _sc_agg(g1, src_r, dst_r).reshape(2, N_NODES, 128)
    g2 = _tc_mid(p[0], p[1], g1, dinv_col, W1, b1, W2)
    q = _sc_agg(g2, src_r, dst_r).reshape(2, N_NODES, 128)
    out = _tc_post(q[0], q[1], g2, dinv_col, b2)
    return out

# --- scband reference (transcript-rebuilt; emitter-appended) ---
"""Pipeline reference for scband-gcn-4664334484090 (READ-ONLY COPY).

The authoritative reference and input builder live on the scoring server;
editing this copy changes nothing except your own understanding.
"""

import jax, jax.numpy as jnp
import numpy as np

N_NODES = 10000
IN_CH = 128
HID_CH = 256
OUT_CH = 128
N_EDGES = 320000


def gcn_conv(x, edge_index, W, b):
    num_nodes = x.shape[0]
    src = edge_index[0]
    dst = edge_index[1]
    # add self loops (PyG GCNConv default add_self_loops=True)
    loop = jnp.arange(num_nodes, dtype=edge_index.dtype)
    src = jnp.concatenate([src, loop])
    dst = jnp.concatenate([dst, loop])
    # symmetric normalization deg^-1/2 (deg computed on dst incl. self loops)
    deg = jnp.zeros((num_nodes,), dtype=x.dtype).at[dst].add(1.0)
    dinv = jnp.where(deg > 0, jax.lax.rsqrt(deg), 0.0)
    norm = dinv[src] * dinv[dst]
    # linear transform then gather-scale-scatter
    h = x @ W
    msg = h[src] * norm[:, None]
    out = jax.ops.segment_sum(msg, dst, num_segments=num_nodes)
    return out + b


def setup_inputs(seed: int = 0) -> dict:
    key = jax.random.key(seed)
    k1, k2, k3, k4, k5, k6 = jax.random.split(key, 6)
    x = jax.random.normal(k1, (N_NODES, IN_CH), dtype=jnp.float32)
    edge_index = jax.random.randint(k2, (2, N_EDGES), 0, N_NODES, dtype=jnp.int64)
    # glorot-style init for weights, zeros for bias (PyG defaults)
    s1 = float(np.sqrt(6.0 / (IN_CH + HID_CH)))
    s2 = float(np.sqrt(6.0 / (HID_CH + OUT_CH)))
    W1 = jax.random.uniform(k3, (IN_CH, HID_CH), dtype=jnp.float32, minval=-s1, maxval=s1)
    b1 = jnp.zeros((HID_CH,), dtype=jnp.float32)
    W2 = jax.random.uniform(k4, (HID_CH, OUT_CH), dtype=jnp.float32, minval=-s2, maxval=s2)
    b2 = jnp.zeros((OUT_CH,), dtype=jnp.float32)
    return {"x": x, "edge_index": edge_index, "W1": W1, "b1": b1, "W2": W2, "b2": b2}


def reference(x, edge_index, W1, b1, W2, b2):
    h = gcn_conv(x, edge_index, W1, b1)
    h = jax.nn.relu(h)
    h = gcn_conv(h, edge_index, W2, b2)
    out = jax.nn.softmax(h, axis=-1)
    return out

if __name__ == "__main__":
    import jax
    _d = setup_inputs()
    print(jax.jit(kernel)(*tuple(_d.values())))

</pallas_src>

<mosaic_0001>
#map = affine_map<(d0, d1) -> (0, 0)>
module attributes {stable_mosaic.version = 14 : i64} {
  func.func @_sc_deg_body(%arg0: i32, %arg1: i32, %arg2: memref<32x10000xi32, #tpu.memory_space<hbm>>, %arg3: memref<32x10000xi32, #tpu.memory_space<hbm>>, %arg4: memref<10000xi32, #tpu.memory_space<vmem>>, %arg5: memref<10000xi32, #tpu.memory_space<vmem>>) attributes {dimension_semantics = [#tpu.dimension_semantics<core_parallel>, #tpu.dimension_semantics<subcore_parallel>], iteration_bounds = array<i64: 2, 16>, scalar_prefetch = 0 : i64, scratch_operands = 2 : i64, tpu.core_type = #tpu.core_type<sc_vector_subcore>, window_params = [{transform_indices = #map}, {transform_indices = #map}]} {
    %mul3A = arith.constant 2 : i32
    %mul3A_0 = arith.muli %arg1, %mul3A : i32
    %add3A = arith.addi %mul3A_0, %arg0 : i32
    "tpu.region"() ({
      %run_scoped3A = tpu.sem_alloc : memref<!tpu.dma_semaphore, #tpu.memory_space<semaphore_mem>>
      %dma_start3A = arith.constant 0 : i32
      %dma_start3A_15 = tpu.memref_slice %arg2[%add3A, %dma_start3A] : memref<32x10000xi32, #tpu.memory_space<hbm>> -> memref<1x10000xi32, #tpu.memory_space<hbm>>
      %dma_start3A_16 = tpu.memref_squeeze %dma_start3A_15 : memref<1x10000xi32, #tpu.memory_space<hbm>> -> memref<10000xi32, #tpu.memory_space<hbm>>
      %dma_start3A_17 = arith.constant 0 : i32
      %dma_start3A_18 = tpu.memref_slice %arg2[%add3A, %dma_start3A_17] : memref<32x10000xi32, #tpu.memory_space<hbm>> -> memref<1x10000xi32, #tpu.memory_space<hbm>>
      %dma_start3A_19 = tpu.memref_squeeze %dma_start3A_18 : memref<1x10000xi32, #tpu.memory_space<hbm>> -> memref<10000xi32, #tpu.memory_space<hbm>>
      tpu.enqueue_dma source(%dma_start3A_19 : memref<10000xi32, #tpu.memory_space<hbm>>) target(%arg4 : memref<10000xi32, #tpu.memory_space<vmem>>) target_semaphore(%run_scoped3A : memref<!tpu.dma_semaphore, #tpu.memory_space<semaphore_mem>>)
      %dma_wait3A = arith.constant 0 : i32
      %dma_wait3A_20 = tpu.memref_slice %arg2[%add3A, %dma_wait3A] : memref<32x10000xi32, #tpu.memory_space<hbm>> -> memref<1x10000xi32, #tpu.memory_space<hbm>>
      %dma_wait3A_21 = tpu.memref_squeeze %dma_wait3A_20 : memref<1x10000xi32, #tpu.memory_space<hbm>> -> memref<10000xi32, #tpu.memory_space<hbm>>
      %dma_wait3A_22 = arith.constant 0 : i32
      %dma_wait3A_23 = tpu.memref_slice %arg2[%add3A, %dma_wait3A_22] : memref<32x10000xi32, #tpu.memory_space<hbm>> -> memref<1x10000xi32, #tpu.memory_space<hbm>>
      %dma_wait3A_24 = tpu.memref_squeeze %dma_wait3A_23 : memref<1x10000xi32, #tpu.memory_space<hbm>> -> memref<10000xi32, #tpu.memory_space<hbm>>
      tpu.wait_dma2 semaphore(%run_scoped3A : memref<!tpu.dma_semaphore, #tpu.memory_space<semaphore_mem>>) src(%dma_wait3A_24 : memref<10000xi32, #tpu.memory_space<hbm>>) dst(%arg4 : memref<10000xi32, #tpu.memory_space<vmem>>)
      tpu.yield
    }) : () -> ()
    %scan3A = arith.constant 0 : i32
    %scan3A_1 = arith.constant 0 : i32
    %scan3A_2 = arith.constant 625 : i32
    %scan3A_3 = arith.addi %scan3A_1, %scan3A_2 : i32
    %scan3A_4 = arith.constant 1 : i32
    %scan3A_5 = scf.for %scan3A_15 = %scan3A_1 to %scan3A_3 step %scan3A_4 iter_args(%scan3A_16 = %scan3A) -> (i32)  : i32 {
      %broadcast_in_dim3A_17 = arith.constant 0 : i32
      %broadcast_in_dim3A_18 = vector.broadcast %broadcast_in_dim3A_17 : i32 to vector<16xi32>
      %mul3A_19 = arith.constant 16 : i32
      %mul3A_20 = arith.muli %scan3A_15, %mul3A_19 : i32
      %swap3A = arith.index_cast %mul3A_20 : i32 to index
      %swap3A_21 = tpu.vector_load %arg5[%swap3A] {strides = array<i32>} : memref<10000xi32, #tpu.memory_space<vmem>>, vector<16xi32>,
      tpu.vector_store %arg5[%swap3A], %broadcast_in_dim3A_18 {strides = array<i32>} : memref<10000xi32, #tpu.memory_space<vmem>>, vector<16xi32>,
      %scan3A_22 = arith.constant 0 : i32
      scf.yield %scan3A_22 : i32
    }
    %scan3A_6 = arith.constant 625 : i32
    %broadcast_in_dim3A = arith.constant 1 : i32
    %broadcast_in_dim3A_7 = vector.broadcast %broadcast_in_dim3A : i32 to vector<16xi32>
    %scan3A_8 = arith.constant 0 : i32
    %scan3A_9 = arith.constant 0 : i32
    %scan3A_10 = arith.constant 625 : i32
    %scan3A_11 = arith.addi %scan3A_9, %scan3A_10 : i32
    %scan3A_12 = arith.constant 1 : i32
    %scan3A_13 = scf.for %scan3A_15 = %scan3A_9 to %scan3A_11 step %scan3A_12 iter_args(%scan3A_16 = %scan3A_8) -> (i32)  : i32 {
      %mul3A_17 = arith.constant 16 : i32
      %mul3A_18 = arith.muli %scan3A_15, %mul3A_17 : i32
      %get3A = arith.index_cast %mul3A_18 : i32 to index
      %get3A_19 = tpu.vector_load %arg4[%get3A] {strides = array<i32>} : memref<10000xi32, #tpu.memory_space<vmem>>, vector<16xi32>,
      tpu.vector_store_idx %arg5[%get3A_19], %broadcast_in_dim3A_7 {add = true} : memref<10000xi32, #tpu.memory_space<vmem>>[vector<16xi32>], vector<16xi32>,
      %scan3A_20 = arith.constant 0 : i32
      scf.yield %scan3A_20 : i32
    }
    %scan3A_14 = arith.constant 625 : i32
    "tpu.region"() ({
      %run_scoped3A = tpu.sem_alloc : memref<!tpu.dma_semaphore, #tpu.memory_space<semaphore_mem>>
      %dma_start3A = arith.constant 0 : i32
      %dma_start3A_15 = tpu.memref_slice %arg3[%add3A, %dma_start3A] : memref<32x10000xi32, #tpu.memory_space<hbm>> -> memref<1x10000xi32, #tpu.memory_space<hbm>>
      %dma_start3A_16 = tpu.memref_squeeze %dma_start3A_15 : memref<1x10000xi32, #tpu.memory_space<hbm>> -> memref<10000xi32, #tpu.memory_space<hbm>>
      %dma_start3A_17 = arith.constant 0 : i32
      %dma_start3A_18 = tpu.memref_slice %arg3[%add3A, %dma_start3A_17] : memref<32x10000xi32, #tpu.memory_space<hbm>> -> memref<1x10000xi32, #tpu.memory_space<hbm>>
      %dma_start3A_19 = tpu.memref_squeeze %dma_start3A_18 : memref<1x10000xi32, #tpu.memory_space<hbm>> -> memref<10000xi32, #tpu.memory_space<hbm>>
      tpu.enqueue_dma source(%arg5 : memref<10000xi32, #tpu.memory_space<vmem>>) target(%dma_start3A_19 : memref<10000xi32, #tpu.memory_space<hbm>>) target_semaphore(%run_scoped3A : memref<!tpu.dma_semaphore, #tpu.memory_space<semaphore_mem>>)
      %dma_wait3A = arith.constant 0 : i32
      %dma_wait3A_20 = tpu.memref_slice %arg3[%add3A, %dma_wait3A] : memref<32x10000xi32, #tpu.memory_space<hbm>> -> memref<1x10000xi32, #tpu.memory_space<hbm>>
      %dma_wait3A_21 = tpu.memref_squeeze %dma_wait3A_20 : memref<1x10000xi32, #tpu.memory_space<hbm>> -> memref<10000xi32, #tpu.memory_space<hbm>>
      %dma_wait3A_22 = arith.constant 0 : i32
      %dma_wait3A_23 = tpu.memref_slice %arg3[%add3A, %dma_wait3A_22] : memref<32x10000xi32, #tpu.memory_space<hbm>> -> memref<1x10000xi32, #tpu.memory_space<hbm>>
      %dma_wait3A_24 = tpu.memref_squeeze %dma_wait3A_23 : memref<1x10000xi32, #tpu.memory_space<hbm>> -> memref<10000xi32, #tpu.memory_space<hbm>>
      tpu.wait_dma2 semaphore(%run_scoped3A : memref<!tpu.dma_semaphore, #tpu.memory_space<semaphore_mem>>) src(%arg5 : memref<10000xi32, #tpu.memory_space<vmem>>) dst(%dma_wait3A_24 : memref<10000xi32, #tpu.memory_space<hbm>>)
      tpu.yield
    }) : () -> ()
    return
  }
}

#map = affine_map<(d0, d1) -> (0, 0)>
#map1 = affine_map<(d0, d1) -> (0, 0, 0, 0)>
module attributes {stable_mosaic.version = 14 : i64} {
  func.func @_sc_agg_body(%arg0: i32, %arg1: i32, %arg2: memref<10000x128xf32, #tpu.memory_space<hbm>>, %arg3: memref<32x10000xi32, #tpu.memory_space<hbm>>, %arg4: memref<4000x80xi32, #tpu.memory_space<hbm>>, %arg5: memref<2x16x625x128xf32, #tpu.memory_space<hbm>>, %arg6: memref<10000xi32, #tpu.memory_space<vmem>>, %arg7: memref<80xi32, #tpu.memory_space<vmem>>, %arg8: memref<80xi32, #tpu.memory_space<vmem>>, %arg9: memref<80xi32, #tpu.memory_space<vmem>>, %arg10: memref<80x128xf32, #tpu.memory_space<vmem>>, %arg11: memref<80x128xf32, #tpu.memory_space<vmem>>, %arg12: memref<80x128xf32, #tpu.memory_space<vmem>>, %arg13: memref<10000x128xf32, #tpu.memory_space<vmem_shared>>, %arg14: memref<!tpu.dma_semaphore, #tpu.memory_space<semaphore_mem>>, %arg15: memref<!tpu.dma_semaphore, #tpu.memory_space<semaphore_mem>>, %arg16: memref<!tpu.dma_semaphore, #tpu.memory_space<semaphore_mem>>, %arg17: memref<!tpu.dma_semaphore, #tpu.memory_space<semaphore_mem>>, %arg18: memref<!tpu.dma_semaphore, #tpu.memory_space<semaphore_mem>>, %arg19: memref<!tpu.dma_semaphore, #tpu.memory_space<semaphore_mem>>, %arg20: memref<!tpu.dma_semaphore, #tpu.memory_space<semaphore_mem>>, %arg21: memref<!tpu.dma_semaphore, #tpu.memory_space<semaphore_mem>>, %arg22: memref<!tpu.dma_semaphore, #tpu.memory_space<semaphore_mem>>) attributes {dimension_semantics = [#tpu.dimension_semantics<core_parallel>, #tpu.dimension_semantics<subcore_parallel>], iteration_bounds = array<i64: 2, 16>, scalar_prefetch = 0 : i64, scratch_operands = 17 : i64, tpu.core_type = #tpu.core_type<sc_vector_subcore>, window_params = [{transform_indices = #map}, {transform_indices = #map}, {transform_indices = #map}, {transform_indices = #map1}]} {
    %mul3A = arith.constant 2 : i32
    %mul3A_0 = arith.muli %arg1, %mul3A : i32
    %add3A = arith.addi %mul3A_0, %arg0 : i32
    "tpu.region"() ({
      %run_scoped3A = tpu.sem_alloc : memref<!tpu.dma_semaphore, #tpu.memory_space<semaphore_mem>>
      %dma_start3A_211 = arith.constant 0 : i32
      %dma_start3A_212 = tpu.memref_slice %arg3[%add3A, %dma_start3A_211] : memref<32x10000xi32, #tpu.memory_space<hbm>> -> memref<1x10000xi32, #tpu.memory_space<hbm>>
      %dma_start3A_213 = tpu.memref_squeeze %dma_start3A_212 : memref<1x10000xi32, #tpu.memory_space<hbm>> -> memref<10000xi32, #tpu.memory_space<hbm>>
      %dma_start3A_214 = arith.constant 0 : i32
      %dma_start3A_215 = tpu.memref_slice %arg3[%add3A, %dma_start3A_214] : memref<32x10000xi32, #tpu.memory_space<hbm>> -> memref<1x10000xi32, #tpu.memory_space<hbm>>
      %dma_start3A_216 = tpu.memref_squeeze %dma_start3A_215 : memref<1x10000xi32, #tpu.memory_space<hbm>> -> memref<10000xi32, #tpu.memory_space<hbm>>
      tpu.enqueue_dma source(%dma_start3A_216 : memref<10000xi32, #tpu.memory_space<hbm>>) target(%arg6 : memref<10000xi32, #tpu.memory_space<vmem>>) target_semaphore(%run_scoped3A : memref<!tpu.dma_semaphore, #tpu.memory_space<semaphore_mem>>)
      %dma_wait3A_217 = arith.constant 0 : i32
      %dma_wait3A_218 = tpu.memref_slice %arg3[%add3A, %dma_wait3A_217] : memref<32x10000xi32, #tpu.memory_space<hbm>> -> memref<1x10000xi32, #tpu.memory_space<hbm>>
      %dma_wait3A_219 = tpu.memref_squeeze %dma_wait3A_218 : memref<1x10000xi32, #tpu.memory_space<hbm>> -> memref<10000xi32, #tpu.memory_space<hbm>>
      %dma_wait3A_220 = arith.constant 0 : i32
      %dma_wait3A_221 = tpu.memref_slice %arg3[%add3A, %dma_wait3A_220] : memref<32x10000xi32, #tpu.memory_space<hbm>> -> memref<1x10000xi32, #tpu.memory_space<hbm>>
      %dma_wait3A_222 = tpu.memref_squeeze %dma_wait3A_221 : memref<1x10000xi32, #tpu.memory_space<hbm>> -> memref<10000xi32, #tpu.memory_space<hbm>>
      tpu.wait_dma2 semaphore(%run_scoped3A : memref<!tpu.dma_semaphore, #tpu.memory_space<semaphore_mem>>) src(%dma_wait3A_222 : memref<10000xi32, #tpu.memory_space<hbm>>) dst(%arg6 : memref<10000xi32, #tpu.memory_space<vmem>>)
      tpu.yield
    }) : () -> ()
    %scan3A = arith.constant 0 : i32
    %scan3A_1 = arith.constant 0 : i32
    %scan3A_2 = arith.constant 80 : i32
    %scan3A_3 = arith.addi %scan3A_1, %scan3A_2 : i32
    %scan3A_4 = arith.constant 1 : i32
    %scan3A_5 = scf.for %scan3A_211 = %scan3A_1 to %scan3A_3 step %scan3A_4 iter_args(%scan3A_212 = %scan3A) -> (i32)  : i32 {
      %broadcast_in_dim3A = arith.constant 0.000000e+00 : f32
      %broadcast_in_dim3A_213 = vector.broadcast %broadcast_in_dim3A : f32 to vector<16xf32>
      %swap3A = arith.index_cast %scan3A_211 : i32 to index
      %swap3A_214 = arith.constant 0 : index
      %swap3A_215 = tpu.vector_load %arg10[%swap3A, %swap3A_214] {strides = array<i32>} : memref<80x128xf32, #tpu.memory_space<vmem>>, vector<16xf32>,
      tpu.vector_store %arg10[%swap3A, %swap3A_214], %broadcast_in_dim3A_213 {strides = array<i32>} : memref<80x128xf32, #tpu.memory_space<vmem>>, vector<16xf32>,
      %broadcast_in_dim3A_216 = arith.constant 0.000000e+00 : f32
      %broadcast_in_dim3A_217 = vector.broadcast %broadcast_in_dim3A_216 : f32 to vector<16xf32>
      %swap3A_218 = arith.index_cast %scan3A_211 : i32 to index
      %swap3A_219 = arith.constant 16 : index
      %swap3A_220 = tpu.vector_load %arg10[%swap3A_218, %swap3A_219] {strides = array<i32>} : memref<80x128xf32, #tpu.memory_space<vmem>>, vector<16xf32>,
      tpu.vector_store %arg10[%swap3A_218, %swap3A_219], %broadcast_in_dim3A_217 {strides = array<i32>} : memref<80x128xf32, #tpu.memory_space<vmem>>, vector<16xf32>,
      %broadcast_in_dim3A_221 = arith.constant 0.000000e+00 : f32
      %broadcast_in_dim3A_222 = vector.broadcast %broadcast_in_dim3A_221 : f32 to vector<16xf32>
      %swap3A_223 = arith.index_cast %scan3A_211 : i32 to index
      %swap3A_224 = arith.constant 32 : index
      %swap3A_225 = tpu.vector_load %arg10[%swap3A_223, %swap3A_224] {strides = array<i32>} : memref<80x128xf32, #tpu.memory_space<vmem>>, vector<16xf32>,
      tpu.vector_store %arg10[%swap3A_223, %swap3A_224], %broadcast_in_dim3A_222 {strides = array<i32>} : memref<80x128xf32, #tpu.memory_space<vmem>>, vector<16xf32>,
      %broadcast_in_dim3A_226 = arith.constant 0.000000e+00 : f32
      %broadcast_in_dim3A_227 = vector.broadcast %broadcast_in_dim3A_226 : f32 to vector<16xf32>
      %swap3A_228 = arith.index_cast %scan3A_211 : i32 to index
      %swap3A_229 = arith.constant 48 : index
      %swap3A_230 = tpu.vector_load %arg10[%swap3A_228, %swap3A_229] {strides = array<i32>} : memref<80x128xf32, #tpu.memory_space<vmem>>, vector<16xf32>,
      tpu.vector_store %arg10[%swap3A_228, %swap3A_229], %broadcast_in_dim3A_227 {strides = array<i32>} : memref<80x128xf32, #tpu.memory_space<vmem>>, vector<16xf32>,
      %broadcast_in_dim3A_231 = arith.constant 0.000000e+00 : f32
      %broadcast_in_dim3A_232 = vector.broadcast %broadcast_in_dim3A_231 : f32 to vector<16xf32>
      %swap3A_233 = arith.index_cast %scan3A_211 : i32 to index
      %swap3A_234 = arith.constant 64 : index
      %swap3A_235 = tpu.vector_load %arg10[%swap3A_233, %swap3A_234] {strides = array<i32>} : memref<80x128xf32, #tpu.memory_space<vmem>>, vector<16xf32>,
      tpu.vector_store %arg10[%swap3A_233, %swap3A_234], %broadcast_in_dim3A_232 {strides = array<i32>} : memref<80x128xf32, #tpu.memory_space<vmem>>, vector<16xf32>,
      %broadcast_in_dim3A_236 = arith.constant 0.000000e+00 : f32
      %broadcast_in_dim3A_237 = vector.broadcast %broadcast_in_dim3A_236 : f32 to vector<16xf32>
      %swap3A_238 = arith.index_cast %scan3A_211 : i32 to index
      %swap3A_239 = arith.constant 80 : index
      %swap3A_240 = tpu.vector_load %arg10[%swap3A_238, %swap3A_239] {strides = array<i32>} : memref<80x128xf32, #tpu.memory_space<vmem>>, vector<16xf32>,
      tpu.vector_store %arg10[%swap3A_238, %swap3A_239], %broadcast_in_dim3A_237 {strides = array<i32>} : memref<80x128xf32, #tpu.memory_space<vmem>>, vector<16xf32>,
      %broadcast_in_dim3A_241 = arith.constant 0.000000e+00 : f32
      %broadcast_in_dim3A_242 = vector.broadcast %broadcast_in_dim3A_241 : f32 to vector<16xf32>
      %swap3A_243 = arith.index_cast %scan3A_211 : i32 to index
      %swap3A_244 = arith.constant 96 : index
      %swap3A_245 = tpu.vector_load %arg10[%swap3A_243, %swap3A_244] {strides = array<i32>} : memref<80x128xf32, #tpu.memory_space<vmem>>, vector<16xf32>,
      tpu.vector_store %arg10[%swap3A_243, %swap3A_244], %broadcast_in_dim3A_242 {strides = array<i32>} : memref<80x128xf32, #tpu.memory_space<vmem>>, vector<16xf32>,
      %broadcast_in_dim3A_246 = arith.constant 0.000000e+00 : f32
      %broadcast_in_dim3A_247 = vector.broadcast %broadcast_in_dim3A_246 : f32 to vector<16xf32>
      %swap3A_248 = arith.index_cast %scan3A_211 : i32 to index
      %swap3A_249 = arith.constant 112 : index
      %swap3A_250 = tpu.vector_load %arg10[%swap3A_248, %swap3A_249] {strides = array<i32>} : memref<80x128xf32, #tpu.memory_space<vmem>>, vector<16xf32>,
      tpu.vector_store %arg10[%swap3A_248, %swap3A_249], %broadcast_in_dim3A_247 {strides = array<i32>} : memref<80x128xf32, #tpu.memory_space<vmem>>, vector<16xf32>,
      %scan3A_251 = arith.constant 0 : i32
      scf.yield %scan3A_251 : i32
    }
    %scan3A_6 = arith.constant 80 : i32
    %mul3A_7 = arith.constant 625 : i32
    %mul3A_8 = arith.muli %arg1, %mul3A_7 : i32
    %add3A_9 = arith.constant 0 : i32
    %add3A_10 = arith.addi %mul3A_8, %add3A_9 : i32
    "tpu.region"() ({
      %run_scoped3A = tpu.sem_alloc : memref<!tpu.dma_semaphore, #tpu.memory_space<semaphore_mem>>
      %dma_start3A_211 = arith.constant 0 : i32
      %dma_start3A_212 = tpu.memref_slice %arg13[%add3A_10, %dma_start3A_211] : memref<10000x128xf32, #tpu.memory_space<vmem_shared>> -> memref<80x128xf32, #tpu.memory_space<vmem_shared>>
      %dma_start3A_213 = arith.constant 0 : i32
      %dma_start3A_214 = tpu.memref_slice %arg13[%add3A_10, %dma_start3A_213] : memref<10000x128xf32, #tpu.memory_space<vmem_shared>> -> memref<80x128xf32, #tpu.memory_space<vmem_shared>>
      tpu.enqueue_dma source(%arg10 : memref<80x128xf32, #tpu.memory_space<vmem>>) target(%dma_start3A_214 : memref<80x128xf32, #tpu.memory_space<vmem_shared>>) target_semaphore(%run_scoped3A : memref<!tpu.dma_semaphore, #tpu.memory_space<semaphore_mem>>)
      %dma_wait3A_215 = arith.constant 0 : i32
      %dma_wait3A_216 = tpu.memref_slice %arg13[%add3A_10, %dma_wait3A_215] : memref<10000x128xf32, #tpu.memory_space<vmem_shared>> -> memref<80x128xf32, #tpu.memory_space<vmem_shared>>
      %dma_wait3A_217 = arith.constant 0 : i32
      %dma_wait3A_218 = tpu.memref_slice %arg13[%add3A_10, %dma_wait3A_217] : memref<10000x128xf32, #tpu.memory_space<vmem_shared>> -> memref<80x128xf32, #tpu.memory_space<vmem_shared>>
      tpu.wait_dma2 semaphore(%run_scoped3A : memref<!tpu.dma_semaphore, #tpu.memory_space<semaphore_mem>>) src(%arg10 : memref<80x128xf32, #tpu.memory_space<vmem>>) dst(%dma_wait3A_218 : memref<80x128xf32, #tpu.memory_space<vmem_shared>>)
      tpu.yield
    }) : () -> ()
    %add3A_11 = arith.constant 80 : i32
    %add3A_12 = arith.addi %mul3A_8, %add3A_11 : i32
    "tpu.region"() ({
      %run_scoped3A = tpu.sem_alloc : memref<!tpu.dma_semaphore, #tpu.memory_space<semaphore_mem>>
      %dma_start3A_211 = arith.constant 0 : i32
      %dma_start3A_212 = tpu.memref_slice %arg13[%add3A_12, %dma_start3A_211] : memref<10000x128xf32, #tpu.memory_space<vmem_shared>> -> memref<80x128xf32, #tpu.memory_space<vmem_shared>>
      %dma_start3A_213 = arith.constant 0 : i32
      %dma_start3A_214 = tpu.memref_slice %arg13[%add3A_12, %dma_start3A_213] : memref<10000x128xf32, #tpu.memory_space<vmem_shared>> -> memref<80x128xf32, #tpu.memory_space<vmem_shared>>
      tpu.enqueue_dma source(%arg10 : memref<80x128xf32, #tpu.memory_space<vmem>>) target(%dma_start3A_214 : memref<80x128xf32, #tpu.memory_space<vmem_shared>>) target_semaphore(%run_scoped3A : memref<!tpu.dma_semaphore, #tpu.memory_space<semaphore_mem>>)
      %dma_wait3A_215 = arith.constant 0 : i32
      %dma_wait3A_216 = tpu.memref_slice %arg13[%add3A_12, %dma_wait3A_215] : memref<10000x128xf32, #tpu.memory_space<vmem_shared>> -> memref<80x128xf32, #tpu.memory_space<vmem_shared>>
      %dma_wait3A_217 = arith.constant 0 : i32
      %dma_wait3A_218 = tpu.memref_slice %arg13[%add3A_12, %dma_wait3A_217] : memref<10000x128xf32, #tpu.memory_space<vmem_shared>> -> memref<80x128xf32, #tpu.memory_space<vmem_shared>>
      tpu.wait_dma2 semaphore(%run_scoped3A : memref<!tpu.dma_semaphore, #tpu.memory_space<semaphore_mem>>) src(%arg10 : memref<80x128xf32, #tpu.memory_space<vmem>>) dst(%dma_wait3A_218 : memref<80x128xf32, #tpu.memory_space<vmem_shared>>)
      tpu.yield
    }) : () -> ()
    %add3A_13 = arith.constant 160 : i32
    %add3A_14 = arith.addi %mul3A_8, %add3A_13 : i32
    "tpu.region"() ({
      %run_scoped3A = tpu.sem_alloc : memref<!tpu.dma_semaphore, #tpu.memory_space<semaphore_mem>>
      %dma_start3A_211 = arith.constant 0 : i32
      %dma_start3A_212 = tpu.memref_slice %arg13[%add3A_14, %dma_start3A_211] : memref<10000x128xf32, #tpu.memory_space<vmem_shared>> -> memref<80x128xf32, #tpu.memory_space<vmem_shared>>
      %dma_start3A_213 = arith.constant 0 : i32
      %dma_start3A_214 = tpu.memref_slice %arg13[%add3A_14, %dma_start3A_213] : memref<10000x128xf32, #tpu.memory_space<vmem_shared>> -> memref<80x128xf32, #tpu.memory_space<vmem_shared>>
      tpu.enqueue_dma source(%arg10 : memref<80x128xf32, #tpu.memory_space<vmem>>) target(%dma_start3A_214 : memref<80x128xf32, #tpu.memory_space<vmem_shared>>) target_semaphore(%run_scoped3A : memref<!tpu.dma_semaphore, #tpu.memory_space<semaphore_mem>>)
      %dma_wait3A_215 = arith.constant 0 : i32
      %dma_wait3A_216 = tpu.memref_slice %arg13[%add3A_14, %dma_wait3A_215] : memref<10000x128xf32, #tpu.memory_space<vmem_shared>> -> memref<80x128xf32, #tpu.memory_space<vmem_shared>>
      %dma_wait3A_217 = arith.constant 0 : i32
      %dma_wait3A_218 = tpu.memref_slice %arg13[%add3A_14, %dma_wait3A_217] : memref<10000x128xf32, #tpu.memory_space<vmem_shared>> -> memref<80x128xf32, #tpu.memory_space<vmem_shared>>
      tpu.wait_dma2 semaphore(%run_scoped3A : memref<!tpu.dma_semaphore, #tpu.memory_space<semaphore_mem>>) src(%arg10 : memref<80x128xf32, #tpu.memory_space<vmem>>) dst(%dma_wait3A_218 : memref<80x128xf32, #tpu.memory_space<vmem_shared>>)
      tpu.yield
    }) : () -> ()
    %add3A_15 = arith.constant 240 : i32
    %add3A_16 = arith.addi %mul3A_8, %add3A_15 : i32
    "tpu.region"() ({
      %run_scoped3A = tpu.sem_alloc : memref<!tpu.dma_semaphore, #tpu.memory_space<semaphore_mem>>
      %dma_start3A_211 = arith.constant 0 : i32
      %dma_start3A_212 = tpu.memref_slice %arg13[%add3A_16, %dma_start3A_211] : memref<10000x128xf32, #tpu.memory_space<vmem_shared>> -> memref<80x128xf32, #tpu.memory_space<vmem_shared>>
      %dma_start3A_213 = arith.constant 0 : i32
      %dma_start3A_214 = tpu.memref_slice %arg13[%add3A_16, %dma_start3A_213] : memref<10000x128xf32, #tpu.memory_space<vmem_shared>> -> memref<80x128xf32, #tpu.memory_space<vmem_shared>>
      tpu.enqueue_dma source(%arg10 : memref<80x128xf32, #tpu.memory_space<vmem>>) target(%dma_start3A_214 : memref<80x128xf32, #tpu.memory_space<vmem_shared>>) target_semaphore(%run_scoped3A : memref<!tpu.dma_semaphore, #tpu.memory_space<semaphore_mem>>)
      %dma_wait3A_215 = arith.constant 0 : i32
      %dma_wait3A_216 = tpu.memref_slice %arg13[%add3A_16, %dma_wait3A_215] : memref<10000x128xf32, #tpu.memory_space<vmem_shared>> -> memref<80x128xf32, #tpu.memory_space<vmem_shared>>
      %dma_wait3A_217 = arith.constant 0 : i32
      %dma_wait3A_218 = tpu.memref_slice %arg13[%add3A_16, %dma_wait3A_217] : memref<10000x128xf32, #tpu.memory_space<vmem_shared>> -> memref<80x128xf32, #tpu.memory_space<vmem_shared>>
      tpu.wait_dma2 semaphore(%run_scoped3A : memref<!tpu.dma_semaphore, #tpu.memory_space<semaphore_mem>>) src(%arg10 : memref<80x128xf32, #tpu.memory_space<vmem>>) dst(%dma_wait3A_218 : memref<80x128xf32, #tpu.memory_space<vmem_shared>>)
      tpu.yield
    }) : () -> ()
    %add3A_17 = arith.constant 320 : i32
    %add3A_18 = arith.addi %mul3A_8, %add3A_17 : i32
    "tpu.region"() ({
      %run_scoped3A = tpu.sem_alloc : memref<!tpu.dma_semaphore, #tpu.memory_space<semaphore_mem>>
      %dma_start3A_211 = arith.constant 0 : i32
      %dma_start3A_212 = tpu.memref_slice %arg13[%add3A_18, %dma_start3A_211] : memref<10000x128xf32, #tpu.memory_space<vmem_shared>> -> memref<80x128xf32, #tpu.memory_space<vmem_shared>>
      %dma_start3A_213 = arith.constant 0 : i32
      %dma_start3A_214 = tpu.memref_slice %arg13[%add3A_18, %dma_start3A_213] : memref<10000x128xf32, #tpu.memory_space<vmem_shared>> -> memref<80x128xf32, #tpu.memory_space<vmem_shared>>
      tpu.enqueue_dma source(%arg10 : memref<80x128xf32, #tpu.memory_space<vmem>>) target(%dma_start3A_214 : memref<80x128xf32, #tpu.memory_space<vmem_shared>>) target_semaphore(%run_scoped3A : memref<!tpu.dma_semaphore, #tpu.memory_space<semaphore_mem>>)
      %dma_wait3A_215 = arith.constant 0 : i32
      %dma_wait3A_216 = tpu.memref_slice %arg13[%add3A_18, %dma_wait3A_215] : memref<10000x128xf32, #tpu.memory_space<vmem_shared>> -> memref<80x128xf32, #tpu.memory_space<vmem_shared>>
      %dma_wait3A_217 = arith.constant 0 : i32
      %dma_wait3A_218 = tpu.memref_slice %arg13[%add3A_18, %dma_wait3A_217] : memref<10000x128xf32, #tpu.memory_space<vmem_shared>> -> memref<80x128xf32, #tpu.memory_space<vmem_shared>>
      tpu.wait_dma2 semaphore(%run_scoped3A : memref<!tpu.dma_semaphore, #tpu.memory_space<semaphore_mem>>) src(%arg10 : memref<80x128xf32, #tpu.memory_space<vmem>>) dst(%dma_wait3A_218 : memref<80x128xf32, #tpu.memory_space<vmem_shared>>)
      tpu.yield
    }) : () -> ()
    %add3A_19 = arith.constant 400 : i32
    %add3A_20 = arith.addi %mul3A_8, %add3A_19 : i32
    "tpu.region"() ({
      %run_scoped3A = tpu.sem_alloc : memref<!tpu.dma_semaphore, #tpu.memory_space<semaphore_mem>>
      %dma_start3A_211 = arith.constant 0 : i32
      %dma_start3A_212 = tpu.memref_slice %arg13[%add3A_20, %dma_start3A_211] : memref<10000x128xf32, #tpu.memory_space<vmem_shared>> -> memref<80x128xf32, #tpu.memory_space<vmem_shared>>
      %dma_start3A_213 = arith.constant 0 : i32
      %dma_start3A_214 = tpu.memref_slice %arg13[%add3A_20, %dma_start3A_213] : memref<10000x128xf32, #tpu.memory_space<vmem_shared>> -> memref<80x128xf32, #tpu.memory_space<vmem_shared>>
      tpu.enqueue_dma source(%arg10 : memref<80x128xf32, #tpu.memory_space<vmem>>) target(%dma_start3A_214 : memref<80x128xf32, #tpu.memory_space<vmem_shared>>) target_semaphore(%run_scoped3A : memref<!tpu.dma_semaphore, #tpu.memory_space<semaphore_mem>>)
      %dma_wait3A_215 = arith.constant 0 : i32
      %dma_wait3A_216 = tpu.memref_slice %arg13[%add3A_20, %dma_wait3A_215] : memref<10000x128xf32, #tpu.memory_space<vmem_shared>> -> memref<80x128xf32, #tpu.memory_space<vmem_shared>>
      %dma_wait3A_217 = arith.constant 0 : i32
      %dma_wait3A_218 = tpu.memref_slice %arg13[%add3A_20, %dma_wait3A_217] : memref<10000x128xf32, #tpu.memory_space<vmem_shared>> -> memref<80x128xf32, #tpu.memory_space<vmem_shared>>
      tpu.wait_dma2 semaphore(%run_scoped3A : memref<!tpu.dma_semaphore, #tpu.memory_space<semaphore_mem>>) src(%arg10 : memref<80x128xf32, #tpu.memory_space<vmem>>) dst(%dma_wait3A_218 : memref<80x128xf32, #tpu.memory_space<vmem_shared>>)
      tpu.yield
    }) : () -> ()
    %add3A_21 = arith.constant 480 : i32
    %add3A_22 = arith.addi %mul3A_8, %add3A_21 : i32
    "tpu.region"() ({
      %run_scoped3A = tpu.sem_alloc : memref<!tpu.dma_semaphore, #tpu.memory_space<semaphore_mem>>
      %dma_start3A_211 = arith.constant 0 : i32
      %dma_start3A_212 = tpu.memref_slice %arg13[%add3A_22, %dma_start3A_211] : memref<10000x128xf32, #tpu.memory_space<vmem_shared>> -> memref<80x128xf32, #tpu.memory_space<vmem_shared>>
      %dma_start3A_213 = arith.constant 0 : i32
      %dma_start3A_214 = tpu.memref_slice %arg13[%add3A_22, %dma_start3A_213] : memref<10000x128xf32, #tpu.memory_space<vmem_shared>> -> memref<80x128xf32, #tpu.memory_space<vmem_shared>>
      tpu.enqueue_dma source(%arg10 : memref<80x128xf32, #tpu.memory_space<vmem>>) target(%dma_start3A_214 : memref<80x128xf32, #tpu.memory_space<vmem_shared>>) target_semaphore(%run_scoped3A : memref<!tpu.dma_semaphore, #tpu.memory_space<semaphore_mem>>)
      %dma_wait3A_215 = arith.constant 0 : i32
      %dma_wait3A_216 = tpu.memref_slice %arg13[%add3A_22, %dma_wait3A_215] : memref<10000x128xf32, #tpu.memory_space<vmem_shared>> -> memref<80x128xf32, #tpu.memory_space<vmem_shared>>
      %dma_wait3A_217 = arith.constant 0 : i32
      %dma_wait3A_218 = tpu.memref_slice %arg13[%add3A_22, %dma_wait3A_217] : memref<10000x128xf32, #tpu.memory_space<vmem_shared>> -> memref<80x128xf32, #tpu.memory_space<vmem_shared>>
      tpu.wait_dma2 semaphore(%run_scoped3A : memref<!tpu.dma_semaphore, #tpu.memory_space<semaphore_mem>>) src(%arg10 : memref<80x128xf32, #tpu.memory_space<vmem>>) dst(%dma_wait3A_218 : memref<80x128xf32, #tpu.memory_space<vmem_shared>>)
      tpu.yield
    }) : () -> ()
    %add3A_23 = arith.constant 560 : i32
    %add3A_24 = arith.addi %mul3A_8, %add3A_23 : i32
    "tpu.region"() ({
      %run_scoped3A = tpu.sem_alloc : memref<!tpu.dma_semaphore, #tpu.memory_space<semaphore_mem>>
      %dma_start3A_211 = arith.constant 0 : i32
      %dma_start3A_212 = arith.constant 0 : i32
      %dma_start3A_213 = tpu.memref_slice %arg10[%dma_start3A_211, %dma_start3A_212] : memref<80x128xf32, #tpu.memory_space<vmem>> -> memref<65x128xf32, #tpu.memory_space<vmem>>
      %dma_start3A_214 = arith.constant 0 : i32
      %dma_start3A_215 = tpu.memref_slice %arg13[%add3A_24, %dma_start3A_214] : memref<10000x128xf32, #tpu.memory_space<vmem_shared>> -> memref<65x128xf32, #tpu.memory_space<vmem_shared>>
      %dma_start3A_216 = arith.constant 0 : i32
      %dma_start3A_217 = tpu.memref_slice %arg13[%add3A_24, %dma_start3A_216] : memref<10000x128xf32, #tpu.memory_space<vmem_shared>> -> memref<65x128xf32, #tpu.memory_space<vmem_shared>>
      %dma_start3A_218 = arith.constant 0 : i32
      %dma_start3A_219 = arith.constant 0 : i32
      %dma_start3A_220 = tpu.memref_slice %arg10[%dma_start3A_218, %dma_start3A_219] : memref<80x128xf32, #tpu.memory_space<vmem>> -> memref<65x128xf32, #tpu.memory_space<vmem>>
      tpu.enqueue_dma source(%dma_start3A_220 : memref<65x128xf32, #tpu.memory_space<vmem>>) target(%dma_start3A_217 : memref<65x128xf32, #tpu.memory_space<vmem_shared>>) target_semaphore(%run_scoped3A : memref<!tpu.dma_semaphore, #tpu.memory_space<semaphore_mem>>)
      %dma_wait3A_221 = arith.constant 0 : i32
      %dma_wait3A_222 = arith.constant 0 : i32
      %dma_wait3A_223 = tpu.memref_slice %arg10[%dma_wait3A_221, %dma_wait3A_222] : memref<80x128xf32, #tpu.memory_space<vmem>> -> memref<65x128xf32, #tpu.memory_space<vmem>>
      %dma_wait3A_224 = arith.constant 0 : i32
      %dma_wait3A_225 = tpu.memref_slice %arg13[%add3A_24, %dma_wait3A_224] : memref<10000x128xf32, #tpu.memory_space<vmem_shared>> -> memref<65x128xf32, #tpu.memory_space<vmem_shared>>
      %dma_wait3A_226 = arith.constant 0 : i32
      %dma_wait3A_227 = tpu.memref_slice %arg13[%add3A_24, %dma_wait3A_226] : memref<10000x128xf32, #tpu.memory_space<vmem_shared>> -> memref<65x128xf32, #tpu.memory_space<vmem_shared>>
      %dma_wait3A_228 = arith.constant 0 : i32
      %dma_wait3A_229 = arith.constant 0 : i32
      %dma_wait3A_230 = tpu.memref_slice %arg10[%dma_wait3A_228, %dma_wait3A_229] : memref<80x128xf32, #tpu.memory_space<vmem>> -> memref<65x128xf32, #tpu.memory_space<vmem>>
      tpu.wait_dma2 semaphore(%run_scoped3A : memref<!tpu.dma_semaphore, #tpu.memory_space<semaphore_mem>>) src(%dma_wait3A_230 : memref<65x128xf32, #tpu.memory_space<vmem>>) dst(%dma_wait3A_227 : memref<65x128xf32, #tpu.memory_space<vmem_shared>>)
      tpu.yield
    }) : () -> ()
    %barrier3A = arith.constant 0 : index
    tpu.barrier barrier_id(%barrier3A)
    %mul3A_25 = arith.constant 125 : i32
    %mul3A_26 = arith.muli %add3A, %mul3A_25 : i32
    %add3A_27 = arith.constant 0 : i32
    %add3A_28 = arith.addi %mul3A_26, %add3A_27 : i32
    %dma_start3A = arith.constant 0 : i32
    %dma_start3A_29 = tpu.memref_slice %arg4[%add3A_28, %dma_start3A] : memref<4000x80xi32, #tpu.memory_space<hbm>> -> memref<1x80xi32, #tpu.memory_space<hbm>>
    %dma_start3A_30 = tpu.memref_squeeze %dma_start3A_29 : memref<1x80xi32, #tpu.memory_space<hbm>> -> memref<80xi32, #tpu.memory_space<hbm>>
    %dma_start3A_31 = arith.constant 0 : i32
    %dma_start3A_32 = tpu.memref_slice %arg4[%add3A_28, %dma_start3A_31] : memref<4000x80xi32, #tpu.memory_space<hbm>> -> memref<1x80xi32, #tpu.memory_space<hbm>>
    %dma_start3A_33 = tpu.memref_squeeze %dma_start3A_32 : memref<1x80xi32, #tpu.memory_space<hbm>> -> memref<80xi32, #tpu.memory_space<hbm>>
    tpu.enqueue_dma source(%dma_start3A_33 : memref<80xi32, #tpu.memory_space<hbm>>) target(%arg7 : memref<80xi32, #tpu.memory_space<vmem>>) target_semaphore(%arg17 : memref<!tpu.dma_semaphore, #tpu.memory_space<semaphore_mem>>)
    %dma_start3A_34 = arith.constant 0 : i32
    %dma_start3A_35 = tpu.memref_slice %arg6[%dma_start3A_34] : memref<10000xi32, #tpu.memory_space<vmem>> -> memref<80xi32, #tpu.memory_space<vmem>>
    %dma_start3A_36 = arith.constant 0 : i32
    %dma_start3A_37 = arith.constant 0 : i32
    %dma_start3A_38 = tpu.memref_slice %arg2[%dma_start3A_36, %dma_start3A_37] : memref<10000x128xf32, #tpu.memory_space<hbm>> -> memref<10000x128xf32, #tpu.memory_space<hbm>>
    tpu.enqueue_indirect_dma source(%dma_start3A_38 : memref<10000x128xf32, #tpu.memory_space<hbm>>) target(%arg10 : memref<80x128xf32, #tpu.memory_space<vmem>>) offsets(%dma_start3A_35 : memref<80xi32, #tpu.memory_space<vmem>>) semaphore(%arg14 : memref<!tpu.dma_semaphore, #tpu.memory_space<semaphore_mem>>)
    %mul3A_39 = arith.constant 125 : i32
    %mul3A_40 = arith.muli %add3A, %mul3A_39 : i32
    %add3A_41 = arith.constant 1 : i32
    %add3A_42 = arith.addi %mul3A_40, %add3A_41 : i32
    %dma_start3A_43 = arith.constant 0 : i32
    %dma_start3A_44 = tpu.memref_slice %arg4[%add3A_42, %dma_start3A_43] : memref<4000x80xi32, #tpu.memory_space<hbm>> -> memref<1x80xi32, #tpu.memory_space<hbm>>
    %dma_start3A_45 = tpu.memref_squeeze %dma_start3A_44 : memref<1x80xi32, #tpu.memory_space<hbm>> -> memref<80xi32, #tpu.memory_space<hbm>>
    %dma_start3A_46 = arith.constant 0 : i32
    %dma_start3A_47 = tpu.memref_slice %arg4[%add3A_42, %dma_start3A_46] : memref<4000x80xi32, #tpu.memory_space<hbm>> -> memref<1x80xi32, #tpu.memory_space<hbm>>
    %dma_start3A_48 = tpu.memref_squeeze %dma_start3A_47 : memref<1x80xi32, #tpu.memory_space<hbm>> -> memref<80xi32, #tpu.memory_space<hbm>>
    tpu.enqueue_dma source(%dma_start3A_48 : memref<80xi32, #tpu.memory_space<hbm>>) target(%arg8 : memref<80xi32, #tpu.memory_space<vmem>>) target_semaphore(%arg18 : memref<!tpu.dma_semaphore, #tpu.memory_space<semaphore_mem>>)
    %dma_start3A_49 = arith.constant 80 : i32
    %dma_start3A_50 = tpu.memref_slice %arg6[%dma_start3A_49] : memref<10000xi32, #tpu.memory_space<vmem>> -> memref<80xi32, #tpu.memory_space<vmem>>
    %dma_start3A_51 = arith.constant 0 : i32
    %dma_start3A_52 = arith.constant 0 : i32
    %dma_start3A_53 = tpu.memref_slice %arg2[%dma_start3A_51, %dma_start3A_52] : memref<10000x128xf32, #tpu.memory_space<hbm>> -> memref<10000x128xf32, #tpu.memory_space<hbm>>
    tpu.enqueue_indirect_dma source(%dma_start3A_53 : memref<10000x128xf32, #tpu.memory_space<hbm>>) target(%arg11 : memref<80x128xf32, #tpu.memory_space<vmem>>) offsets(%dma_start3A_50 : memref<80xi32, #tpu.memory_space<vmem>>) semaphore(%arg15 : memref<!tpu.dma_semaphore, #tpu.memory_space<semaphore_mem>>)
    %dma_wait3A = arith.constant 0 : i32
    %dma_wait3A_54 = tpu.memref_slice %arg6[%dma_wait3A] : memref<10000xi32, #tpu.memory_space<vmem>> -> memref<80xi32, #tpu.memory_space<vmem>>
    %dma_wait3A_55 = arith.constant 0 : i32
    %dma_wait3A_56 = arith.constant 0 : i32
    %dma_wait3A_57 = tpu.memref_slice %arg2[%dma_wait3A_55, %dma_wait3A_56] : memref<10000x128xf32, #tpu.memory_space<hbm>> -> memref<10000x128xf32, #tpu.memory_space<hbm>>
    tpu.wait_indirect_dma semaphore(%arg14 : memref<!tpu.dma_semaphore, #tpu.memory_space<semaphore_mem>>) src(%dma_wait3A_57 : memref<10000x128xf32, #tpu.memory_space<hbm>>) dst(%arg10 : memref<80x128xf32, #tpu.memory_space<vmem>>)
    %mul3A_58 = arith.constant 125 : i32
    %mul3A_59 = arith.muli %add3A, %mul3A_58 : i32
    %add3A_60 = arith.constant 0 : i32
    %add3A_61 = arith.addi %mul3A_59, %add3A_60 : i32
    %dma_wait3A_62 = arith.constant 0 : i32
    %dma_wait3A_63 = tpu.memref_slice %arg4[%add3A_61, %dma_wait3A_62] : memref<4000x80xi32, #tpu.memory_space<hbm>> -> memref<1x80xi32, #tpu.memory_space<hbm>>
    %dma_wait3A_64 = tpu.memref_squeeze %dma_wait3A_63 : memref<1x80xi32, #tpu.memory_space<hbm>> -> memref<80xi32, #tpu.memory_space<hbm>>
    %dma_wait3A_65 = arith.constant 0 : i32
    %dma_wait3A_66 = tpu.memref_slice %arg4[%add3A_61, %dma_wait3A_65] : memref<4000x80xi32, #tpu.memory_space<hbm>> -> memref<1x80xi32, #tpu.memory_space<hbm>>
    %dma_wait3A_67 = tpu.memref_squeeze %dma_wait3A_66 : memref<1x80xi32, #tpu.memory_space<hbm>> -> memref<80xi32, #tpu.memory_space<hbm>>
    tpu.wait_dma2 semaphore(%arg17 : memref<!tpu.dma_semaphore, #tpu.memory_space<semaphore_mem>>) src(%dma_wait3A_67 : memref<80xi32, #tpu.memory_space<hbm>>) dst(%arg7 : memref<80xi32, #tpu.memory_space<vmem>>)
    %dma_start3A_68 = arith.constant 0 : i32
    %dma_start3A_69 = arith.constant 0 : i32
    %dma_start3A_70 = tpu.memref_slice %arg13[%dma_start3A_68, %dma_start3A_69] : memref<10000x128xf32, #tpu.memory_space<vmem_shared>> -> memref<10000x128xf32, #tpu.memory_space<vmem_shared>>
    tpu.enqueue_indirect_dma source(%arg10 : memref<80x128xf32, #tpu.memory_space<vmem>>) target(%dma_start3A_70 : memref<10000x128xf32, #tpu.memory_space<vmem_shared>>) offsets(%arg7 : memref<80xi32, #tpu.memory_space<vmem>>) semaphore(%arg20 : memref<!tpu.dma_semaphore, #tpu.memory_space<semaphore_mem>>) {add = true}
    %mul3A_71 = arith.constant 125 : i32
    %mul3A_72 = arith.muli %add3A, %mul3A_71 : i32
    %add3A_73 = arith.constant 2 : i32
    %add3A_74 = arith.addi %mul3A_72, %add3A_73 : i32
    %dma_start3A_75 = arith.constant 0 : i32
    %dma_start3A_76 = tpu.memref_slice %arg4[%add3A_74, %dma_start3A_75] : memref<4000x80xi32, #tpu.memory_space<hbm>> -> memref<1x80xi32, #tpu.memory_space<hbm>>
    %dma_start3A_77 = tpu.memref_squeeze %dma_start3A_76 : memref<1x80xi32, #tpu.memory_space<hbm>> -> memref<80xi32, #tpu.memory_space<hbm>>
    %dma_start3A_78 = arith.constant 0 : i32
    %dma_start3A_79 = tpu.memref_slice %arg4[%add3A_74, %dma_start3A_78] : memref<4000x80xi32, #tpu.memory_space<hbm>> -> memref<1x80xi32, #tpu.memory_space<hbm>>
    %dma_start3A_80 = tpu.memref_squeeze %dma_start3A_79 : memref<1x80xi32, #tpu.memory_space<hbm>> -> memref<80xi32, #tpu.memory_space<hbm>>
    tpu.enqueue_dma source(%dma_start3A_80 : memref<80xi32, #tpu.memory_space<hbm>>) target(%arg9 : memref<80xi32, #tpu.memory_space<vmem>>) target_semaphore(%arg19 : memref<!tpu.dma_semaphore, #tpu.memory_space<semaphore_mem>>)
    %dma_start3A_81 = arith.constant 160 : i32
    %dma_start3A_82 = tpu.memref_slice %arg6[%dma_start3A_81] : memref<10000xi32, #tpu.memory_space<vmem>> -> memref<80xi32, #tpu.memory_space<vmem>>
    %dma_start3A_83 = arith.constant 0 : i32
    %dma_start3A_84 = arith.constant 0 : i32
    %dma_start3A_85 = tpu.memref_slice %arg2[%dma_start3A_83, %dma_start3A_84] : memref<10000x128xf32, #tpu.memory_space<hbm>> -> memref<10000x128xf32, #tpu.memory_space<hbm>>
    tpu.enqueue_indirect_dma source(%dma_start3A_85 : memref<10000x128xf32, #tpu.memory_space<hbm>>) target(%arg12 : memref<80x128xf32, #tpu.memory_space<vmem>>) offsets(%dma_start3A_82 : memref<80xi32, #tpu.memory_space<vmem>>) semaphore(%arg16 : memref<!tpu.dma_semaphore, #tpu.memory_space<semaphore_mem>>)
    %dma_wait3A_86 = arith.constant 80 : i32
    %dma_wait3A_87 = tpu.memref_slice %arg6[%dma_wait3A_86] : memref<10000xi32, #tpu.memory_space<vmem>> -> memref<80xi32, #tpu.memory_space<vmem>>
    %dma_wait3A_88 = arith.constant 0 : i32
    %dma_wait3A_89 = arith.constant 0 : i32
    %dma_wait3A_90 = tpu.memref_slice %arg2[%dma_wait3A_88, %dma_wait3A_89] : memref<10000x128xf32, #tpu.memory_space<hbm>> -> memref<10000x128xf32, #tpu.memory_space<hbm>>
    tpu.wait_indirect_dma semaphore(%arg15 : memref<!tpu.dma_semaphore, #tpu.memory_space<semaphore_mem>>) src(%dma_wait3A_90 : memref<10000x128xf32, #tpu.memory_space<hbm>>) dst(%arg11 : memref<80x128xf32, #tpu.memory_space<vmem>>)
    %mul3A_91 = arith.constant 125 : i32
    %mul3A_92 = arith.muli %add3A, %mul3A_91 : i32
    %add3A_93 = arith.constant 1 : i32
    %add3A_94 = arith.addi %mul3A_92, %add3A_93 : i32
    %dma_wait3A_95 = arith.constant 0 : i32
    %dma_wait3A_96 = tpu.memref_slice %arg4[%add3A_94, %dma_wait3A_95] : memref<4000x80xi32, #tpu.memory_space<hbm>> -> memref<1x80xi32, #tpu.memory_space<hbm>>
    %dma_wait3A_97 = tpu.memref_squeeze %dma_wait3A_96 : memref<1x80xi32, #tpu.memory_space<hbm>> -> memref<80xi32, #tpu.memory_space<hbm>>
    %dma_wait3A_98 = arith.constant 0 : i32
    %dma_wait3A_99 = tpu.memref_slice %arg4[%add3A_94, %dma_wait3A_98] : memref<4000x80xi32, #tpu.memory_space<hbm>> -> memref<1x80xi32, #tpu.memory_space<hbm>>
    %dma_wait3A_100 = tpu.memref_squeeze %dma_wait3A_99 : memref<1x80xi32, #tpu.memory_space<hbm>> -> memref<80xi32, #tpu.memory_space<hbm>>
    tpu.wait_dma2 semaphore(%arg18 : memref<!tpu.dma_semaphore, #tpu.memory_space<semaphore_mem>>) src(%dma_wait3A_100 : memref<80xi32, #tpu.memory_space<hbm>>) dst(%arg8 : memref<80xi32, #tpu.memory_space<vmem>>)
    %dma_start3A_101 = arith.constant 0 : i32
    %dma_start3A_102 = arith.constant 0 : i32
    %dma_start3A_103 = tpu.memref_slice %arg13[%dma_start3A_101, %dma_start3A_102] : memref<10000x128xf32, #tpu.memory_space<vmem_shared>> -> memref<10000x128xf32, #tpu.memory_space<vmem_shared>>
    tpu.enqueue_indirect_dma source(%arg11 : memref<80x128xf32, #tpu.memory_space<vmem>>) target(%dma_start3A_103 : memref<10000x128xf32, #tpu.memory_space<vmem_shared>>) offsets(%arg8 : memref<80xi32, #tpu.memory_space<vmem>>) semaphore(%arg21 : memref<!tpu.dma_semaphore, #tpu.memory_space<semaphore_mem>>) {add = true}
    %dma_wait3A_104 = arith.constant 0 : i32
    %dma_wait3A_105 = arith.constant 0 : i32
    %dma_wait3A_106 = tpu.memref_slice %arg13[%dma_wait3A_104, %dma_wait3A_105] : memref<10000x128xf32, #tpu.memory_space<vmem_shared>> -> memref<10000x128xf32, #tpu.memory_space<vmem_shared>>
    tpu.wait_indirect_dma semaphore(%arg20 : memref<!tpu.dma_semaphore, #tpu.memory_space<semaphore_mem>>) src(%arg10 : memref<80x128xf32, #tpu.memory_space<vmem>>) dst(%dma_wait3A_106 : memref<10000x128xf32, #tpu.memory_space<vmem_shared>>)
    %mul3A_107 = arith.constant 125 : i32
    %mul3A_108 = arith.muli %add3A, %mul3A_107 : i32
    %add3A_109 = arith.constant 3 : i32
    %add3A_110 = arith.addi %mul3A_108, %add3A_109 : i32
    %dma_start3A_111 = arith.constant 0 : i32
    %dma_start3A_112 = tpu.memref_slice %arg4[%add3A_110, %dma_start3A_111] : memref<4000x80xi32, #tpu.memory_space<hbm>> -> memref<1x80xi32, #tpu.memory_space<hbm>>
    %dma_start3A_113 = tpu.memref_squeeze %dma_start3A_112 : memref<1x80xi32, #tpu.memory_space<hbm>> -> memref<80xi32, #tpu.memory_space<hbm>>
    %dma_start3A_114 = arith.constant 0 : i32
    %dma_start3A_115 = tpu.memref_slice %arg4[%add3A_110, %dma_start3A_114] : memref<4000x80xi32, #tpu.memory_space<hbm>> -> memref<1x80xi32, #tpu.memory_space<hbm>>
    %dma_start3A_116 = tpu.memref_squeeze %dma_start3A_115 : memref<1x80xi32, #tpu.memory_space<hbm>> -> memref<80xi32, #tpu.memory_space<hbm>>
    tpu.enqueue_dma source(%dma_start3A_116 : memref<80xi32, #tpu.memory_space<hbm>>) target(%arg7 : memref<80xi32, #tpu.memory_space<vmem>>) target_semaphore(%arg17 : memref<!tpu.dma_semaphore, #tpu.memory_space<semaphore_mem>>)
    %dma_start3A_117 = arith.constant 240 : i32
    %dma_start3A_118 = tpu.memref_slice %arg6[%dma_start3A_117] : memref<10000xi32, #tpu.memory_space<vmem>> -> memref<80xi32, #tpu.memory_space<vmem>>
    %dma_start3A_119 = arith.constant 0 : i32
    %dma_start3A_120 = arith.constant 0 : i32
    %dma_start3A_121 = tpu.memref_slice %arg2[%dma_start3A_119, %dma_start3A_120] : memref<10000x128xf32, #tpu.memory_space<hbm>> -> memref<10000x128xf32, #tpu.memory_space<hbm>>
    tpu.enqueue_indirect_dma source(%dma_start3A_121 : memref<10000x128xf32, #tpu.memory_space<hbm>>) target(%arg10 : memref<80x128xf32, #tpu.memory_space<vmem>>) offsets(%dma_start3A_118 : memref<80xi32, #tpu.memory_space<vmem>>) semaphore(%arg14 : memref<!tpu.dma_semaphore, #tpu.memory_space<semaphore_mem>>)
    %dma_wait3A_122 = arith.constant 160 : i32
    %dma_wait3A_123 = tpu.memref_slice %arg6[%dma_wait3A_122] : memref<10000xi32, #tpu.memory_space<vmem>> -> memref<80xi32, #tpu.memory_space<vmem>>
    %dma_wait3A_124 = arith.constant 0 : i32
    %dma_wait3A_125 = arith.constant 0 : i32
    %dma_wait3A_126 = tpu.memref_slice %arg2[%dma_wait3A_124, %dma_wait3A_125] : memref<10000x128xf32, #tpu.memory_space<hbm>> -> memref<10000x128xf32, #tpu.memory_space<hbm>>
    tpu.wait_indirect_dma semaphore(%arg16 : memref<!tpu.dma_semaphore, #tpu.memory_space<semaphore_mem>>) src(%dma_wait3A_126 : memref<10000x128xf32, #tpu.memory_space<hbm>>) dst(%arg12 : memref<80x128xf32, #tpu.memory_space<vmem>>)
    %mul3A_127 = arith.constant 125 : i32
    %mul3A_128 = arith.muli %add3A, %mul3A_127 : i32
    %add3A_129 = arith.constant 2 : i32
    %add3A_130 = arith.addi %mul3A_128, %add3A_129 : i32
    %dma_wait3A_131 = arith.constant 0 : i32
    %dma_wait3A_132 = tpu.memref_slice %arg4[%add3A_130, %dma_wait3A_131] : memref<4000x80xi32, #tpu.memory_space<hbm>> -> memref<1x80xi32, #tpu.memory_space<hbm>>
    %dma_wait3A_133 = tpu.memref_squeeze %dma_wait3A_132 : memref<1x80xi32, #tpu.memory_space<hbm>> -> memref<80xi32, #tpu.memory_space<hbm>>
    %dma_wait3A_134 = arith.constant 0 : i32
    %dma_wait3A_135 = tpu.memref_slice %arg4[%add3A_130, %dma_wait3A_134] : memref<4000x80xi32, #tpu.memory_space<hbm>> -> memref<1x80xi32, #tpu.memory_space<hbm>>
    %dma_wait3A_136 = tpu.memref_squeeze %dma_wait3A_135 : memref<1x80xi32, #tpu.memory_space<hbm>> -> memref<80xi32, #tpu.memory_space<hbm>>
    tpu.wait_dma2 semaphore(%arg19 : memref<!tpu.dma_semaphore, #tpu.memory_space<semaphore_mem>>) src(%dma_wait3A_136 : memref<80xi32, #tpu.memory_space<hbm>>) dst(%arg9 : memref<80xi32, #tpu.memory_space<vmem>>)
    %dma_start3A_137 = arith.constant 0 : i32
    %dma_start3A_138 = arith.constant 0 : i32
    %dma_start3A_139 = tpu.memref_slice %arg13[%dma_start3A_137, %dma_start3A_138] : memref<10000x128xf32, #tpu.memory_space<vmem_shared>> -> memref<10000x128xf32, #tpu.memory_space<vmem_shared>>
    tpu.enqueue_indirect_dma source(%arg12 : memref<80x128xf32, #tpu.memory_space<vmem>>) target(%dma_start3A_139 : memref<10000x128xf32, #tpu.memory_space<vmem_shared>>) offsets(%arg9 : memref<80xi32, #tpu.memory_space<vmem>>) semaphore(%arg22 : memref<!tpu.dma_semaphore, #tpu.memory_space<semaphore_mem>>) {add = true}
    %dma_wait3A_140 = arith.constant 0 : i32
    %dma_wait3A_141 = arith.constant 0 : i32
    %dma_wait3A_142 = tpu.memref_slice %arg13[%dma_wait3A_140, %dma_wait3A_141] : memref<10000x128xf32, #tpu.memory_space<vmem_shared>> -> memref<10000x128xf32, #tpu.memory_space<vmem_shared>>
    tpu.wait_indirect_dma semaphore(%arg21 : memref<!tpu.dma_semaphore, #tpu.memory_space<semaphore_mem>>) src(%arg11 : memref<80x128xf32, #tpu.memory_space<vmem>>) dst(%dma_wait3A_142 : memref<10000x128xf32, #tpu.memory_space<vmem_shared>>)
    %mul3A_143 = arith.constant 125 : i32
    %mul3A_144 = arith.muli %add3A, %mul3A_143 : i32
    %add3A_145 = arith.constant 4 : i32
    %add3A_146 = arith.addi %mul3A_144, %add3A_145 : i32
    %dma_start3A_147 = arith.constant 0 : i32
    %dma_start3A_148 = tpu.memref_slice %arg4[%add3A_146, %dma_start3A_147] : memref<4000x80xi32, #tpu.memory_space<hbm>> -> memref<1x80xi32, #tpu.memory_space<hbm>>
    %dma_start3A_149 = tpu.memref_squeeze %dma_start3A_148 : memref<1x80xi32, #tpu.memory_space<hbm>> -> memref<80xi32, #tpu.memory_space<hbm>>
    %dma_start3A_150 = arith.constant 0 : i32
    %dma_start3A_151 = tpu.memref_slice %arg4[%add3A_146, %dma_start3A_150] : memref<4000x80xi32, #tpu.memory_space<hbm>> -> memref<1x80xi32, #tpu.memory_space<hbm>>
    %dma_start3A_152 = tpu.memref_squeeze %dma_start3A_151 : memref<1x80xi32, #tpu.memory_space<hbm>> -> memref<80xi32, #tpu.memory_space<hbm>>
    tpu.enqueue_dma source(%dma_start3A_152 : memref<80xi32, #tpu.memory_space<hbm>>) target(%arg8 : memref<80xi32, #tpu.memory_space<vmem>>) target_semaphore(%arg18 : memref<!tpu.dma_semaphore, #tpu.memory_space<semaphore_mem>>)
    %dma_start3A_153 = arith.constant 320 : i32
    %dma_start3A_154 = tpu.memref_slice %arg6[%dma_start3A_153] : memref<10000xi32, #tpu.memory_space<vmem>> -> memref<80xi32, #tpu.memory_space<vmem>>
    %dma_start3A_155 = arith.constant 0 : i32
    %dma_start3A_156 = arith.constant 0 : i32
    %dma_start3A_157 = tpu.memref_slice %arg2[%dma_start3A_155, %dma_start3A_156] : memref<10000x128xf32, #tpu.memory_space<hbm>> -> memref<10000x128xf32, #tpu.memory_space<hbm>>
    tpu.enqueue_indirect_dma source(%dma_start3A_157 : memref<10000x128xf32, #tpu.memory_space<hbm>>) target(%arg11 : memref<80x128xf32, #tpu.memory_space<vmem>>) offsets(%dma_start3A_154 : memref<80xi32, #tpu.memory_space<vmem>>) semaphore(%arg15 : memref<!tpu.dma_semaphore, #tpu.memory_space<semaphore_mem>>)
    %dma_wait3A_158 = arith.constant 240 : i32
    %dma_wait3A_159 = tpu.memref_slice %arg6[%dma_wait3A_158] : memref<10000xi32, #tpu.memory_space<vmem>> -> memref<80xi32, #tpu.memory_space<vmem>>
    %dma_wait3A_160 = arith.constant 0 : i32
    %dma_wait3A_161 = arith.constant 0 : i32
    %dma_wait3A_162 = tpu.memref_slice %arg2[%dma_wait3A_160, %dma_wait3A_161] : memref<10000x128xf32, #tpu.memory_space<hbm>> -> memref<10000x128xf32, #tpu.memory_space<hbm>>
    tpu.wait_indirect_dma semaphore(%arg14 : memref<!tpu.dma_semaphore, #tpu.memory_space<semaphore_mem>>) src(%dma_wait3A_162 : memref<10000x128xf32, #tpu.memory_space<hbm>>) dst(%arg10 : memref<80x128xf32, #tpu.memory_space<vmem>>)
    %mul3A_163 = arith.constant 125 : i32
    %mul3A_164 = arith.muli %add3A, %mul3A_163 : i32
    %add3A_165 = arith.constant 3 : i32
    %add3A_166 = arith.addi %mul3A_164, %add3A_165 : i32
    %dma_wait3A_167 = arith.constant 0 : i32
    %dma_wait3A_168 = tpu.memref_slice %arg4[%add3A_166, %dma_wait3A_167] : memref<4000x80xi32, #tpu.memory_space<hbm>> -> memref<1x80xi32, #tpu.memory_space<hbm>>
    %dma_wait3A_169 = tpu.memref_squeeze %dma_wait3A_168 : memref<1x80xi32, #tpu.memory_space<hbm>> -> memref<80xi32, #tpu.memory_space<hbm>>
    %dma_wait3A_170 = arith.constant 0 : i32
    %dma_wait3A_171 = tpu.memref_slice %arg4[%add3A_166, %dma_wait3A_170] : memref<4000x80xi32, #tpu.memory_space<hbm>> -> memref<1x80xi32, #tpu.memory_space<hbm>>
    %dma_wait3A_172 = tpu.memref_squeeze %dma_wait3A_171 : memref<1x80xi32, #tpu.memory_space<hbm>> -> memref<80xi32, #tpu.memory_space<hbm>>
    tpu.wait_dma2 semaphore(%arg17 : memref<!tpu.dma_semaphore, #tpu.memory_space<semaphore_mem>>) src(%dma_wait3A_172 : memref<80xi32, #tpu.memory_space<hbm>>) dst(%arg7 : memref<80xi32, #tpu.memory_space<vmem>>)
    %dma_start3A_173 = arith.constant 0 : i32
    %dma_start3A_174 = arith.constant 0 : i32
    %dma_start3A_175 = tpu.memref_slice %arg13[%dma_start3A_173, %dma_start3A_174] : memref<10000x128xf32, #tpu.memory_space<vmem_shared>> -> memref<10000x128xf32, #tpu.memory_space<vmem_shared>>
    tpu.enqueue_indirect_dma source(%arg10 : memref<80x128xf32, #tpu.memory_space<vmem>>) target(%dma_start3A_175 : memref<10000x128xf32, #tpu.memory_space<vmem_shared>>) offsets(%arg7 : memref<80xi32, #tpu.memory_space<vmem>>) semaphore(%arg20 : memref<!tpu.dma_semaphore, #tpu.memory_space<semaphore_mem>>) {add = true}
    %scan3A_176 = arith.constant 0 : i32
    %scan3A_177 = arith.constant 0 : i32
    %scan3A_178 = arith.constant 40 : i32
    %scan3A_179 = arith.addi %scan3A_177, %scan3A_178 : i32
    %scan3A_180 = arith.constant 1 : i32
    %scan3A_181 = scf.for %scan3A_211 = %scan3A_177 to %scan3A_179 step %scan3A_180 iter_args(%scan3A_212 = %scan3A_176) -> (i32)  : i32 {
      %mul3A_213 = arith.constant 3 : i32
      %mul3A_214 = arith.muli %mul3A_213, %scan3A_211 : i32
      %add3A_215 = arith.constant 4 : i32
      %add3A_216 = arith.addi %add3A_215, %mul3A_214 : i32
      %dma_wait3A_217 = arith.constant 0 : i32
      %dma_wait3A_218 = arith.constant 0 : i32
      %dma_wait3A_219 = tpu.memref_slice %arg13[%dma_wait3A_217, %dma_wait3A_218] : memref<10000x128xf32, #tpu.memory_space<vmem_shared>> -> memref<10000x128xf32, #tpu.memory_space<vmem_shared>>
      tpu.wait_indirect_dma semaphore(%arg22 : memref<!tpu.dma_semaphore, #tpu.memory_space<semaphore_mem>>) src(%arg12 : memref<80x128xf32, #tpu.memory_space<vmem>>) dst(%dma_wait3A_219 : memref<10000x128xf32, #tpu.memory_space<vmem_shared>>)
      %add3A_220 = arith.constant 1 : i32
      %add3A_221 = arith.addi %add3A_216, %add3A_220 : i32
      %mul3A_222 = arith.constant 125 : i32
      %mul3A_223 = arith.muli %add3A, %mul3A_222 : i32
      %add3A_224 = arith.addi %mul3A_223, %add3A_221 : i32
      %dma_start3A_225 = arith.constant 0 : i32
      %dma_start3A_226 = tpu.memref_slice %arg4[%add3A_224, %dma_start3A_225] : memref<4000x80xi32, #tpu.memory_space<hbm>> -> memref<1x80xi32, #tpu.memory_space<hbm>>
      %dma_start3A_227 = tpu.memref_squeeze %dma_start3A_226 : memref<1x80xi32, #tpu.memory_space<hbm>> -> memref<80xi32, #tpu.memory_space<hbm>>
      %dma_start3A_228 = arith.constant 0 : i32
      %dma_start3A_229 = tpu.memref_slice %arg4[%add3A_224, %dma_start3A_228] : memref<4000x80xi32, #tpu.memory_space<hbm>> -> memref<1x80xi32, #tpu.memory_space<hbm>>
      %dma_start3A_230 = tpu.memref_squeeze %dma_start3A_229 : memref<1x80xi32, #tpu.memory_space<hbm>> -> memref<80xi32, #tpu.memory_space<hbm>>
      tpu.enqueue_dma source(%dma_start3A_230 : memref<80xi32, #tpu.memory_space<hbm>>) target(%arg9 : memref<80xi32, #tpu.memory_space<vmem>>) target_semaphore(%arg19 : memref<!tpu.dma_semaphore, #tpu.memory_space<semaphore_mem>>)
      %mul3A_231 = arith.constant 80 : i32
      %mul3A_232 = arith.muli %add3A_221, %mul3A_231 : i32
      %dma_start3A_233 = tpu.memref_slice %arg6[%mul3A_232] : memref<10000xi32, #tpu.memory_space<vmem>> -> memref<80xi32, #tpu.memory_space<vmem>>
      %dma_start3A_234 = arith.constant 0 : i32
      %dma_start3A_235 = arith.constant 0 : i32
      %dma_start3A_236 = tpu.memref_slice %arg2[%dma_start3A_234, %dma_start3A_235] : memref<10000x128xf32, #tpu.memory_space<hbm>> -> memref<10000x128xf32, #tpu.memory_space<hbm>>
      tpu.enqueue_indirect_dma source(%dma_start3A_236 : memref<10000x128xf32, #tpu.memory_space<hbm>>) target(%arg12 : memref<80x128xf32, #tpu.memory_space<vmem>>) offsets(%dma_start3A_233 : memref<80xi32, #tpu.memory_space<vmem>>) semaphore(%arg16 : memref<!tpu.dma_semaphore, #tpu.memory_space<semaphore_mem>>)
      %mul3A_237 = arith.constant 80 : i32
      %mul3A_238 = arith.muli %add3A_216, %mul3A_237 : i32
      %dma_wait3A_239 = tpu.memref_slice %arg6[%mul3A_238] : memref<10000xi32, #tpu.memory_space<vmem>> -> memref<80xi32, #tpu.memory_space<vmem>>
      %dma_wait3A_240 = arith.constant 0 : i32
      %dma_wait3A_241 = arith.constant 0 : i32
      %dma_wait3A_242 = tpu.memref_slice %arg2[%dma_wait3A_240, %dma_wait3A_241] : memref<10000x128xf32, #tpu.memory_space<hbm>> -> memref<10000x128xf32, #tpu.memory_space<hbm>>
      tpu.wait_indirect_dma semaphore(%arg15 : memref<!tpu.dma_semaphore, #tpu.memory_space<semaphore_mem>>) src(%dma_wait3A_242 : memref<10000x128xf32, #tpu.memory_space<hbm>>) dst(%arg11 : memref<80x128xf32, #tpu.memory_space<vmem>>)
      %mul3A_243 = arith.constant 125 : i32
      %mul3A_244 = arith.muli %add3A, %mul3A_243 : i32
      %add3A_245 = arith.addi %mul3A_244, %add3A_216 : i32
      %dma_wait3A_246 = arith.constant 0 : i32
      %dma_wait3A_247 = tpu.memref_slice %arg4[%add3A_245, %dma_wait3A_246] : memref<4000x80xi32, #tpu.memory_space<hbm>> -> memref<1x80xi32, #tpu.memory_space<hbm>>
      %dma_wait3A_248 = tpu.memref_squeeze %dma_wait3A_247 : memref<1x80xi32, #tpu.memory_space<hbm>> -> memref<80xi32, #tpu.memory_space<hbm>>
      %dma_wait3A_249 = arith.constant 0 : i32
      %dma_wait3A_250 = tpu.memref_slice %arg4[%add3A_245, %dma_wait3A_249] : memref<4000x80xi32, #tpu.memory_space<hbm>> -> memref<1x80xi32, #tpu.memory_space<hbm>>
      %dma_wait3A_251 = tpu.memref_squeeze %dma_wait3A_250 : memref<1x80xi32, #tpu.memory_space<hbm>> -> memref<80xi32, #tpu.memory_space<hbm>>
      tpu.wait_dma2 semaphore(%arg18 : memref<!tpu.dma_semaphore, #tpu.memory_space<semaphore_mem>>) src(%dma_wait3A_251 : memref<80xi32, #tpu.memory_space<hbm>>) dst(%arg8 : memref<80xi32, #tpu.memory_space<vmem>>)
      %dma_start3A_252 = arith.constant 0 : i32
      %dma_start3A_253 = arith.constant 0 : i32
      %dma_start3A_254 = tpu.memref_slice %arg13[%dma_start3A_252, %dma_start3A_253] : memref<10000x128xf32, #tpu.memory_space<vmem_shared>> -> memref<10000x128xf32, #tpu.memory_space<vmem_shared>>
      tpu.enqueue_indirect_dma source(%arg11 : memref<80x128xf32, #tpu.memory_space<vmem>>) target(%dma_start3A_254 : memref<10000x128xf32, #tpu.memory_space<vmem_shared>>) offsets(%arg8 : memref<80xi32, #tpu.memory_space<vmem>>) semaphore(%arg21 : memref<!tpu.dma_semaphore, #tpu.memory_space<semaphore_mem>>) {add = true}
      %dma_wait3A_255 = arith.constant 0 : i32
      %dma_wait3A_256 = arith.constant 0 : i32
      %dma_wait3A_257 = tpu.memref_slice %arg13[%dma_wait3A_255, %dma_wait3A_256] : memref<10000x128xf32, #tpu.memory_space<vmem_shared>> -> memref<10000x128xf32, #tpu.memory_space<vmem_shared>>
      tpu.wait_indirect_dma semaphore(%arg20 : memref<!tpu.dma_semaphore, #tpu.memory_space<semaphore_mem>>) src(%arg10 : memref<80x128xf32, #tpu.memory_space<vmem>>) dst(%dma_wait3A_257 : memref<10000x128xf32, #tpu.memory_space<vmem_shared>>)
      %add3A_258 = arith.constant 2 : i32
      %add3A_259 = arith.addi %add3A_216, %add3A_258 : i32
      %mul3A_260 = arith.constant 125 : i32
      %mul3A_261 = arith.muli %add3A, %mul3A_260 : i32
      %add3A_262 = arith.addi %mul3A_261, %add3A_259 : i32
      %dma_start3A_263 = arith.constant 0 : i32
      %dma_start3A_264 = tpu.memref_slice %arg4[%add3A_262, %dma_start3A_263] : memref<4000x80xi32, #tpu.memory_space<hbm>> -> memref<1x80xi32, #tpu.memory_space<hbm>>
      %dma_start3A_265 = tpu.memref_squeeze %dma_start3A_264 : memref<1x80xi32, #tpu.memory_space<hbm>> -> memref<80xi32, #tpu.memory_space<hbm>>
      %dma_start3A_266 = arith.constant 0 : i32
      %dma_start3A_267 = tpu.memref_slice %arg4[%add3A_262, %dma_start3A_266] : memref<4000x80xi32, #tpu.memory_space<hbm>> -> memref<1x80xi32, #tpu.memory_space<hbm>>
      %dma_start3A_268 = tpu.memref_squeeze %dma_start3A_267 : memref<1x80xi32, #tpu.memory_space<hbm>> -> memref<80xi32, #tpu.memory_space<hbm>>
      tpu.enqueue_dma source(%dma_start3A_268 : memref<80xi32, #tpu.memory_space<hbm>>) target(%arg7 : memref<80xi32, #tpu.memory_space<vmem>>) target_semaphore(%arg17 : memref<!tpu.dma_semaphore, #tpu.memory_space<semaphore_mem>>)
      %mul3A_269 = arith.constant 80 : i32
      %mul3A_270 = arith.muli %add3A_259, %mul3A_269 : i32
      %dma_start3A_271 = tpu.memref_slice %arg6[%mul3A_270] : memref<10000xi32, #tpu.memory_space<vmem>> -> memref<80xi32, #tpu.memory_space<vmem>>
      %dma_start3A_272 = arith.constant 0 : i32
      %dma_start3A_273 = arith.constant 0 : i32
      %dma_start3A_274 = tpu.memref_slice %arg2[%dma_start3A_272, %dma_start3A_273] : memref<10000x128xf32, #tpu.memory_space<hbm>> -> memref<10000x128xf32, #tpu.memory_space<hbm>>
      tpu.enqueue_indirect_dma source(%dma_start3A_274 : memref<10000x128xf32, #tpu.memory_space<hbm>>) target(%arg10 : memref<80x128xf32, #tpu.memory_space<vmem>>) offsets(%dma_start3A_271 : memref<80xi32, #tpu.memory_space<vmem>>) semaphore(%arg14 : memref<!tpu.dma_semaphore, #tpu.memory_space<semaphore_mem>>)
      %add3A_275 = arith.constant 1 : i32
      %add3A_276 = arith.addi %add3A_216, %add3A_275 : i32
      %mul3A_277 = arith.constant 80 : i32
      %mul3A_278 = arith.muli %add3A_276, %mul3A_277 : i32
      %dma_wait3A_279 = tpu.memref_slice %arg6[%mul3A_278] : memref<10000xi32, #tpu.memory_space<vmem>> -> memref<80xi32, #tpu.memory_space<vmem>>
      %dma_wait3A_280 = arith.constant 0 : i32
      %dma_wait3A_281 = arith.constant 0 : i32
      %dma_wait3A_282 = tpu.memref_slice %arg2[%dma_wait3A_280, %dma_wait3A_281] : memref<10000x128xf32, #tpu.memory_space<hbm>> -> memref<10000x128xf32, #tpu.memory_space<hbm>>
      tpu.wait_indirect_dma semaphore(%arg16 : memref<!tpu.dma_semaphore, #tpu.memory_space<semaphore_mem>>) src(%dma_wait3A_282 : memref<10000x128xf32, #tpu.memory_space<hbm>>) dst(%arg12 : memref<80x128xf32, #tpu.memory_space<vmem>>)
      %mul3A_283 = arith.constant 125 : i32
      %mul3A_284 = arith.muli %add3A, %mul3A_283 : i32
      %add3A_285 = arith.addi %mul3A_284, %add3A_276 : i32
      %dma_wait3A_286 = arith.constant 0 : i32
      %dma_wait3A_287 = tpu.memref_slice %arg4[%add3A_285, %dma_wait3A_286] : memref<4000x80xi32, #tpu.memory_space<hbm>> -> memref<1x80xi32, #tpu.memory_space<hbm>>
      %dma_wait3A_288 = tpu.memref_squeeze %dma_wait3A_287 : memref<1x80xi32, #tpu.memory_space<hbm>> -> memref<80xi32, #tpu.memory_space<hbm>>
      %dma_wait3A_289 = arith.constant 0 : i32
      %dma_wait3A_290 = tpu.memref_slice %arg4[%add3A_285, %dma_wait3A_289] : memref<4000x80xi32, #tpu.memory_space<hbm>> -> memref<1x80xi32, #tpu.memory_space<hbm>>
      %dma_wait3A_291 = tpu.memref_squeeze %dma_wait3A_290 : memref<1x80xi32, #tpu.memory_space<hbm>> -> memref<80xi32, #tpu.memory_space<hbm>>
      tpu.wait_dma2 semaphore(%arg19 : memref<!tpu.dma_semaphore, #tpu.memory_space<semaphore_mem>>) src(%dma_wait3A_291 : memref<80xi32, #tpu.memory_space<hbm>>) dst(%arg9 : memref<80xi32, #tpu.memory_space<vmem>>)
      %dma_start3A_292 = arith.constant 0 : i32
      %dma_start3A_293 = arith.constant 0 : i32
      %dma_start3A_294 = tpu.memref_slice %arg13[%dma_start3A_292, %dma_start3A_293] : memref<10000x128xf32, #tpu.memory_space<vmem_shared>> -> memref<10000x128xf32, #tpu.memory_space<vmem_shared>>
      tpu.enqueue_indirect_dma source(%arg12 : memref<80x128xf32, #tpu.memory_space<vmem>>) target(%dma_start3A_294 : memref<10000x128xf32, #tpu.memory_space<vmem_shared>>) offsets(%arg9 : memref<80xi32, #tpu.memory_space<vmem>>) semaphore(%arg22 : memref<!tpu.dma_semaphore, #tpu.memory_space<semaphore_mem>>) {add = true}
      %dma_wait3A_295 = arith.constant 0 : i32
      %dma_wait3A_296 = arith.constant 0 : i32
      %dma_wait3A_297 = tpu.memref_slice %arg13[%dma_wait3A_295, %dma_wait3A_296] : memref<10000x128xf32, #tpu.memory_space<vmem_shared>> -> memref<10000x128xf32, #tpu.memory_space<vmem_shared>>
      tpu.wait_indirect_dma semaphore(%arg21 : memref<!tpu.dma_semaphore, #tpu.memory_space<semaphore_mem>>) src(%arg11 : memref<80x128xf32, #tpu.memory_space<vmem>>) dst(%dma_wait3A_297 : memref<10000x128xf32, #tpu.memory_space<vmem_shared>>)
      %add3A_298 = arith.constant 3 : i32
      %add3A_299 = arith.addi %add3A_216, %add3A_298 : i32
      %mul3A_300 = arith.constant 125 : i32
      %mul3A_301 = arith.muli %add3A, %mul3A_300 : i32
      %add3A_302 = arith.addi %mul3A_301, %add3A_299 : i32
      %dma_start3A_303 = arith.constant 0 : i32
      %dma_start3A_304 = tpu.memref_slice %arg4[%add3A_302, %dma_start3A_303] : memref<4000x80xi32, #tpu.memory_space<hbm>> -> memref<1x80xi32, #tpu.memory_space<hbm>>
      %dma_start3A_305 = tpu.memref_squeeze %dma_start3A_304 : memref<1x80xi32, #tpu.memory_space<hbm>> -> memref<80xi32, #tpu.memory_space<hbm>>
      %dma_start3A_306 = arith.constant 0 : i32
      %dma_start3A_307 = tpu.memref_slice %arg4[%add3A_302, %dma_start3A_306] : memref<4000x80xi32, #tpu.memory_space<hbm>> -> memref<1x80xi32, #tpu.memory_space<hbm>>
      %dma_start3A_308 = tpu.memref_squeeze %dma_start3A_307 : memref<1x80xi32, #tpu.memory_space<hbm>> -> memref<80xi32, #tpu.memory_space<hbm>>
      tpu.enqueue_dma source(%dma_start3A_308 : memref<80xi32, #tpu.memory_space<hbm>>) target(%arg8 : memref<80xi32, #tpu.memory_space<vmem>>) target_semaphore(%arg18 : memref<!tpu.dma_semaphore, #tpu.memory_space<semaphore_mem>>)
      %mul3A_309 = arith.constant 80 : i32
      %mul3A_310 = arith.muli %add3A_299, %mul3A_309 : i32
      %dma_start3A_311 = tpu.memref_slice %arg6[%mul3A_310] : memref<10000xi32, #tpu.memory_space<vmem>> -> memref<80xi32, #tpu.memory_space<vmem>>
      %dma_start3A_312 = arith.constant 0 : i32
      %dma_start3A_313 = arith.constant 0 : i32
      %dma_start3A_314 = tpu.memref_slice %arg2[%dma_start3A_312, %dma_start3A_313] : memref<10000x128xf32, #tpu.memory_space<hbm>> -> memref<10000x128xf32, #tpu.memory_space<hbm>>
      tpu.enqueue_indirect_dma source(%dma_start3A_314 : memref<10000x128xf32, #tpu.memory_space<hbm>>) target(%arg11 : memref<80x128xf32, #tpu.memory_space<vmem>>) offsets(%dma_start3A_311 : memref<80xi32, #tpu.memory_space<vmem>>) semaphore(%arg15 : memref<!tpu.dma_semaphore, #tpu.memory_space<semaphore_mem>>)
      %add3A_315 = arith.constant 2 : i32
      %add3A_316 = arith.addi %add3A_216, %add3A_315 : i32
      %mul3A_317 = arith.constant 80 : i32
      %mul3A_318 = arith.muli %add3A_316, %mul3A_317 : i32
      %dma_wait3A_319 = tpu.memref_slice %arg6[%mul3A_318] : memref<10000xi32, #tpu.memory_space<vmem>> -> memref<80xi32, #tpu.memory_space<vmem>>
      %dma_wait3A_320 = arith.constant 0 : i32
      %dma_wait3A_321 = arith.constant 0 : i32
      %dma_wait3A_322 = tpu.memref_slice %arg2[%dma_wait3A_320, %dma_wait3A_321] : memref<10000x128xf32, #tpu.memory_space<hbm>> -> memref<10000x128xf32, #tpu.memory_space<hbm>>
      tpu.wait_indirect_dma semaphore(%arg14 : memref<!tpu.dma_semaphore, #tpu.memory_space<semaphore_mem>>) src(%dma_wait3A_322 : memref<10000x128xf32, #tpu.memory_space<hbm>>) dst(%arg10 : memref<80x128xf32, #tpu.memory_space<vmem>>)
      %mul3A_323 = arith.constant 125 : i32
      %mul3A_324 = arith.muli %add3A, %mul3A_323 : i32
      %add3A_325 = arith.addi %mul3A_324, %add3A_316 : i32
      %dma_wait3A_326 = arith.constant 0 : i32
      %dma_wait3A_327 = tpu.memref_slice %arg4[%add3A_325, %dma_wait3A_326] : memref<4000x80xi32, #tpu.memory_space<hbm>> -> memref<1x80xi32, #tpu.memory_space<hbm>>
      %dma_wait3A_328 = tpu.memref_squeeze %dma_wait3A_327 : memref<1x80xi32, #tpu.memory_space<hbm>> -> memref<80xi32, #tpu.memory_space<hbm>>
      %dma_wait3A_329 = arith.constant 0 : i32
      %dma_wait3A_330 = tpu.memref_slice %arg4[%add3A_325, %dma_wait3A_329] : memref<4000x80xi32, #tpu.memory_space<hbm>> -> memref<1x80xi32, #tpu.memory_space<hbm>>
      %dma_wait3A_331 = tpu.memref_squeeze %dma_wait3A_330 : memref<1x80xi32, #tpu.memory_space<hbm>> -> memref<80xi32, #tpu.memory_space<hbm>>
      tpu.wait_dma2 semaphore(%arg17 : memref<!tpu.dma_semaphore, #tpu.memory_space<semaphore_mem>>) src(%dma_wait3A_331 : memref<80xi32, #tpu.memory_space<hbm>>) dst(%arg7 : memref<80xi32, #tpu.memory_space<vmem>>)
      %dma_start3A_332 = arith.constant 0 : i32
      %dma_start3A_333 = arith.constant 0 : i32
      %dma_start3A_334 = tpu.memref_slice %arg13[%dma_start3A_332, %dma_start3A_333] : memref<10000x128xf32, #tpu.memory_space<vmem_shared>> -> memref<10000x128xf32, #tpu.memory_space<vmem_shared>>
      tpu.enqueue_indirect_dma source(%arg10 : memref<80x128xf32, #tpu.memory_space<vmem>>) target(%dma_start3A_334 : memref<10000x128xf32, #tpu.memory_space<vmem_shared>>) offsets(%arg7 : memref<80xi32, #tpu.memory_space<vmem>>) semaphore(%arg20 : memref<!tpu.dma_semaphore, #tpu.memory_space<semaphore_mem>>) {add = true}
      %scan3A_335 = arith.constant 0 : i32
      scf.yield %scan3A_335 : i32
    }
    %scan3A_182 = arith.constant 40 : i32
    %dma_wait3A_183 = arith.constant 0 : i32
    %dma_wait3A_184 = arith.constant 0 : i32
    %dma_wait3A_185 = tpu.memref_slice %arg13[%dma_wait3A_183, %dma_wait3A_184] : memref<10000x128xf32, #tpu.memory_space<vmem_shared>> -> memref<10000x128xf32, #tpu.memory_space<vmem_shared>>
    tpu.wait_indirect_dma semaphore(%arg22 : memref<!tpu.dma_semaphore, #tpu.memory_space<semaphore_mem>>) src(%arg12 : memref<80x128xf32, #tpu.memory_space<vmem>>) dst(%dma_wait3A_185 : memref<10000x128xf32, #tpu.memory_space<vmem_shared>>)
    %dma_wait3A_186 = arith.constant 9920 : i32
    %dma_wait3A_187 = tpu.memref_slice %arg6[%dma_wait3A_186] : memref<10000xi32, #tpu.memory_space<vmem>> -> memref<80xi32, #tpu.memory_space<vmem>>
    %dma_wait3A_188 = arith.constant 0 : i32
    %dma_wait3A_189 = arith.constant 0 : i32
    %dma_wait3A_190 = tpu.memref_slice %arg2[%dma_wait3A_188, %dma_wait3A_189] : memref<10000x128xf32, #tpu.memory_space<hbm>> -> memref<10000x128xf32, #tpu.memory_space<hbm>>
    tpu.wait_indirect_dma semaphore(%arg15 : memref<!tpu.dma_semaphore, #tpu.memory_space<semaphore_mem>>) src(%dma_wait3A_190 : memref<10000x128xf32, #tpu.memory_space<hbm>>) dst(%arg11 : memref<80x128xf32, #tpu.memory_space<vmem>>)
    %mul3A_191 = arith.constant 125 : i32
    %mul3A_192 = arith.muli %add3A, %mul3A_191 : i32
    %add3A_193 = arith.constant 124 : i32
    %add3A_194 = arith.addi %mul3A_192, %add3A_193 : i32
    %dma_wait3A_195 = arith.constant 0 : i32
    %dma_wait3A_196 = tpu.memref_slice %arg4[%add3A_194, %dma_wait3A_195] : memref<4000x80xi32, #tpu.memory_space<hbm>> -> memref<1x80xi32, #tpu.memory_space<hbm>>
    %dma_wait3A_197 = tpu.memref_squeeze %dma_wait3A_196 : memref<1x80xi32, #tpu.memory_space<hbm>> -> memref<80xi32, #tpu.memory_space<hbm>>
    %dma_wait3A_198 = arith.constant 0 : i32
    %dma_wait3A_199 = tpu.memref_slice %arg4[%add3A_194, %dma_wait3A_198] : memref<4000x80xi32, #tpu.memory_space<hbm>> -> memref<1x80xi32, #tpu.memory_space<hbm>>
    %dma_wait3A_200 = tpu.memref_squeeze %dma_wait3A_199 : memref<1x80xi32, #tpu.memory_space<hbm>> -> memref<80xi32, #tpu.memory_space<hbm>>
    tpu.wait_dma2 semaphore(%arg18 : memref<!tpu.dma_semaphore, #tpu.memory_space<semaphore_mem>>) src(%dma_wait3A_200 : memref<80xi32, #tpu.memory_space<hbm>>) dst(%arg8 : memref<80xi32, #tpu.memory_space<vmem>>)
    %dma_start3A_201 = arith.constant 0 : i32
    %dma_start3A_202 = arith.constant 0 : i32
    %dma_start3A_203 = tpu.memref_slice %arg13[%dma_start3A_201, %dma_start3A_202] : memref<10000x128xf32, #tpu.memory_space<vmem_shared>> -> memref<10000x128xf32, #tpu.memory_space<vmem_shared>>
    tpu.enqueue_indirect_dma source(%arg11 : memref<80x128xf32, #tpu.memory_space<vmem>>) target(%dma_start3A_203 : memref<10000x128xf32, #tpu.memory_space<vmem_shared>>) offsets(%arg8 : memref<80xi32, #tpu.memory_space<vmem>>) semaphore(%arg21 : memref<!tpu.dma_semaphore, #tpu.memory_space<semaphore_mem>>) {add = true}
    %dma_wait3A_204 = arith.constant 0 : i32
    %dma_wait3A_205 = arith.constant 0 : i32
    %dma_wait3A_206 = tpu.memref_slice %arg13[%dma_wait3A_204, %dma_wait3A_205] : memref<10000x128xf32, #tpu.memory_space<vmem_shared>> -> memref<10000x128xf32, #tpu.memory_space<vmem_shared>>
    tpu.wait_indirect_dma semaphore(%arg20 : memref<!tpu.dma_semaphore, #tpu.memory_space<semaphore_mem>>) src(%arg10 : memref<80x128xf32, #tpu.memory_space<vmem>>) dst(%dma_wait3A_206 : memref<10000x128xf32, #tpu.memory_space<vmem_shared>>)
    %dma_wait3A_207 = arith.constant 0 : i32
    %dma_wait3A_208 = arith.constant 0 : i32
    %dma_wait3A_209 = tpu.memref_slice %arg13[%dma_wait3A_207, %dma_wait3A_208] : memref<10000x128xf32, #tpu.memory_space<vmem_shared>> -> memref<10000x128xf32, #tpu.memory_space<vmem_shared>>
    tpu.wait_indirect_dma semaphore(%arg21 : memref<!tpu.dma_semaphore, #tpu.memory_space<semaphore_mem>>) src(%arg11 : memref<80x128xf32, #tpu.memory_space<vmem>>) dst(%dma_wait3A_209 : memref<10000x128xf32, #tpu.memory_space<vmem_shared>>)
    %barrier3A_210 = arith.constant 0 : index
    tpu.barrier barrier_id(%barrier3A_210)
    "tpu.region"() ({
      %run_scoped3A = tpu.sem_alloc : memref<!tpu.dma_semaphore, #tpu.memory_space<semaphore_mem>>
      %dma_start3A_211 = arith.constant 0 : i32
      %dma_start3A_212 = arith.constant 0 : i32
      %dma_start3A_213 = tpu.memref_slice %arg5[%arg0, %arg1, %dma_start3A_211, %dma_start3A_212] : memref<2x16x625x128xf32, #tpu.memory_space<hbm>> -> memref<1x1x625x128xf32, #tpu.memory_space<hbm>>
      %dma_start3A_214 = tpu.memref_squeeze %dma_start3A_213 : memref<1x1x625x128xf32, #tpu.memory_space<hbm>> -> memref<625x128xf32, #tpu.memory_space<hbm>>
      %dma_start3A_215 = arith.constant 0 : i32
      %dma_start3A_216 = tpu.memref_slice %arg13[%mul3A_8, %dma_start3A_215] : memref<10000x128xf32, #tpu.memory_space<vmem_shared>> -> memref<625x128xf32, #tpu.memory_space<vmem_shared>>
      tpu.enqueue_dma source(%dma_start3A_216 : memref<625x128xf32, #tpu.memory_space<vmem_shared>>) target(%dma_start3A_214 : memref<625x128xf32, #tpu.memory_space<hbm>>) target_semaphore(%run_scoped3A : memref<!tpu.dma_semaphore, #tpu.memory_space<semaphore_mem>>)
      %dma_wait3A_217 = arith.constant 0 : i32
      %dma_wait3A_218 = arith.constant 0 : i32
      %dma_wait3A_219 = tpu.memref_slice %arg5[%arg0, %arg1, %dma_wait3A_217, %dma_wait3A_218] : memref<2x16x625x128xf32, #tpu.memory_space<hbm>> -> memref<1x1x625x128xf32, #tpu.memory_space<hbm>>
      %dma_wait3A_220 = tpu.memref_squeeze %dma_wait3A_219 : memref<1x1x625x128xf32, #tpu.memory_space<hbm>> -> memref<625x128xf32, #tpu.memory_space<hbm>>
      %dma_wait3A_221 = arith.constant 0 : i32
      %dma_wait3A_222 = tpu.memref_slice %arg13[%mul3A_8, %dma_wait3A_221] : memref<10000x128xf32, #tpu.memory_space<vmem_shared>> -> memref<625x128xf32, #tpu.memory_space<vmem_shared>>
      tpu.wait_dma2 semaphore(%run_scoped3A : memref<!tpu.dma_semaphore, #tpu.memory_space<semaphore_mem>>) src(%dma_wait3A_222 : memref<625x128xf32, #tpu.memory_space<vmem_shared>>) dst(%dma_wait3A_220 : memref<625x128xf32, #tpu.memory_space<hbm>>)
      tpu.yield
    }) : () -> ()
    return
  }
}

#map = affine_map<(d0, d1) -> (0, 0)>
#map1 = affine_map<(d0, d1) -> (0, 0, 0, 0)>
module attributes {stable_mosaic.version = 14 : i64} {
  func.func @_sc_agg_body(%arg0: i32, %arg1: i32, %arg2: memref<10000x128xf32, #tpu.memory_space<hbm>>, %arg3: memref<32x10000xi32, #tpu.memory_space<hbm>>, %arg4: memref<4000x80xi32, #tpu.memory_space<hbm>>, %arg5: memref<2x16x625x128xf32, #tpu.memory_space<hbm>>, %arg6: memref<10000xi32, #tpu.memory_space<vmem>>, %arg7: memref<80xi32, #tpu.memory_space<vmem>>, %arg8: memref<80xi32, #tpu.memory_space<vmem>>, %arg9: memref<80xi32, #tpu.memory_space<vmem>>, %arg10: memref<80x128xf32, #tpu.memory_space<vmem>>, %arg11: memref<80x128xf32, #tpu.memory_space<vmem>>, %arg12: memref<80x128xf32, #tpu.memory_space<vmem>>, %arg13: memref<10000x128xf32, #tpu.memory_space<vmem_shared>>, %arg14: memref<!tpu.dma_semaphore, #tpu.memory_space<semaphore_mem>>, %arg15: memref<!tpu.dma_semaphore, #tpu.memory_space<semaphore_mem>>, %arg16: memref<!tpu.dma_semaphore, #tpu.memory_space<semaphore_mem>>, %arg17: memref<!tpu.dma_semaphore, #tpu.memory_space<semaphore_mem>>, %arg18: memref<!tpu.dma_semaphore, #tpu.memory_space<semaphore_mem>>, %arg19: memref<!tpu.dma_semaphore, #tpu.memory_space<semaphore_mem>>, %arg20: memref<!tpu.dma_semaphore, #tpu.memory_space<semaphore_mem>>, %arg21: memref<!tpu.dma_semaphore, #tpu.memory_space<semaphore_mem>>, %arg22: memref<!tpu.dma_semaphore, #tpu.memory_space<semaphore_mem>>) attributes {dimension_semantics = [#tpu.dimension_semantics<core_parallel>, #tpu.dimension_semantics<subcore_parallel>], iteration_bounds = array<i64: 2, 16>, scalar_prefetch = 0 : i64, scratch_operands = 17 : i64, tpu.core_type = #tpu.core_type<sc_vector_subcore>, window_params = [{transform_indices = #map}, {transform_indices = #map}, {transform_indices = #map}, {transform_indices = #map1}]} {
    %mul3A = arith.constant 2 : i32
    %mul3A_0 = arith.muli %arg1, %mul3A : i32
    %add3A = arith.addi %mul3A_0, %arg0 : i32
    "tpu.region"() ({
      %run_scoped3A = tpu.sem_alloc : memref<!tpu.dma_semaphore, #tpu.memory_space<semaphore_mem>>
      %dma_start3A_211 = arith.constant 0 : i32
      %dma_start3A_212 = tpu.memref_slice %arg3[%add3A, %dma_start3A_211] : memref<32x10000xi32, #tpu.memory_space<hbm>> -> memref<1x10000xi32, #tpu.memory_space<hbm>>
      %dma_start3A_213 = tpu.memref_squeeze %dma_start3A_212 : memref<1x10000xi32, #tpu.memory_space<hbm>> -> memref<10000xi32, #tpu.memory_space<hbm>>
      %dma_start3A_214 = arith.constant 0 : i32
      %dma_start3A_215 = tpu.memref_slice %arg3[%add3A, %dma_start3A_214] : memref<32x10000xi32, #tpu.memory_space<hbm>> -> memref<1x10000xi32, #tpu.memory_space<hbm>>
      %dma_start3A_216 = tpu.memref_squeeze %dma_start3A_215 : memref<1x10000xi32, #tpu.memory_space<hbm>> -> memref<10000xi32, #tpu.memory_space<hbm>>
      tpu.enqueue_dma source(%dma_start3A_216 : memref<10000xi32, #tpu.memory_space<hbm>>) target(%arg6 : memref<10000xi32, #tpu.memory_space<vmem>>) target_semaphore(%run_scoped3A : memref<!tpu.dma_semaphore, #tpu.memory_space<semaphore_mem>>)
      %dma_wait3A_217 = arith.constant 0 : i32
      %dma_wait3A_218 = tpu.memref_slice %arg3[%add3A, %dma_wait3A_217] : memref<32x10000xi32, #tpu.memory_space<hbm>> -> memref<1x10000xi32, #tpu.memory_space<hbm>>
      %dma_wait3A_219 = tpu.memref_squeeze %dma_wait3A_218 : memref<1x10000xi32, #tpu.memory_space<hbm>> -> memref<10000xi32, #tpu.memory_space<hbm>>
      %dma_wait3A_220 = arith.constant 0 : i32
      %dma_wait3A_221 = tpu.memref_slice %arg3[%add3A, %dma_wait3A_220] : memref<32x10000xi32, #tpu.memory_space<hbm>> -> memref<1x10000xi32, #tpu.memory_space<hbm>>
      %dma_wait3A_222 = tpu.memref_squeeze %dma_wait3A_221 : memref<1x10000xi32, #tpu.memory_space<hbm>> -> memref<10000xi32, #tpu.memory_space<hbm>>
      tpu.wait_dma2 semaphore(%run_scoped3A : memref<!tpu.dma_semaphore, #tpu.memory_space<semaphore_mem>>) src(%dma_wait3A_222 : memref<10000xi32, #tpu.memory_space<hbm>>) dst(%arg6 : memref<10000xi32, #tpu.memory_space<vmem>>)
      tpu.yield
    }) : () -> ()
    %scan3A = arith.constant 0 : i32
    %scan3A_1 = arith.constant 0 : i32
    %scan3A_2 = arith.constant 80 : i32
    %scan3A_3 = arith.addi %scan3A_1, %scan3A_2 : i32
    %scan3A_4 = arith.constant 1 : i32
    %scan3A_5 = scf.for %scan3A_211 = %scan3A_1 to %scan3A_3 step %scan3A_4 iter_args(%scan3A_212 = %scan3A) -> (i32)  : i32 {
      %broadcast_in_dim3A = arith.constant 0.000000e+00 : f32
      %broadcast_in_dim3A_213 = vector.broadcast %broadcast_in_dim3A : f32 to vector<16xf32>
      %swap3A = arith.index_cast %scan3A_211 : i32 to index
      %swap3A_214 = arith.constant 0 : index
      %swap3A_215 = tpu.vector_load %arg10[%swap3A, %swap3A_214] {strides = array<i32>} : memref<80x128xf32, #tpu.memory_space<vmem>>, vector<16xf32>,
      tpu.vector_store %arg10[%swap3A, %swap3A_214], %broadcast_in_dim3A_213 {strides = array<i32>} : memref<80x128xf32, #tpu.memory_space<vmem>>, vector<16xf32>,
      %broadcast_in_dim3A_216 = arith.constant 0.000000e+00 : f32
      %broadcast_in_dim3A_217 = vector.broadcast %broadcast_in_dim3A_216 : f32 to vector<16xf32>
      %swap3A_218 = arith.index_cast %scan3A_211 : i32 to index
      %swap3A_219 = arith.constant 16 : index
      %swap3A_220 = tpu.vector_load %arg10[%swap3A_218, %swap3A_219] {strides = array<i32>} : memref<80x128xf32, #tpu.memory_space<vmem>>, vector<16xf32>,
      tpu.vector_store %arg10[%swap3A_218, %swap3A_219], %broadcast_in_dim3A_217 {strides = array<i32>} : memref<80x128xf32, #tpu.memory_space<vmem>>, vector<16xf32>,
      %broadcast_in_dim3A_221 = arith.constant 0.000000e+00 : f32
      %broadcast_in_dim3A_222 = vector.broadcast %broadcast_in_dim3A_221 : f32 to vector<16xf32>
      %swap3A_223 = arith.index_cast %scan3A_211 : i32 to index
      %swap3A_224 = arith.constant 32 : index
      %swap3A_225 = tpu.vector_load %arg10[%swap3A_223, %swap3A_224] {strides = array<i32>} : memref<80x128xf32, #tpu.memory_space<vmem>>, vector<16xf32>,
      tpu.vector_store %arg10[%swap3A_223, %swap3A_224], %broadcast_in_dim3A_222 {strides = array<i32>} : memref<80x128xf32, #tpu.memory_space<vmem>>, vector<16xf32>,
      %broadcast_in_dim3A_226 = arith.constant 0.000000e+00 : f32
      %broadcast_in_dim3A_227 = vector.broadcast %broadcast_in_dim3A_226 : f32 to vector<16xf32>
      %swap3A_228 = arith.index_cast %scan3A_211 : i32 to index
      %swap3A_229 = arith.constant 48 : index
      %swap3A_230 = tpu.vector_load %arg10[%swap3A_228, %swap3A_229] {strides = array<i32>} : memref<80x128xf32, #tpu.memory_space<vmem>>, vector<16xf32>,
      tpu.vector_store %arg10[%swap3A_228, %swap3A_229], %broadcast_in_dim3A_227 {strides = array<i32>} : memref<80x128xf32, #tpu.memory_space<vmem>>, vector<16xf32>,
      %broadcast_in_dim3A_231 = arith.constant 0.000000e+00 : f32
      %broadcast_in_dim3A_232 = vector.broadcast %broadcast_in_dim3A_231 : f32 to vector<16xf32>
      %swap3A_233 = arith.index_cast %scan3A_211 : i32 to index
      %swap3A_234 = arith.constant 64 : index
      %swap3A_235 = tpu.vector_load %arg10[%swap3A_233, %swap3A_234] {strides = array<i32>} : memref<80x128xf32, #tpu.memory_space<vmem>>, vector<16xf32>,
      tpu.vector_store %arg10[%swap3A_233, %swap3A_234], %broadcast_in_dim3A_232 {strides = array<i32>} : memref<80x128xf32, #tpu.memory_space<vmem>>, vector<16xf32>,
      %broadcast_in_dim3A_236 = arith.constant 0.000000e+00 : f32
      %broadcast_in_dim3A_237 = vector.broadcast %broadcast_in_dim3A_236 : f32 to vector<16xf32>
      %swap3A_238 = arith.index_cast %scan3A_211 : i32 to index
      %swap3A_239 = arith.constant 80 : index
      %swap3A_240 = tpu.vector_load %arg10[%swap3A_238, %swap3A_239] {strides = array<i32>} : memref<80x128xf32, #tpu.memory_space<vmem>>, vector<16xf32>,
      tpu.vector_store %arg10[%swap3A_238, %swap3A_239], %broadcast_in_dim3A_237 {strides = array<i32>} : memref<80x128xf32, #tpu.memory_space<vmem>>, vector<16xf32>,
      %broadcast_in_dim3A_241 = arith.constant 0.000000e+00 : f32
      %broadcast_in_dim3A_242 = vector.broadcast %broadcast_in_dim3A_241 : f32 to vector<16xf32>
      %swap3A_243 = arith.index_cast %scan3A_211 : i32 to index
      %swap3A_244 = arith.constant 96 : index
      %swap3A_245 = tpu.vector_load %arg10[%swap3A_243, %swap3A_244] {strides = array<i32>} : memref<80x128xf32, #tpu.memory_space<vmem>>, vector<16xf32>,
      tpu.vector_store %arg10[%swap3A_243, %swap3A_244], %broadcast_in_dim3A_242 {strides = array<i32>} : memref<80x128xf32, #tpu.memory_space<vmem>>, vector<16xf32>,
      %broadcast_in_dim3A_246 = arith.constant 0.000000e+00 : f32
      %broadcast_in_dim3A_247 = vector.broadcast %broadcast_in_dim3A_246 : f32 to vector<16xf32>
      %swap3A_248 = arith.index_cast %scan3A_211 : i32 to index
      %swap3A_249 = arith.constant 112 : index
      %swap3A_250 = tpu.vector_load %arg10[%swap3A_248, %swap3A_249] {strides = array<i32>} : memref<80x128xf32, #tpu.memory_space<vmem>>, vector<16xf32>,
      tpu.vector_store %arg10[%swap3A_248, %swap3A_249], %broadcast_in_dim3A_247 {strides = array<i32>} : memref<80x128xf32, #tpu.memory_space<vmem>>, vector<16xf32>,
      %scan3A_251 = arith.constant 0 : i32
      scf.yield %scan3A_251 : i32
    }
    %scan3A_6 = arith.constant 80 : i32
    %mul3A_7 = arith.constant 625 : i32
    %mul3A_8 = arith.muli %arg1, %mul3A_7 : i32
    %add3A_9 = arith.constant 0 : i32
    %add3A_10 = arith.addi %mul3A_8, %add3A_9 : i32
    "tpu.region"() ({
      %run_scoped3A = tpu.sem_alloc : memref<!tpu.dma_semaphore, #tpu.memory_space<semaphore_mem>>
      %dma_start3A_211 = arith.constant 0 : i32
      %dma_start3A_212 = tpu.memref_slice %arg13[%add3A_10, %dma_start3A_211] : memref<10000x128xf32, #tpu.memory_space<vmem_shared>> -> memref<80x128xf32, #tpu.memory_space<vmem_shared>>
      %dma_start3A_213 = arith.constant 0 : i32
      %dma_start3A_214 = tpu.memref_slice %arg13[%add3A_10, %dma_start3A_213] : memref<10000x128xf32, #tpu.memory_space<vmem_shared>> -> memref<80x128xf32, #tpu.memory_space<vmem_shared>>
      tpu.enqueue_dma source(%arg10 : memref<80x128xf32, #tpu.memory_space<vmem>>) target(%dma_start3A_214 : memref<80x128xf32, #tpu.memory_space<vmem_shared>>) target_semaphore(%run_scoped3A : memref<!tpu.dma_semaphore, #tpu.memory_space<semaphore_mem>>)
      %dma_wait3A_215 = arith.constant 0 : i32
      %dma_wait3A_216 = tpu.memref_slice %arg13[%add3A_10, %dma_wait3A_215] : memref<10000x128xf32, #tpu.memory_space<vmem_shared>> -> memref<80x128xf32, #tpu.memory_space<vmem_shared>>
      %dma_wait3A_217 = arith.constant 0 : i32
      %dma_wait3A_218 = tpu.memref_slice %arg13[%add3A_10, %dma_wait3A_217] : memref<10000x128xf32, #tpu.memory_space<vmem_shared>> -> memref<80x128xf32, #tpu.memory_space<vmem_shared>>
      tpu.wait_dma2 semaphore(%run_scoped3A : memref<!tpu.dma_semaphore, #tpu.memory_space<semaphore_mem>>) src(%arg10 : memref<80x128xf32, #tpu.memory_space<vmem>>) dst(%dma_wait3A_218 : memref<80x128xf32, #tpu.memory_space<vmem_shared>>)
      tpu.yield
    }) : () -> ()
    %add3A_11 = arith.constant 80 : i32
    %add3A_12 = arith.addi %mul3A_8, %add3A_11 : i32
    "tpu.region"() ({
      %run_scoped3A = tpu.sem_alloc : memref<!tpu.dma_semaphore, #tpu.memory_space<semaphore_mem>>
      %dma_start3A_211 = arith.constant 0 : i32
      %dma_start3A_212 = tpu.memref_slice %arg13[%add3A_12, %dma_start3A_211] : memref<10000x128xf32, #tpu.memory_space<vmem_shared>> -> memref<80x128xf32, #tpu.memory_space<vmem_shared>>
      %dma_start3A_213 = arith.constant 0 : i32
      %dma_start3A_214 = tpu.memref_slice %arg13[%add3A_12, %dma_start3A_213] : memref<10000x128xf32, #tpu.memory_space<vmem_shared>> -> memref<80x128xf32, #tpu.memory_space<vmem_shared>>
      tpu.enqueue_dma source(%arg10 : memref<80x128xf32, #tpu.memory_space<vmem>>) target(%dma_start3A_214 : memref<80x128xf32, #tpu.memory_space<vmem_shared>>) target_semaphore(%run_scoped3A : memref<!tpu.dma_semaphore, #tpu.memory_space<semaphore_mem>>)
      %dma_wait3A_215 = arith.constant 0 : i32
      %dma_wait3A_216 = tpu.memref_slice %arg13[%add3A_12, %dma_wait3A_215] : memref<10000x128xf32, #tpu.memory_space<vmem_shared>> -> memref<80x128xf32, #tpu.memory_space<vmem_shared>>
      %dma_wait3A_217 = arith.constant 0 : i32
      %dma_wait3A_218 = tpu.memref_slice %arg13[%add3A_12, %dma_wait3A_217] : memref<10000x128xf32, #tpu.memory_space<vmem_shared>> -> memref<80x128xf32, #tpu.memory_space<vmem_shared>>
      tpu.wait_dma2 semaphore(%run_scoped3A : memref<!tpu.dma_semaphore, #tpu.memory_space<semaphore_mem>>) src(%arg10 : memref<80x128xf32, #tpu.memory_space<vmem>>) dst(%dma_wait3A_218 : memref<80x128xf32, #tpu.memory_space<vmem_shared>>)
      tpu.yield
    }) : () -> ()
    %add3A_13 = arith.constant 160 : i32
    %add3A_14 = arith.addi %mul3A_8, %add3A_13 : i32
    "tpu.region"() ({
      %run_scoped3A = tpu.sem_alloc : memref<!tpu.dma_semaphore, #tpu.memory_space<semaphore_mem>>
      %dma_start3A_211 = arith.constant 0 : i32
      %dma_start3A_212 = tpu.memref_slice %arg13[%add3A_14, %dma_start3A_211] : memref<10000x128xf32, #tpu.memory_space<vmem_shared>> -> memref<80x128xf32, #tpu.memory_space<vmem_shared>>
      %dma_start3A_213 = arith.constant 0 : i32
      %dma_start3A_214 = tpu.memref_slice %arg13[%add3A_14, %dma_start3A_213] : memref<10000x128xf32, #tpu.memory_space<vmem_shared>> -> memref<80x128xf32, #tpu.memory_space<vmem_shared>>
      tpu.enqueue_dma source(%arg10 : memref<80x128xf32, #tpu.memory_space<vmem>>) target(%dma_start3A_214 : memref<80x128xf32, #tpu.memory_space<vmem_shared>>) target_semaphore(%run_scoped3A : memref<!tpu.dma_semaphore, #tpu.memory_space<semaphore_mem>>)
      %dma_wait3A_215 = arith.constant 0 : i32
      %dma_wait3A_216 = tpu.memref_slice %arg13[%add3A_14, %dma_wait3A_215] : memref<10000x128xf32, #tpu.memory_space<vmem_shared>> -> memref<80x128xf32, #tpu.memory_space<vmem_shared>>
      %dma_wait3A_217 = arith.constant 0 : i32
      %dma_wait3A_218 = tpu.memref_slice %arg13[%add3A_14, %dma_wait3A_217] : memref<10000x128xf32, #tpu.memory_space<vmem_shared>> -> memref<80x128xf32, #tpu.memory_space<vmem_shared>>
      tpu.wait_dma2 semaphore(%run_scoped3A : memref<!tpu.dma_semaphore, #tpu.memory_space<semaphore_mem>>) src(%arg10 : memref<80x128xf32, #tpu.memory_space<vmem>>) dst(%dma_wait3A_218 : memref<80x128xf32, #tpu.memory_space<vmem_shared>>)
      tpu.yield
    }) : () -> ()
    %add3A_15 = arith.constant 240 : i32
    %add3A_16 = arith.addi %mul3A_8, %add3A_15 : i32
    "tpu.region"() ({
      %run_scoped3A = tpu.sem_alloc : memref<!tpu.dma_semaphore, #tpu.memory_space<semaphore_mem>>
      %dma_start3A_211 = arith.constant 0 : i32
      %dma_start3A_212 = tpu.memref_slice %arg13[%add3A_16, %dma_start3A_211] : memref<10000x128xf32, #tpu.memory_space<vmem_shared>> -> memref<80x128xf32, #tpu.memory_space<vmem_shared>>
      %dma_start3A_213 = arith.constant 0 : i32
      %dma_start3A_214 = tpu.memref_slice %arg13[%add3A_16, %dma_start3A_213] : memref<10000x128xf32, #tpu.memory_space<vmem_shared>> -> memref<80x128xf32, #tpu.memory_space<vmem_shared>>
      tpu.enqueue_dma source(%arg10 : memref<80x128xf32, #tpu.memory_space<vmem>>) target(%dma_start3A_214 : memref<80x128xf32, #tpu.memory_space<vmem_shared>>) target_semaphore(%run_scoped3A : memref<!tpu.dma_semaphore, #tpu.memory_space<semaphore_mem>>)
      %dma_wait3A_215 = arith.constant 0 : i32
      %dma_wait3A_216 = tpu.memref_slice %arg13[%add3A_16, %dma_wait3A_215] : memref<10000x128xf32, #tpu.memory_space<vmem_shared>> -> memref<80x128xf32, #tpu.memory_space<vmem_shared>>
      %dma_wait3A_217 = arith.constant 0 : i32
      %dma_wait3A_218 = tpu.memref_slice %arg13[%add3A_16, %dma_wait3A_217] : memref<10000x128xf32, #tpu.memory_space<vmem_shared>> -> memref<80x128xf32, #tpu.memory_space<vmem_shared>>
      tpu.wait_dma2 semaphore(%run_scoped3A : memref<!tpu.dma_semaphore, #tpu.memory_space<semaphore_mem>>) src(%arg10 : memref<80x128xf32, #tpu.memory_space<vmem>>) dst(%dma_wait3A_218 : memref<80x128xf32, #tpu.memory_space<vmem_shared>>)
      tpu.yield
    }) : () -> ()
    %add3A_17 = arith.constant 320 : i32
    %add3A_18 = arith.addi %mul3A_8, %add3A_17 : i32
    "tpu.region"() ({
      %run_scoped3A = tpu.sem_alloc : memref<!tpu.dma_semaphore, #tpu.memory_space<semaphore_mem>>
      %dma_start3A_211 = arith.constant 0 : i32
      %dma_start3A_212 = tpu.memref_slice %arg13[%add3A_18, %dma_start3A_211] : memref<10000x128xf32, #tpu.memory_space<vmem_shared>> -> memref<80x128xf32, #tpu.memory_space<vmem_shared>>
      %dma_start3A_213 = arith.constant 0 : i32
      %dma_start3A_214 = tpu.memref_slice %arg13[%add3A_18, %dma_start3A_213] : memref<10000x128xf32, #tpu.memory_space<vmem_shared>> -> memref<80x128xf32, #tpu.memory_space<vmem_shared>>
      tpu.enqueue_dma source(%arg10 : memref<80x128xf32, #tpu.memory_space<vmem>>) target(%dma_start3A_214 : memref<80x128xf32, #tpu.memory_space<vmem_shared>>) target_semaphore(%run_scoped3A : memref<!tpu.dma_semaphore, #tpu.memory_space<semaphore_mem>>)
      %dma_wait3A_215 = arith.constant 0 : i32
      %dma_wait3A_216 = tpu.memref_slice %arg13[%add3A_18, %dma_wait3A_215] : memref<10000x128xf32, #tpu.memory_space<vmem_shared>> -> memref<80x128xf32, #tpu.memory_space<vmem_shared>>
      %dma_wait3A_217 = arith.constant 0 : i32
      %dma_wait3A_218 = tpu.memref_slice %arg13[%add3A_18, %dma_wait3A_217] : memref<10000x128xf32, #tpu.memory_space<vmem_shared>> -> memref<80x128xf32, #tpu.memory_space<vmem_shared>>
      tpu.wait_dma2 semaphore(%run_scoped3A : memref<!tpu.dma_semaphore, #tpu.memory_space<semaphore_mem>>) src(%arg10 : memref<80x128xf32, #tpu.memory_space<vmem>>) dst(%dma_wait3A_218 : memref<80x128xf32, #tpu.memory_space<vmem_shared>>)
      tpu.yield
    }) : () -> ()
    %add3A_19 = arith.constant 400 : i32
    %add3A_20 = arith.addi %mul3A_8, %add3A_19 : i32
    "tpu.region"() ({
      %run_scoped3A = tpu.sem_alloc : memref<!tpu.dma_semaphore, #tpu.memory_space<semaphore_mem>>
      %dma_start3A_211 = arith.constant 0 : i32
      %dma_start3A_212 = tpu.memref_slice %arg13[%add3A_20, %dma_start3A_211] : memref<10000x128xf32, #tpu.memory_space<vmem_shared>> -> memref<80x128xf32, #tpu.memory_space<vmem_shared>>
      %dma_start3A_213 = arith.constant 0 : i32
      %dma_start3A_214 = tpu.memref_slice %arg13[%add3A_20, %dma_start3A_213] : memref<10000x128xf32, #tpu.memory_space<vmem_shared>> -> memref<80x128xf32, #tpu.memory_space<vmem_shared>>
      tpu.enqueue_dma source(%arg10 : memref<80x128xf32, #tpu.memory_space<vmem>>) target(%dma_start3A_214 : memref<80x128xf32, #tpu.memory_space<vmem_shared>>) target_semaphore(%run_scoped3A : memref<!tpu.dma_semaphore, #tpu.memory_space<semaphore_mem>>)
      %dma_wait3A_215 = arith.constant 0 : i32
      %dma_wait3A_216 = tpu.memref_slice %arg13[%add3A_20, %dma_wait3A_215] : memref<10000x128xf32, #tpu.memory_space<vmem_shared>> -> memref<80x128xf32, #tpu.memory_space<vmem_shared>>
      %dma_wait3A_217 = arith.constant 0 : i32
      %dma_wait3A_218 = tpu.memref_slice %arg13[%add3A_20, %dma_wait3A_217] : memref<10000x128xf32, #tpu.memory_space<vmem_shared>> -> memref<80x128xf32, #tpu.memory_space<vmem_shared>>
      tpu.wait_dma2 semaphore(%run_scoped3A : memref<!tpu.dma_semaphore, #tpu.memory_space<semaphore_mem>>) src(%arg10 : memref<80x128xf32, #tpu.memory_space<vmem>>) dst(%dma_wait3A_218 : memref<80x128xf32, #tpu.memory_space<vmem_shared>>)
      tpu.yield
    }) : () -> ()
    %add3A_21 = arith.constant 480 : i32
    %add3A_22 = arith.addi %mul3A_8, %add3A_21 : i32
    "tpu.region"() ({
      %run_scoped3A = tpu.sem_alloc : memref<!tpu.dma_semaphore, #tpu.memory_space<semaphore_mem>>
      %dma_start3A_211 = arith.constant 0 : i32
      %dma_start3A_212 = tpu.memref_slice %arg13[%add3A_22, %dma_start3A_211] : memref<10000x128xf32, #tpu.memory_space<vmem_shared>> -> memref<80x128xf32, #tpu.memory_space<vmem_shared>>
      %dma_start3A_213 = arith.constant 0 : i32
      %dma_start3A_214 = tpu.memref_slice %arg13[%add3A_22, %dma_start3A_213] : memref<10000x128xf32, #tpu.memory_space<vmem_shared>> -> memref<80x128xf32, #tpu.memory_space<vmem_shared>>
      tpu.enqueue_dma source(%arg10 : memref<80x128xf32, #tpu.memory_space<vmem>>) target(%dma_start3A_214 : memref<80x128xf32, #tpu.memory_space<vmem_shared>>) target_semaphore(%run_scoped3A : memref<!tpu.dma_semaphore, #tpu.memory_space<semaphore_mem>>)
      %dma_wait3A_215 = arith.constant 0 : i32
      %dma_wait3A_216 = tpu.memref_slice %arg13[%add3A_22, %dma_wait3A_215] : memref<10000x128xf32, #tpu.memory_space<vmem_shared>> -> memref<80x128xf32, #tpu.memory_space<vmem_shared>>
      %dma_wait3A_217 = arith.constant 0 : i32
      %dma_wait3A_218 = tpu.memref_slice %arg13[%add3A_22, %dma_wait3A_217] : memref<10000x128xf32, #tpu.memory_space<vmem_shared>> -> memref<80x128xf32, #tpu.memory_space<vmem_shared>>
      tpu.wait_dma2 semaphore(%run_scoped3A : memref<!tpu.dma_semaphore, #tpu.memory_space<semaphore_mem>>) src(%arg10 : memref<80x128xf32, #tpu.memory_space<vmem>>) dst(%dma_wait3A_218 : memref<80x128xf32, #tpu.memory_space<vmem_shared>>)
      tpu.yield
    }) : () -> ()
    %add3A_23 = arith.constant 560 : i32
    %add3A_24 = arith.addi %mul3A_8, %add3A_23 : i32
    "tpu.region"() ({
      %run_scoped3A = tpu.sem_alloc : memref<!tpu.dma_semaphore, #tpu.memory_space<semaphore_mem>>
      %dma_start3A_211 = arith.constant 0 : i32
      %dma_start3A_212 = arith.constant 0 : i32
      %dma_start3A_213 = tpu.memref_slice %arg10[%dma_start3A_211, %dma_start3A_212] : memref<80x128xf32, #tpu.memory_space<vmem>> -> memref<65x128xf32, #tpu.memory_space<vmem>>
      %dma_start3A_214 = arith.constant 0 : i32
      %dma_start3A_215 = tpu.memref_slice %arg13[%add3A_24, %dma_start3A_214] : memref<10000x128xf32, #tpu.memory_space<vmem_shared>> -> memref<65x128xf32, #tpu.memory_space<vmem_shared>>
      %dma_start3A_216 = arith.constant 0 : i32
      %dma_start3A_217 = tpu.memref_slice %arg13[%add3A_24, %dma_start3A_216] : memref<10000x128xf32, #tpu.memory_space<vmem_shared>> -> memref<65x128xf32, #tpu.memory_space<vmem_shared>>
      %dma_start3A_218 = arith.constant 0 : i32
      %dma_start3A_219 = arith.constant 0 : i32
      %dma_start3A_220 = tpu.memref_slice %arg10[%dma_start3A_218, %dma_start3A_219] : memref<80x128xf32, #tpu.memory_space<vmem>> -> memref<65x128xf32, #tpu.memory_space<vmem>>
      tpu.enqueue_dma source(%dma_start3A_220 : memref<65x128xf32, #tpu.memory_space<vmem>>) target(%dma_start3A_217 : memref<65x128xf32, #tpu.memory_space<vmem_shared>>) target_semaphore(%run_scoped3A : memref<!tpu.dma_semaphore, #tpu.memory_space<semaphore_mem>>)
      %dma_wait3A_221 = arith.constant 0 : i32
      %dma_wait3A_222 = arith.constant 0 : i32
      %dma_wait3A_223 = tpu.memref_slice %arg10[%dma_wait3A_221, %dma_wait3A_222] : memref<80x128xf32, #tpu.memory_space<vmem>> -> memref<65x128xf32, #tpu.memory_space<vmem>>
      %dma_wait3A_224 = arith.constant 0 : i32
      %dma_wait3A_225 = tpu.memref_slice %arg13[%add3A_24, %dma_wait3A_224] : memref<10000x128xf32, #tpu.memory_space<vmem_shared>> -> memref<65x128xf32, #tpu.memory_space<vmem_shared>>
      %dma_wait3A_226 = arith.constant 0 : i32
      %dma_wait3A_227 = tpu.memref_slice %arg13[%add3A_24, %dma_wait3A_226] : memref<10000x128xf32, #tpu.memory_space<vmem_shared>> -> memref<65x128xf32, #tpu.memory_space<vmem_shared>>
      %dma_wait3A_228 = arith.constant 0 : i32
      %dma_wait3A_229 = arith.constant 0 : i32
      %dma_wait3A_230 = tpu.memref_slice %arg10[%dma_wait3A_228, %dma_wait3A_229] : memref<80x128xf32, #tpu.memory_space<vmem>> -> memref<65x128xf32, #tpu.memory_space<vmem>>
      tpu.wait_dma2 semaphore(%run_scoped3A : memref<!tpu.dma_semaphore, #tpu.memory_space<semaphore_mem>>) src(%dma_wait3A_230 : memref<65x128xf32, #tpu.memory_space<vmem>>) dst(%dma_wait3A_227 : memref<65x128xf32, #tpu.memory_space<vmem_shared>>)
      tpu.yield
    }) : () -> ()
    %barrier3A = arith.constant 0 : index
    tpu.barrier barrier_id(%barrier3A)
    %mul3A_25 = arith.constant 125 : i32
    %mul3A_26 = arith.muli %add3A, %mul3A_25 : i32
    %add3A_27 = arith.constant 0 : i32
    %add3A_28 = arith.addi %mul3A_26, %add3A_27 : i32
    %dma_start3A = arith.constant 0 : i32
    %dma_start3A_29 = tpu.memref_slice %arg4[%add3A_28, %dma_start3A] : memref<4000x80xi32, #tpu.memory_space<hbm>> -> memref<1x80xi32, #tpu.memory_space<hbm>>
    %dma_start3A_30 = tpu.memref_squeeze %dma_start3A_29 : memref<1x80xi32, #tpu.memory_space<hbm>> -> memref<80xi32, #tpu.memory_space<hbm>>
    %dma_start3A_31 = arith.constant 0 : i32
    %dma_start3A_32 = tpu.memref_slice %arg4[%add3A_28, %dma_start3A_31] : memref<4000x80xi32, #tpu.memory_space<hbm>> -> memref<1x80xi32, #tpu.memory_space<hbm>>
    %dma_start3A_33 = tpu.memref_squeeze %dma_start3A_32 : memref<1x80xi32, #tpu.memory_space<hbm>> -> memref<80xi32, #tpu.memory_space<hbm>>
    tpu.enqueue_dma source(%dma_start3A_33 : memref<80xi32, #tpu.memory_space<hbm>>) target(%arg7 : memref<80xi32, #tpu.memory_space<vmem>>) target_semaphore(%arg17 : memref<!tpu.dma_semaphore, #tpu.memory_space<semaphore_mem>>)
    %dma_start3A_34 = arith.constant 0 : i32
    %dma_start3A_35 = tpu.memref_slice %arg6[%dma_start3A_34] : memref<10000xi32, #tpu.memory_space<vmem>> -> memref<80xi32, #tpu.memory_space<vmem>>
    %dma_start3A_36 = arith.constant 0 : i32
    %dma_start3A_37 = arith.constant 0 : i32
    %dma_start3A_38 = tpu.memref_slice %arg2[%dma_start3A_36, %dma_start3A_37] : memref<10000x128xf32, #tpu.memory_space<hbm>> -> memref<10000x128xf32, #tpu.memory_space<hbm>>
    tpu.enqueue_indirect_dma source(%dma_start3A_38 : memref<10000x128xf32, #tpu.memory_space<hbm>>) target(%arg10 : memref<80x128xf32, #tpu.memory_space<vmem>>) offsets(%dma_start3A_35 : memref<80xi32, #tpu.memory_space<vmem>>) semaphore(%arg14 : memref<!tpu.dma_semaphore, #tpu.memory_space<semaphore_mem>>)
    %mul3A_39 = arith.constant 125 : i32
    %mul3A_40 = arith.muli %add3A, %mul3A_39 : i32
    %add3A_41 = arith.constant 1 : i32
    %add3A_42 = arith.addi %mul3A_40, %add3A_41 : i32
    %dma_start3A_43 = arith.constant 0 : i32
    %dma_start3A_44 = tpu.memref_slice %arg4[%add3A_42, %dma_start3A_43] : memref<4000x80xi32, #tpu.memory_space<hbm>> -> memref<1x80xi32, #tpu.memory_space<hbm>>
    %dma_start3A_45 = tpu.memref_squeeze %dma_start3A_44 : memref<1x80xi32, #tpu.memory_space<hbm>> -> memref<80xi32, #tpu.memory_space<hbm>>
    %dma_start3A_46 = arith.constant 0 : i32
    %dma_start3A_47 = tpu.memref_slice %arg4[%add3A_42, %dma_start3A_46] : memref<4000x80xi32, #tpu.memory_space<hbm>> -> memref<1x80xi32, #tpu.memory_space<hbm>>
    %dma_start3A_48 = tpu.memref_squeeze %dma_start3A_47 : memref<1x80xi32, #tpu.memory_space<hbm>> -> memref<80xi32, #tpu.memory_space<hbm>>
    tpu.enqueue_dma source(%dma_start3A_48 : memref<80xi32, #tpu.memory_space<hbm>>) target(%arg8 : memref<80xi32, #tpu.memory_space<vmem>>) target_semaphore(%arg18 : memref<!tpu.dma_semaphore, #tpu.memory_space<semaphore_mem>>)
    %dma_start3A_49 = arith.constant 80 : i32
    %dma_start3A_50 = tpu.memref_slice %arg6[%dma_start3A_49] : memref<10000xi32, #tpu.memory_space<vmem>> -> memref<80xi32, #tpu.memory_space<vmem>>
    %dma_start3A_51 = arith.constant 0 : i32
    %dma_start3A_52 = arith.constant 0 : i32
    %dma_start3A_53 = tpu.memref_slice %arg2[%dma_start3A_51, %dma_start3A_52] : memref<10000x128xf32, #tpu.memory_space<hbm>> -> memref<10000x128xf32, #tpu.memory_space<hbm>>
    tpu.enqueue_indirect_dma source(%dma_start3A_53 : memref<10000x128xf32, #tpu.memory_space<hbm>>) target(%arg11 : memref<80x128xf32, #tpu.memory_space<vmem>>) offsets(%dma_start3A_50 : memref<80xi32, #tpu.memory_space<vmem>>) semaphore(%arg15 : memref<!tpu.dma_semaphore, #tpu.memory_space<semaphore_mem>>)
    %dma_wait3A = arith.constant 0 : i32
    %dma_wait3A_54 = tpu.memref_slice %arg6[%dma_wait3A] : memref<10000xi32, #tpu.memory_space<vmem>> -> memref<80xi32, #tpu.memory_space<vmem>>
    %dma_wait3A_55 = arith.constant 0 : i32
    %dma_wait3A_56 = arith.constant 0 : i32
    %dma_wait3A_57 = tpu.memref_slice %arg2[%dma_wait3A_55, %dma_wait3A_56] : memref<10000x128xf32, #tpu.memory_space<hbm>> -> memref<10000x128xf32, #tpu.memory_space<hbm>>
    tpu.wait_indirect_dma semaphore(%arg14 : memref<!tpu.dma_semaphore, #tpu.memory_space<semaphore_mem>>) src(%dma_wait3A_57 : memref<10000x128xf32, #tpu.memory_space<hbm>>) dst(%arg10 : memref<80x128xf32, #tpu.memory_space<vmem>>)
    %mul3A_58 = arith.constant 125 : i32
    %mul3A_59 = arith.muli %add3A, %mul3A_58 : i32
    %add3A_60 = arith.constant 0 : i32
    %add3A_61 = arith.addi %mul3A_59, %add3A_60 : i32
    %dma_wait3A_62 = arith.constant 0 : i32
    %dma_wait3A_63 = tpu.memref_slice %arg4[%add3A_61, %dma_wait3A_62] : memref<4000x80xi32, #tpu.memory_space<hbm>> -> memref<1x80xi32, #tpu.memory_space<hbm>>
    %dma_wait3A_64 = tpu.memref_squeeze %dma_wait3A_63 : memref<1x80xi32, #tpu.memory_space<hbm>> -> memref<80xi32, #tpu.memory_space<hbm>>
    %dma_wait3A_65 = arith.constant 0 : i32
    %dma_wait3A_66 = tpu.memref_slice %arg4[%add3A_61, %dma_wait3A_65] : memref<4000x80xi32, #tpu.memory_space<hbm>> -> memref<1x80xi32, #tpu.memory_space<hbm>>
    %dma_wait3A_67 = tpu.memref_squeeze %dma_wait3A_66 : memref<1x80xi32, #tpu.memory_space<hbm>> -> memref<80xi32, #tpu.memory_space<hbm>>
    tpu.wait_dma2 semaphore(%arg17 : memref<!tpu.dma_semaphore, #tpu.memory_space<semaphore_mem>>) src(%dma_wait3A_67 : memref<80xi32, #tpu.memory_space<hbm>>) dst(%arg7 : memref<80xi32, #tpu.memory_space<vmem>>)
    %dma_start3A_68 = arith.constant 0 : i32
    %dma_start3A_69 = arith.constant 0 : i32
    %dma_start3A_70 = tpu.memref_slice %arg13[%dma_start3A_68, %dma_start3A_69] : memref<10000x128xf32, #tpu.memory_space<vmem_shared>> -> memref<10000x128xf32, #tpu.memory_space<vmem_shared>>
    tpu.enqueue_indirect_dma source(%arg10 : memref<80x128xf32, #tpu.memory_space<vmem>>) target(%dma_start3A_70 : memref<10000x128xf32, #tpu.memory_space<vmem_shared>>) offsets(%arg7 : memref<80xi32, #tpu.memory_space<vmem>>) semaphore(%arg20 : memref<!tpu.dma_semaphore, #tpu.memory_space<semaphore_mem>>) {add = true}
    %mul3A_71 = arith.constant 125 : i32
    %mul3A_72 = arith.muli %add3A, %mul3A_71 : i32
    %add3A_73 = arith.constant 2 : i32
    %add3A_74 = arith.addi %mul3A_72, %add3A_73 : i32
    %dma_start3A_75 = arith.constant 0 : i32
    %dma_start3A_76 = tpu.memref_slice %arg4[%add3A_74, %dma_start3A_75] : memref<4000x80xi32, #tpu.memory_space<hbm>> -> memref<1x80xi32, #tpu.memory_space<hbm>>
    %dma_start3A_77 = tpu.memref_squeeze %dma_start3A_76 : memref<1x80xi32, #tpu.memory_space<hbm>> -> memref<80xi32, #tpu.memory_space<hbm>>
    %dma_start3A_78 = arith.constant 0 : i32
    %dma_start3A_79 = tpu.memref_slice %arg4[%add3A_74, %dma_start3A_78] : memref<4000x80xi32, #tpu.memory_space<hbm>> -> memref<1x80xi32, #tpu.memory_space<hbm>>
    %dma_start3A_80 = tpu.memref_squeeze %dma_start3A_79 : memref<1x80xi32, #tpu.memory_space<hbm>> -> memref<80xi32, #tpu.memory_space<hbm>>
    tpu.enqueue_dma source(%dma_start3A_80 : memref<80xi32, #tpu.memory_space<hbm>>) target(%arg9 : memref<80xi32, #tpu.memory_space<vmem>>) target_semaphore(%arg19 : memref<!tpu.dma_semaphore, #tpu.memory_space<semaphore_mem>>)
    %dma_start3A_81 = arith.constant 160 : i32
    %dma_start3A_82 = tpu.memref_slice %arg6[%dma_start3A_81] : memref<10000xi32, #tpu.memory_space<vmem>> -> memref<80xi32, #tpu.memory_space<vmem>>
    %dma_start3A_83 = arith.constant 0 : i32
    %dma_start3A_84 = arith.constant 0 : i32
    %dma_start3A_85 = tpu.memref_slice %arg2[%dma_start3A_83, %dma_start3A_84] : memref<10000x128xf32, #tpu.memory_space<hbm>> -> memref<10000x128xf32, #tpu.memory_space<hbm>>
    tpu.enqueue_indirect_dma source(%dma_start3A_85 : memref<10000x128xf32, #tpu.memory_space<hbm>>) target(%arg12 : memref<80x128xf32, #tpu.memory_space<vmem>>) offsets(%dma_start3A_82 : memref<80xi32, #tpu.memory_space<vmem>>) semaphore(%arg16 : memref<!tpu.dma_semaphore, #tpu.memory_space<semaphore_mem>>)
    %dma_wait3A_86 = arith.constant 80 : i32
    %dma_wait3A_87 = tpu.memref_slice %arg6[%dma_wait3A_86] : memref<10000xi32, #tpu.memory_space<vmem>> -> memref<80xi32, #tpu.memory_space<vmem>>
    %dma_wait3A_88 = arith.constant 0 : i32
    %dma_wait3A_89 = arith.constant 0 : i32
    %dma_wait3A_90 = tpu.memref_slice %arg2[%dma_wait3A_88, %dma_wait3A_89] : memref<10000x128xf32, #tpu.memory_space<hbm>> -> memref<10000x128xf32, #tpu.memory_space<hbm>>
    tpu.wait_indirect_dma semaphore(%arg15 : memref<!tpu.dma_semaphore, #tpu.memory_space<semaphore_mem>>) src(%dma_wait3A_90 : memref<10000x128xf32, #tpu.memory_space<hbm>>) dst(%arg11 : memref<80x128xf32, #tpu.memory_space<vmem>>)
    %mul3A_91 = arith.constant 125 : i32
    %mul3A_92 = arith.muli %add3A, %mul3A_91 : i32
    %add3A_93 = arith.constant 1 : i32
    %add3A_94 = arith.addi %mul3A_92, %add3A_93 : i32
    %dma_wait3A_95 = arith.constant 0 : i32
    %dma_wait3A_96 = tpu.memref_slice %arg4[%add3A_94, %dma_wait3A_95] : memref<4000x80xi32, #tpu.memory_space<hbm>> -> memref<1x80xi32, #tpu.memory_space<hbm>>
    %dma_wait3A_97 = tpu.memref_squeeze %dma_wait3A_96 : memref<1x80xi32, #tpu.memory_space<hbm>> -> memref<80xi32, #tpu.memory_space<hbm>>
    %dma_wait3A_98 = arith.constant 0 : i32
    %dma_wait3A_99 = tpu.memref_slice %arg4[%add3A_94, %dma_wait3A_98] : memref<4000x80xi32, #tpu.memory_space<hbm>> -> memref<1x80xi32, #tpu.memory_space<hbm>>
    %dma_wait3A_100 = tpu.memref_squeeze %dma_wait3A_99 : memref<1x80xi32, #tpu.memory_space<hbm>> -> memref<80xi32, #tpu.memory_space<hbm>>
    tpu.wait_dma2 semaphore(%arg18 : memref<!tpu.dma_semaphore, #tpu.memory_space<semaphore_mem>>) src(%dma_wait3A_100 : memref<80xi32, #tpu.memory_space<hbm>>) dst(%arg8 : memref<80xi32, #tpu.memory_space<vmem>>)
    %dma_start3A_101 = arith.constant 0 : i32
    %dma_start3A_102 = arith.constant 0 : i32
    %dma_start3A_103 = tpu.memref_slice %arg13[%dma_start3A_101, %dma_start3A_102] : memref<10000x128xf32, #tpu.memory_space<vmem_shared>> -> memref<10000x128xf32, #tpu.memory_space<vmem_shared>>
    tpu.enqueue_indirect_dma source(%arg11 : memref<80x128xf32, #tpu.memory_space<vmem>>) target(%dma_start3A_103 : memref<10000x128xf32, #tpu.memory_space<vmem_shared>>) offsets(%arg8 : memref<80xi32, #tpu.memory_space<vmem>>) semaphore(%arg21 : memref<!tpu.dma_semaphore, #tpu.memory_space<semaphore_mem>>) {add = true}
    %dma_wait3A_104 = arith.constant 0 : i32
    %dma_wait3A_105 = arith.constant 0 : i32
    %dma_wait3A_106 = tpu.memref_slice %arg13[%dma_wait3A_104, %dma_wait3A_105] : memref<10000x128xf32, #tpu.memory_space<vmem_shared>> -> memref<10000x128xf32, #tpu.memory_space<vmem_shared>>
    tpu.wait_indirect_dma semaphore(%arg20 : memref<!tpu.dma_semaphore, #tpu.memory_space<semaphore_mem>>) src(%arg10 : memref<80x128xf32, #tpu.memory_space<vmem>>) dst(%dma_wait3A_106 : memref<10000x128xf32, #tpu.memory_space<vmem_shared>>)
    %mul3A_107 = arith.constant 125 : i32
    %mul3A_108 = arith.muli %add3A, %mul3A_107 : i32
    %add3A_109 = arith.constant 3 : i32
    %add3A_110 = arith.addi %mul3A_108, %add3A_109 : i32
    %dma_start3A_111 = arith.constant 0 : i32
    %dma_start3A_112 = tpu.memref_slice %arg4[%add3A_110, %dma_start3A_111] : memref<4000x80xi32, #tpu.memory_space<hbm>> -> memref<1x80xi32, #tpu.memory_space<hbm>>
    %dma_start3A_113 = tpu.memref_squeeze %dma_start3A_112 : memref<1x80xi32, #tpu.memory_space<hbm>> -> memref<80xi32, #tpu.memory_space<hbm>>
    %dma_start3A_114 = arith.constant 0 : i32
    %dma_start3A_115 = tpu.memref_slice %arg4[%add3A_110, %dma_start3A_114] : memref<4000x80xi32, #tpu.memory_space<hbm>> -> memref<1x80xi32, #tpu.memory_space<hbm>>
    %dma_start3A_116 = tpu.memref_squeeze %dma_start3A_115 : memref<1x80xi32, #tpu.memory_space<hbm>> -> memref<80xi32, #tpu.memory_space<hbm>>
    tpu.enqueue_dma source(%dma_start3A_116 : memref<80xi32, #tpu.memory_space<hbm>>) target(%arg7 : memref<80xi32, #tpu.memory_space<vmem>>) target_semaphore(%arg17 : memref<!tpu.dma_semaphore, #tpu.memory_space<semaphore_mem>>)
    %dma_start3A_117 = arith.constant 240 : i32
    %dma_start3A_118 = tpu.memref_slice %arg6[%dma_start3A_117] : memref<10000xi32, #tpu.memory_space<vmem>> -> memref<80xi32, #tpu.memory_space<vmem>>
    %dma_start3A_119 = arith.constant 0 : i32
    %dma_start3A_120 = arith.constant 0 : i32
    %dma_start3A_121 = tpu.memref_slice %arg2[%dma_start3A_119, %dma_start3A_120] : memref<10000x128xf32, #tpu.memory_space<hbm>> -> memref<10000x128xf32, #tpu.memory_space<hbm>>
    tpu.enqueue_indirect_dma source(%dma_start3A_121 : memref<10000x128xf32, #tpu.memory_space<hbm>>) target(%arg10 : memref<80x128xf32, #tpu.memory_space<vmem>>) offsets(%dma_start3A_118 : memref<80xi32, #tpu.memory_space<vmem>>) semaphore(%arg14 : memref<!tpu.dma_semaphore, #tpu.memory_space<semaphore_mem>>)
    %dma_wait3A_122 = arith.constant 160 : i32
    %dma_wait3A_123 = tpu.memref_slice %arg6[%dma_wait3A_122] : memref<10000xi32, #tpu.memory_space<vmem>> -> memref<80xi32, #tpu.memory_space<vmem>>
    %dma_wait3A_124 = arith.constant 0 : i32
    %dma_wait3A_125 = arith.constant 0 : i32
    %dma_wait3A_126 = tpu.memref_slice %arg2[%dma_wait3A_124, %dma_wait3A_125] : memref<10000x128xf32, #tpu.memory_space<hbm>> -> memref<10000x128xf32, #tpu.memory_space<hbm>>
    tpu.wait_indirect_dma semaphore(%arg16 : memref<!tpu.dma_semaphore, #tpu.memory_space<semaphore_mem>>) src(%dma_wait3A_126 : memref<10000x128xf32, #tpu.memory_space<hbm>>) dst(%arg12 : memref<80x128xf32, #tpu.memory_space<vmem>>)
    %mul3A_127 = arith.constant 125 : i32
    %mul3A_128 = arith.muli %add3A, %mul3A_127 : i32
    %add3A_129 = arith.constant 2 : i32
    %add3A_130 = arith.addi %mul3A_128, %add3A_129 : i32
    %dma_wait3A_131 = arith.constant 0 : i32
    %dma_wait3A_132 = tpu.memref_slice %arg4[%add3A_130, %dma_wait3A_131] : memref<4000x80xi32, #tpu.memory_space<hbm>> -> memref<1x80xi32, #tpu.memory_space<hbm>>
    %dma_wait3A_133 = tpu.memref_squeeze %dma_wait3A_132 : memref<1x80xi32, #tpu.memory_space<hbm>> -> memref<80xi32, #tpu.memory_space<hbm>>
    %dma_wait3A_134 = arith.constant 0 : i32
    %dma_wait3A_135 = tpu.memref_slice %arg4[%add3A_130, %dma_wait3A_134] : memref<4000x80xi32, #tpu.memory_space<hbm>> -> memref<1x80xi32, #tpu.memory_space<hbm>>
    %dma_wait3A_136 = tpu.memref_squeeze %dma_wait3A_135 : memref<1x80xi32, #tpu.memory_space<hbm>> -> memref<80xi32, #tpu.memory_space<hbm>>
    tpu.wait_dma2 semaphore(%arg19 : memref<!tpu.dma_semaphore, #tpu.memory_space<semaphore_mem>>) src(%dma_wait3A_136 : memref<80xi32, #tpu.memory_space<hbm>>) dst(%arg9 : memref<80xi32, #tpu.memory_space<vmem>>)
    %dma_start3A_137 = arith.constant 0 : i32
    %dma_start3A_138 = arith.constant 0 : i32
    %dma_start3A_139 = tpu.memref_slice %arg13[%dma_start3A_137, %dma_start3A_138] : memref<10000x128xf32, #tpu.memory_space<vmem_shared>> -> memref<10000x128xf32, #tpu.memory_space<vmem_shared>>
    tpu.enqueue_indirect_dma source(%arg12 : memref<80x128xf32, #tpu.memory_space<vmem>>) target(%dma_start3A_139 : memref<10000x128xf32, #tpu.memory_space<vmem_shared>>) offsets(%arg9 : memref<80xi32, #tpu.memory_space<vmem>>) semaphore(%arg22 : memref<!tpu.dma_semaphore, #tpu.memory_space<semaphore_mem>>) {add = true}
    %dma_wait3A_140 = arith.constant 0 : i32
    %dma_wait3A_141 = arith.constant 0 : i32
    %dma_wait3A_142 = tpu.memref_slice %arg13[%dma_wait3A_140, %dma_wait3A_141] : memref<10000x128xf32, #tpu.memory_space<vmem_shared>> -> memref<10000x128xf32, #tpu.memory_space<vmem_shared>>
    tpu.wait_indirect_dma semaphore(%arg21 : memref<!tpu.dma_semaphore, #tpu.memory_space<semaphore_mem>>) src(%arg11 : memref<80x128xf32, #tpu.memory_space<vmem>>) dst(%dma_wait3A_142 : memref<10000x128xf32, #tpu.memory_space<vmem_shared>>)
    %mul3A_143 = arith.constant 125 : i32
    %mul3A_144 = arith.muli %add3A, %mul3A_143 : i32
    %add3A_145 = arith.constant 4 : i32
    %add3A_146 = arith.addi %mul3A_144, %add3A_145 : i32
    %dma_start3A_147 = arith.constant 0 : i32
    %dma_start3A_148 = tpu.memref_slice %arg4[%add3A_146, %dma_start3A_147] : memref<4000x80xi32, #tpu.memory_space<hbm>> -> memref<1x80xi32, #tpu.memory_space<hbm>>
    %dma_start3A_149 = tpu.memref_squeeze %dma_start3A_148 : memref<1x80xi32, #tpu.memory_space<hbm>> -> memref<80xi32, #tpu.memory_space<hbm>>
    %dma_start3A_150 = arith.constant 0 : i32
    %dma_start3A_151 = tpu.memref_slice %arg4[%add3A_146, %dma_start3A_150] : memref<4000x80xi32, #tpu.memory_space<hbm>> -> memref<1x80xi32, #tpu.memory_space<hbm>>
    %dma_start3A_152 = tpu.memref_squeeze %dma_start3A_151 : memref<1x80xi32, #tpu.memory_space<hbm>> -> memref<80xi32, #tpu.memory_space<hbm>>
    tpu.enqueue_dma source(%dma_start3A_152 : memref<80xi32, #tpu.memory_space<hbm>>) target(%arg8 : memref<80xi32, #tpu.memory_space<vmem>>) target_semaphore(%arg18 : memref<!tpu.dma_semaphore, #tpu.memory_space<semaphore_mem>>)
    %dma_start3A_153 = arith.constant 320 : i32
    %dma_start3A_154 = tpu.memref_slice %arg6[%dma_start3A_153] : memref<10000xi32, #tpu.memory_space<vmem>> -> memref<80xi32, #tpu.memory_space<vmem>>
    %dma_start3A_155 = arith.constant 0 : i32
    %dma_start3A_156 = arith.constant 0 : i32
    %dma_start3A_157 = tpu.memref_slice %arg2[%dma_start3A_155, %dma_start3A_156] : memref<10000x128xf32, #tpu.memory_space<hbm>> -> memref<10000x128xf32, #tpu.memory_space<hbm>>
    tpu.enqueue_indirect_dma source(%dma_start3A_157 : memref<10000x128xf32, #tpu.memory_space<hbm>>) target(%arg11 : memref<80x128xf32, #tpu.memory_space<vmem>>) offsets(%dma_start3A_154 : memref<80xi32, #tpu.memory_space<vmem>>) semaphore(%arg15 : memref<!tpu.dma_semaphore, #tpu.memory_space<semaphore_mem>>)
    %dma_wait3A_158 = arith.constant 240 : i32
    %dma_wait3A_159 = tpu.memref_slice %arg6[%dma_wait3A_158] : memref<10000xi32, #tpu.memory_space<vmem>> -> memref<80xi32, #tpu.memory_space<vmem>>
    %dma_wait3A_160 = arith.constant 0 : i32
    %dma_wait3A_161 = arith.constant 0 : i32
    %dma_wait3A_162 = tpu.memref_slice %arg2[%dma_wait3A_160, %dma_wait3A_161] : memref<10000x128xf32, #tpu.memory_space<hbm>> -> memref<10000x128xf32, #tpu.memory_space<hbm>>
    tpu.wait_indirect_dma semaphore(%arg14 : memref<!tpu.dma_semaphore, #tpu.memory_space<semaphore_mem>>) src(%dma_wait3A_162 : memref<10000x128xf32, #tpu.memory_space<hbm>>) dst(%arg10 : memref<80x128xf32, #tpu.memory_space<vmem>>)
    %mul3A_163 = arith.constant 125 : i32
    %mul3A_164 = arith.muli %add3A, %mul3A_163 : i32
    %add3A_165 = arith.constant 3 : i32
    %add3A_166 = arith.addi %mul3A_164, %add3A_165 : i32
    %dma_wait3A_167 = arith.constant 0 : i32
    %dma_wait3A_168 = tpu.memref_slice %arg4[%add3A_166, %dma_wait3A_167] : memref<4000x80xi32, #tpu.memory_space<hbm>> -> memref<1x80xi32, #tpu.memory_space<hbm>>
    %dma_wait3A_169 = tpu.memref_squeeze %dma_wait3A_168 : memref<1x80xi32, #tpu.memory_space<hbm>> -> memref<80xi32, #tpu.memory_space<hbm>>
    %dma_wait3A_170 = arith.constant 0 : i32
    %dma_wait3A_171 = tpu.memref_slice %arg4[%add3A_166, %dma_wait3A_170] : memref<4000x80xi32, #tpu.memory_space<hbm>> -> memref<1x80xi32, #tpu.memory_space<hbm>>
    %dma_wait3A_172 = tpu.memref_squeeze %dma_wait3A_171 : memref<1x80xi32, #tpu.memory_space<hbm>> -> memref<80xi32, #tpu.memory_space<hbm>>
    tpu.wait_dma2 semaphore(%arg17 : memref<!tpu.dma_semaphore, #tpu.memory_space<semaphore_mem>>) src(%dma_wait3A_172 : memref<80xi32, #tpu.memory_space<hbm>>) dst(%arg7 : memref<80xi32, #tpu.memory_space<vmem>>)
    %dma_start3A_173 = arith.constant 0 : i32
    %dma_start3A_174 = arith.constant 0 : i32
    %dma_start3A_175 = tpu.memref_slice %arg13[%dma_start3A_173, %dma_start3A_174] : memref<10000x128xf32, #tpu.memory_space<vmem_shared>> -> memref<10000x128xf32, #tpu.memory_space<vmem_shared>>
    tpu.enqueue_indirect_dma source(%arg10 : memref<80x128xf32, #tpu.memory_space<vmem>>) target(%dma_start3A_175 : memref<10000x128xf32, #tpu.memory_space<vmem_shared>>) offsets(%arg7 : memref<80xi32, #tpu.memory_space<vmem>>) semaphore(%arg20 : memref<!tpu.dma_semaphore, #tpu.memory_space<semaphore_mem>>) {add = true}
    %scan3A_176 = arith.constant 0 : i32
    %scan3A_177 = arith.constant 0 : i32
    %scan3A_178 = arith.constant 40 : i32
    %scan3A_179 = arith.addi %scan3A_177, %scan3A_178 : i32
    %scan3A_180 = arith.constant 1 : i32
    %scan3A_181 = scf.for %scan3A_211 = %scan3A_177 to %scan3A_179 step %scan3A_180 iter_args(%scan3A_212 = %scan3A_176) -> (i32)  : i32 {
      %mul3A_213 = arith.constant 3 : i32
      %mul3A_214 = arith.muli %mul3A_213, %scan3A_211 : i32
      %add3A_215 = arith.constant 4 : i32
      %add3A_216 = arith.addi %add3A_215, %mul3A_214 : i32
      %dma_wait3A_217 = arith.constant 0 : i32
      %dma_wait3A_218 = arith.constant 0 : i32
      %dma_wait3A_219 = tpu.memref_slice %arg13[%dma_wait3A_217, %dma_wait3A_218] : memref<10000x128xf32, #tpu.memory_space<vmem_shared>> -> memref<10000x128xf32, #tpu.memory_space<vmem_shared>>
      tpu.wait_indirect_dma semaphore(%arg22 : memref<!tpu.dma_semaphore, #tpu.memory_space<semaphore_mem>>) src(%arg12 : memref<80x128xf32, #tpu.memory_space<vmem>>) dst(%dma_wait3A_219 : memref<10000x128xf32, #tpu.memory_space<vmem_shared>>)
      %add3A_220 = arith.constant 1 : i32
      %add3A_221 = arith.addi %add3A_216, %add3A_220 : i32
      %mul3A_222 = arith.constant 125 : i32
      %mul3A_223 = arith.muli %add3A, %mul3A_222 : i32
      %add3A_224 = arith.addi %mul3A_223, %add3A_221 : i32
      %dma_start3A_225 = arith.constant 0 : i32
      %dma_start3A_226 = tpu.memref_slice %arg4[%add3A_224, %dma_start3A_225] : memref<4000x80xi32, #tpu.memory_space<hbm>> -> memref<1x80xi32, #tpu.memory_space<hbm>>
      %dma_start3A_227 = tpu.memref_squeeze %dma_start3A_226 : memref<1x80xi32, #tpu.memory_space<hbm>> -> memref<80xi32, #tpu.memory_space<hbm>>
      %dma_start3A_228 = arith.constant 0 : i32
      %dma_start3A_229 = tpu.memref_slice %arg4[%add3A_224, %dma_start3A_228] : memref<4000x80xi32, #tpu.memory_space<hbm>> -> memref<1x80xi32, #tpu.memory_space<hbm>>
      %dma_start3A_230 = tpu.memref_squeeze %dma_start3A_229 : memref<1x80xi32, #tpu.memory_space<hbm>> -> memref<80xi32, #tpu.memory_space<hbm>>
      tpu.enqueue_dma source(%dma_start3A_230 : memref<80xi32, #tpu.memory_space<hbm>>) target(%arg9 : memref<80xi32, #tpu.memory_space<vmem>>) target_semaphore(%arg19 : memref<!tpu.dma_semaphore, #tpu.memory_space<semaphore_mem>>)
      %mul3A_231 = arith.constant 80 : i32
      %mul3A_232 = arith.muli %add3A_221, %mul3A_231 : i32
      %dma_start3A_233 = tpu.memref_slice %arg6[%mul3A_232] : memref<10000xi32, #tpu.memory_space<vmem>> -> memref<80xi32, #tpu.memory_space<vmem>>
      %dma_start3A_234 = arith.constant 0 : i32
      %dma_start3A_235 = arith.constant 0 : i32
      %dma_start3A_236 = tpu.memref_slice %arg2[%dma_start3A_234, %dma_start3A_235] : memref<10000x128xf32, #tpu.memory_space<hbm>> -> memref<10000x128xf32, #tpu.memory_space<hbm>>
      tpu.enqueue_indirect_dma source(%dma_start3A_236 : memref<10000x128xf32, #tpu.memory_space<hbm>>) target(%arg12 : memref<80x128xf32, #tpu.memory_space<vmem>>) offsets(%dma_start3A_233 : memref<80xi32, #tpu.memory_space<vmem>>) semaphore(%arg16 : memref<!tpu.dma_semaphore, #tpu.memory_space<semaphore_mem>>)
      %mul3A_237 = arith.constant 80 : i32
      %mul3A_238 = arith.muli %add3A_216, %mul3A_237 : i32
      %dma_wait3A_239 = tpu.memref_slice %arg6[%mul3A_238] : memref<10000xi32, #tpu.memory_space<vmem>> -> memref<80xi32, #tpu.memory_space<vmem>>
      %dma_wait3A_240 = arith.constant 0 : i32
      %dma_wait3A_241 = arith.constant 0 : i32
      %dma_wait3A_242 = tpu.memref_slice %arg2[%dma_wait3A_240, %dma_wait3A_241] : memref<10000x128xf32, #tpu.memory_space<hbm>> -> memref<10000x128xf32, #tpu.memory_space<hbm>>
      tpu.wait_indirect_dma semaphore(%arg15 : memref<!tpu.dma_semaphore, #tpu.memory_space<semaphore_mem>>) src(%dma_wait3A_242 : memref<10000x128xf32, #tpu.memory_space<hbm>>) dst(%arg11 : memref<80x128xf32, #tpu.memory_space<vmem>>)
      %mul3A_243 = arith.constant 125 : i32
      %mul3A_244 = arith.muli %add3A, %mul3A_243 : i32
      %add3A_245 = arith.addi %mul3A_244, %add3A_216 : i32
      %dma_wait3A_246 = arith.constant 0 : i32
      %dma_wait3A_247 = tpu.memref_slice %arg4[%add3A_245, %dma_wait3A_246] : memref<4000x80xi32, #tpu.memory_space<hbm>> -> memref<1x80xi32, #tpu.memory_space<hbm>>
      %dma_wait3A_248 = tpu.memref_squeeze %dma_wait3A_247 : memref<1x80xi32, #tpu.memory_space<hbm>> -> memref<80xi32, #tpu.memory_space<hbm>>
      %dma_wait3A_249 = arith.constant 0 : i32
      %dma_wait3A_250 = tpu.memref_slice %arg4[%add3A_245, %dma_wait3A_249] : memref<4000x80xi32, #tpu.memory_space<hbm>> -> memref<1x80xi32, #tpu.memory_space<hbm>>
      %dma_wait3A_251 = tpu.memref_squeeze %dma_wait3A_250 : memref<1x80xi32, #tpu.memory_space<hbm>> -> memref<80xi32, #tpu.memory_space<hbm>>
      tpu.wait_dma2 semaphore(%arg18 : memref<!tpu.dma_semaphore, #tpu.memory_space<semaphore_mem>>) src(%dma_wait3A_251 : memref<80xi32, #tpu.memory_space<hbm>>) dst(%arg8 : memref<80xi32, #tpu.memory_space<vmem>>)
      %dma_start3A_252 = arith.constant 0 : i32
      %dma_start3A_253 = arith.constant 0 : i32
      %dma_start3A_254 = tpu.memref_slice %arg13[%dma_start3A_252, %dma_start3A_253] : memref<10000x128xf32, #tpu.memory_space<vmem_shared>> -> memref<10000x128xf32, #tpu.memory_space<vmem_shared>>
      tpu.enqueue_indirect_dma source(%arg11 : memref<80x128xf32, #tpu.memory_space<vmem>>) target(%dma_start3A_254 : memref<10000x128xf32, #tpu.memory_space<vmem_shared>>) offsets(%arg8 : memref<80xi32, #tpu.memory_space<vmem>>) semaphore(%arg21 : memref<!tpu.dma_semaphore, #tpu.memory_space<semaphore_mem>>) {add = true}
      %dma_wait3A_255 = arith.constant 0 : i32
      %dma_wait3A_256 = arith.constant 0 : i32
      %dma_wait3A_257 = tpu.memref_slice %arg13[%dma_wait3A_255, %dma_wait3A_256] : memref<10000x128xf32, #tpu.memory_space<vmem_shared>> -> memref<10000x128xf32, #tpu.memory_space<vmem_shared>>
      tpu.wait_indirect_dma semaphore(%arg20 : memref<!tpu.dma_semaphore, #tpu.memory_space<semaphore_mem>>) src(%arg10 : memref<80x128xf32, #tpu.memory_space<vmem>>) dst(%dma_wait3A_257 : memref<10000x128xf32, #tpu.memory_space<vmem_shared>>)
      %add3A_258 = arith.constant 2 : i32
      %add3A_259 = arith.addi %add3A_216, %add3A_258 : i32
      %mul3A_260 = arith.constant 125 : i32
      %mul3A_261 = arith.muli %add3A, %mul3A_260 : i32
      %add3A_262 = arith.addi %mul3A_261, %add3A_259 : i32
      %dma_start3A_263 = arith.constant 0 : i32
      %dma_start3A_264 = tpu.memref_slice %arg4[%add3A_262, %dma_start3A_263] : memref<4000x80xi32, #tpu.memory_space<hbm>> -> memref<1x80xi32, #tpu.memory_space<hbm>>
      %dma_start3A_265 = tpu.memref_squeeze %dma_start3A_264 : memref<1x80xi32, #tpu.memory_space<hbm>> -> memref<80xi32, #tpu.memory_space<hbm>>
      %dma_start3A_266 = arith.constant 0 : i32
      %dma_start3A_267 = tpu.memref_slice %arg4[%add3A_262, %dma_start3A_266] : memref<4000x80xi32, #tpu.memory_space<hbm>> -> memref<1x80xi32, #tpu.memory_space<hbm>>
      %dma_start3A_268 = tpu.memref_squeeze %dma_start3A_267 : memref<1x80xi32, #tpu.memory_space<hbm>> -> memref<80xi32, #tpu.memory_space<hbm>>
      tpu.enqueue_dma source(%dma_start3A_268 : memref<80xi32, #tpu.memory_space<hbm>>) target(%arg7 : memref<80xi32, #tpu.memory_space<vmem>>) target_semaphore(%arg17 : memref<!tpu.dma_semaphore, #tpu.memory_space<semaphore_mem>>)
      %mul3A_269 = arith.constant 80 : i32
      %mul3A_270 = arith.muli %add3A_259, %mul3A_269 : i32
      %dma_start3A_271 = tpu.memref_slice %arg6[%mul3A_270] : memref<10000xi32, #tpu.memory_space<vmem>> -> memref<80xi32, #tpu.memory_space<vmem>>
      %dma_start3A_272 = arith.constant 0 : i32
      %dma_start3A_273 = arith.constant 0 : i32
      %dma_start3A_274 = tpu.memref_slice %arg2[%dma_start3A_272, %dma_start3A_273] : memref<10000x128xf32, #tpu.memory_space<hbm>> -> memref<10000x128xf32, #tpu.memory_space<hbm>>
      tpu.enqueue_indirect_dma source(%dma_start3A_274 : memref<10000x128xf32, #tpu.memory_space<hbm>>) target(%arg10 : memref<80x128xf32, #tpu.memory_space<vmem>>) offsets(%dma_start3A_271 : memref<80xi32, #tpu.memory_space<vmem>>) semaphore(%arg14 : memref<!tpu.dma_semaphore, #tpu.memory_space<semaphore_mem>>)
      %add3A_275 = arith.constant 1 : i32
      %add3A_276 = arith.addi %add3A_216, %add3A_275 : i32
      %mul3A_277 = arith.constant 80 : i32
      %mul3A_278 = arith.muli %add3A_276, %mul3A_277 : i32
      %dma_wait3A_279 = tpu.memref_slice %arg6[%mul3A_278] : memref<10000xi32, #tpu.memory_space<vmem>> -> memref<80xi32, #tpu.memory_space<vmem>>
      %dma_wait3A_280 = arith.constant 0 : i32
      %dma_wait3A_281 = arith.constant 0 : i32
      %dma_wait3A_282 = tpu.memref_slice %arg2[%dma_wait3A_280, %dma_wait3A_281] : memref<10000x128xf32, #tpu.memory_space<hbm>> -> memref<10000x128xf32, #tpu.memory_space<hbm>>
      tpu.wait_indirect_dma semaphore(%arg16 : memref<!tpu.dma_semaphore, #tpu.memory_space<semaphore_mem>>) src(%dma_wait3A_282 : memref<10000x128xf32, #tpu.memory_space<hbm>>) dst(%arg12 : memref<80x128xf32, #tpu.memory_space<vmem>>)
      %mul3A_283 = arith.constant 125 : i32
      %mul3A_284 = arith.muli %add3A, %mul3A_283 : i32
      %add3A_285 = arith.addi %mul3A_284, %add3A_276 : i32
      %dma_wait3A_286 = arith.constant 0 : i32
      %dma_wait3A_287 = tpu.memref_slice %arg4[%add3A_285, %dma_wait3A_286] : memref<4000x80xi32, #tpu.memory_space<hbm>> -> memref<1x80xi32, #tpu.memory_space<hbm>>
      %dma_wait3A_288 = tpu.memref_squeeze %dma_wait3A_287 : memref<1x80xi32, #tpu.memory_space<hbm>> -> memref<80xi32, #tpu.memory_space<hbm>>
      %dma_wait3A_289 = arith.constant 0 : i32
      %dma_wait3A_290 = tpu.memref_slice %arg4[%add3A_285, %dma_wait3A_289] : memref<4000x80xi32, #tpu.memory_space<hbm>> -> memref<1x80xi32, #tpu.memory_space<hbm>>
      %dma_wait3A_291 = tpu.memref_squeeze %dma_wait3A_290 : memref<1x80xi32, #tpu.memory_space<hbm>> -> memref<80xi32, #tpu.memory_space<hbm>>
      tpu.wait_dma2 semaphore(%arg19 : memref<!tpu.dma_semaphore, #tpu.memory_space<semaphore_mem>>) src(%dma_wait3A_291 : memref<80xi32, #tpu.memory_space<hbm>>) dst(%arg9 : memref<80xi32, #tpu.memory_space<vmem>>)
      %dma_start3A_292 = arith.constant 0 : i32
      %dma_start3A_293 = arith.constant 0 : i32
      %dma_start3A_294 = tpu.memref_slice %arg13[%dma_start3A_292, %dma_start3A_293] : memref<10000x128xf32, #tpu.memory_space<vmem_shared>> -> memref<10000x128xf32, #tpu.memory_space<vmem_shared>>
      tpu.enqueue_indirect_dma source(%arg12 : memref<80x128xf32, #tpu.memory_space<vmem>>) target(%dma_start3A_294 : memref<10000x128xf32, #tpu.memory_space<vmem_shared>>) offsets(%arg9 : memref<80xi32, #tpu.memory_space<vmem>>) semaphore(%arg22 : memref<!tpu.dma_semaphore, #tpu.memory_space<semaphore_mem>>) {add = true}
      %dma_wait3A_295 = arith.constant 0 : i32
      %dma_wait3A_296 = arith.constant 0 : i32
      %dma_wait3A_297 = tpu.memref_slice %arg13[%dma_wait3A_295, %dma_wait3A_296] : memref<10000x128xf32, #tpu.memory_space<vmem_shared>> -> memref<10000x128xf32, #tpu.memory_space<vmem_shared>>
      tpu.wait_indirect_dma semaphore(%arg21 : memref<!tpu.dma_semaphore, #tpu.memory_space<semaphore_mem>>) src(%arg11 : memref<80x128xf32, #tpu.memory_space<vmem>>) dst(%dma_wait3A_297 : memref<10000x128xf32, #tpu.memory_space<vmem_shared>>)
      %add3A_298 = arith.constant 3 : i32
      %add3A_299 = arith.addi %add3A_216, %add3A_298 : i32
      %mul3A_300 = arith.constant 125 : i32
      %mul3A_301 = arith.muli %add3A, %mul3A_300 : i32
      %add3A_302 = arith.addi %mul3A_301, %add3A_299 : i32
      %dma_start3A_303 = arith.constant 0 : i32
      %dma_start3A_304 = tpu.memref_slice %arg4[%add3A_302, %dma_start3A_303] : memref<4000x80xi32, #tpu.memory_space<hbm>> -> memref<1x80xi32, #tpu.memory_space<hbm>>
      %dma_start3A_305 = tpu.memref_squeeze %dma_start3A_304 : memref<1x80xi32, #tpu.memory_space<hbm>> -> memref<80xi32, #tpu.memory_space<hbm>>
      %dma_start3A_306 = arith.constant 0 : i32
      %dma_start3A_307 = tpu.memref_slice %arg4[%add3A_302, %dma_start3A_306] : memref<4000x80xi32, #tpu.memory_space<hbm>> -> memref<1x80xi32, #tpu.memory_space<hbm>>
      %dma_start3A_308 = tpu.memref_squeeze %dma_start3A_307 : memref<1x80xi32, #tpu.memory_space<hbm>> -> memref<80xi32, #tpu.memory_space<hbm>>
      tpu.enqueue_dma source(%dma_start3A_308 : memref<80xi32, #tpu.memory_space<hbm>>) target(%arg8 : memref<80xi32, #tpu.memory_space<vmem>>) target_semaphore(%arg18 : memref<!tpu.dma_semaphore, #tpu.memory_space<semaphore_mem>>)
      %mul3A_309 = arith.constant 80 : i32
      %mul3A_310 = arith.muli %add3A_299, %mul3A_309 : i32
      %dma_start3A_311 = tpu.memref_slice %arg6[%mul3A_310] : memref<10000xi32, #tpu.memory_space<vmem>> -> memref<80xi32, #tpu.memory_space<vmem>>
      %dma_start3A_312 = arith.constant 0 : i32
      %dma_start3A_313 = arith.constant 0 : i32
      %dma_start3A_314 = tpu.memref_slice %arg2[%dma_start3A_312, %dma_start3A_313] : memref<10000x128xf32, #tpu.memory_space<hbm>> -> memref<10000x128xf32, #tpu.memory_space<hbm>>
      tpu.enqueue_indirect_dma source(%dma_start3A_314 : memref<10000x128xf32, #tpu.memory_space<hbm>>) target(%arg11 : memref<80x128xf32, #tpu.memory_space<vmem>>) offsets(%dma_start3A_311 : memref<80xi32, #tpu.memory_space<vmem>>) semaphore(%arg15 : memref<!tpu.dma_semaphore, #tpu.memory_space<semaphore_mem>>)
      %add3A_315 = arith.constant 2 : i32
      %add3A_316 = arith.addi %add3A_216, %add3A_315 : i32
      %mul3A_317 = arith.constant 80 : i32
      %mul3A_318 = arith.muli %add3A_316, %mul3A_317 : i32
      %dma_wait3A_319 = tpu.memref_slice %arg6[%mul3A_318] : memref<10000xi32, #tpu.memory_space<vmem>> -> memref<80xi32, #tpu.memory_space<vmem>>
      %dma_wait3A_320 = arith.constant 0 : i32
      %dma_wait3A_321 = arith.constant 0 : i32
      %dma_wait3A_322 = tpu.memref_slice %arg2[%dma_wait3A_320, %dma_wait3A_321] : memref<10000x128xf32, #tpu.memory_space<hbm>> -> memref<10000x128xf32, #tpu.memory_space<hbm>>
      tpu.wait_indirect_dma semaphore(%arg14 : memref<!tpu.dma_semaphore, #tpu.memory_space<semaphore_mem>>) src(%dma_wait3A_322 : memref<10000x128xf32, #tpu.memory_space<hbm>>) dst(%arg10 : memref<80x128xf32, #tpu.memory_space<vmem>>)
      %mul3A_323 = arith.constant 125 : i32
      %mul3A_324 = arith.muli %add3A, %mul3A_323 : i32
      %add3A_325 = arith.addi %mul3A_324, %add3A_316 : i32
      %dma_wait3A_326 = arith.constant 0 : i32
      %dma_wait3A_327 = tpu.memref_slice %arg4[%add3A_325, %dma_wait3A_326] : memref<4000x80xi32, #tpu.memory_space<hbm>> -> memref<1x80xi32, #tpu.memory_space<hbm>>
      %dma_wait3A_328 = tpu.memref_squeeze %dma_wait3A_327 : memref<1x80xi32, #tpu.memory_space<hbm>> -> memref<80xi32, #tpu.memory_space<hbm>>
      %dma_wait3A_329 = arith.constant 0 : i32
      %dma_wait3A_330 = tpu.memref_slice %arg4[%add3A_325, %dma_wait3A_329] : memref<4000x80xi32, #tpu.memory_space<hbm>> -> memref<1x80xi32, #tpu.memory_space<hbm>>
      %dma_wait3A_331 = tpu.memref_squeeze %dma_wait3A_330 : memref<1x80xi32, #tpu.memory_space<hbm>> -> memref<80xi32, #tpu.memory_space<hbm>>
      tpu.wait_dma2 semaphore(%arg17 : memref<!tpu.dma_semaphore, #tpu.memory_space<semaphore_mem>>) src(%dma_wait3A_331 : memref<80xi32, #tpu.memory_space<hbm>>) dst(%arg7 : memref<80xi32, #tpu.memory_space<vmem>>)
      %dma_start3A_332 = arith.constant 0 : i32
      %dma_start3A_333 = arith.constant 0 : i32
      %dma_start3A_334 = tpu.memref_slice %arg13[%dma_start3A_332, %dma_start3A_333] : memref<10000x128xf32, #tpu.memory_space<vmem_shared>> -> memref<10000x128xf32, #tpu.memory_space<vmem_shared>>
      tpu.enqueue_indirect_dma source(%arg10 : memref<80x128xf32, #tpu.memory_space<vmem>>) target(%dma_start3A_334 : memref<10000x128xf32, #tpu.memory_space<vmem_shared>>) offsets(%arg7 : memref<80xi32, #tpu.memory_space<vmem>>) semaphore(%arg20 : memref<!tpu.dma_semaphore, #tpu.memory_space<semaphore_mem>>) {add = true}
      %scan3A_335 = arith.constant 0 : i32
      scf.yield %scan3A_335 : i32
    }
    %scan3A_182 = arith.constant 40 : i32
    %dma_wait3A_183 = arith.constant 0 : i32
    %dma_wait3A_184 = arith.constant 0 : i32
    %dma_wait3A_185 = tpu.memref_slice %arg13[%dma_wait3A_183, %dma_wait3A_184] : memref<10000x128xf32, #tpu.memory_space<vmem_shared>> -> memref<10000x128xf32, #tpu.memory_space<vmem_shared>>
    tpu.wait_indirect_dma semaphore(%arg22 : memref<!tpu.dma_semaphore, #tpu.memory_space<semaphore_mem>>) src(%arg12 : memref<80x128xf32, #tpu.memory_space<vmem>>) dst(%dma_wait3A_185 : memref<10000x128xf32, #tpu.memory_space<vmem_shared>>)
    %dma_wait3A_186 = arith.constant 9920 : i32
    %dma_wait3A_187 = tpu.memref_slice %arg6[%dma_wait3A_186] : memref<10000xi32, #tpu.memory_space<vmem>> -> memref<80xi32, #tpu.memory_space<vmem>>
    %dma_wait3A_188 = arith.constant 0 : i32
    %dma_wait3A_189 = arith.constant 0 : i32
    %dma_wait3A_190 = tpu.memref_slice %arg2[%dma_wait3A_188, %dma_wait3A_189] : memref<10000x128xf32, #tpu.memory_space<hbm>> -> memref<10000x128xf32, #tpu.memory_space<hbm>>
    tpu.wait_indirect_dma semaphore(%arg15 : memref<!tpu.dma_semaphore, #tpu.memory_space<semaphore_mem>>) src(%dma_wait3A_190 : memref<10000x128xf32, #tpu.memory_space<hbm>>) dst(%arg11 : memref<80x128xf32, #tpu.memory_space<vmem>>)
    %mul3A_191 = arith.constant 125 : i32
    %mul3A_192 = arith.muli %add3A, %mul3A_191 : i32
    %add3A_193 = arith.constant 124 : i32
    %add3A_194 = arith.addi %mul3A_192, %add3A_193 : i32
    %dma_wait3A_195 = arith.constant 0 : i32
    %dma_wait3A_196 = tpu.memref_slice %arg4[%add3A_194, %dma_wait3A_195] : memref<4000x80xi32, #tpu.memory_space<hbm>> -> memref<1x80xi32, #tpu.memory_space<hbm>>
    %dma_wait3A_197 = tpu.memref_squeeze %dma_wait3A_196 : memref<1x80xi32, #tpu.memory_space<hbm>> -> memref<80xi32, #tpu.memory_space<hbm>>
    %dma_wait3A_198 = arith.constant 0 : i32
    %dma_wait3A_199 = tpu.memref_slice %arg4[%add3A_194, %dma_wait3A_198] : memref<4000x80xi32, #tpu.memory_space<hbm>> -> memref<1x80xi32, #tpu.memory_space<hbm>>
    %dma_wait3A_200 = tpu.memref_squeeze %dma_wait3A_199 : memref<1x80xi32, #tpu.memory_space<hbm>> -> memref<80xi32, #tpu.memory_space<hbm>>
    tpu.wait_dma2 semaphore(%arg18 : memref<!tpu.dma_semaphore, #tpu.memory_space<semaphore_mem>>) src(%dma_wait3A_200 : memref<80xi32, #tpu.memory_space<hbm>>) dst(%arg8 : memref<80xi32, #tpu.memory_space<vmem>>)
    %dma_start3A_201 = arith.constant 0 : i32
    %dma_start3A_202 = arith.constant 0 : i32
    %dma_start3A_203 = tpu.memref_slice %arg13[%dma_start3A_201, %dma_start3A_202] : memref<10000x128xf32, #tpu.memory_space<vmem_shared>> -> memref<10000x128xf32, #tpu.memory_space<vmem_shared>>
    tpu.enqueue_indirect_dma source(%arg11 : memref<80x128xf32, #tpu.memory_space<vmem>>) target(%dma_start3A_203 : memref<10000x128xf32, #tpu.memory_space<vmem_shared>>) offsets(%arg8 : memref<80xi32, #tpu.memory_space<vmem>>) semaphore(%arg21 : memref<!tpu.dma_semaphore, #tpu.memory_space<semaphore_mem>>) {add = true}
    %dma_wait3A_204 = arith.constant 0 : i32
    %dma_wait3A_205 = arith.constant 0 : i32
    %dma_wait3A_206 = tpu.memref_slice %arg13[%dma_wait3A_204, %dma_wait3A_205] : memref<10000x128xf32, #tpu.memory_space<vmem_shared>> -> memref<10000x128xf32, #tpu.memory_space<vmem_shared>>
    tpu.wait_indirect_dma semaphore(%arg20 : memref<!tpu.dma_semaphore, #tpu.memory_space<semaphore_mem>>) src(%arg10 : memref<80x128xf32, #tpu.memory_space<vmem>>) dst(%dma_wait3A_206 : memref<10000x128xf32, #tpu.memory_space<vmem_shared>>)
    %dma_wait3A_207 = arith.constant 0 : i32
    %dma_wait3A_208 = arith.constant 0 : i32
    %dma_wait3A_209 = tpu.memref_slice %arg13[%dma_wait3A_207, %dma_wait3A_208] : memref<10000x128xf32, #tpu.memory_space<vmem_shared>> -> memref<10000x128xf32, #tpu.memory_space<vmem_shared>>
    tpu.wait_indirect_dma semaphore(%arg21 : memref<!tpu.dma_semaphore, #tpu.memory_space<semaphore_mem>>) src(%arg11 : memref<80x128xf32, #tpu.memory_space<vmem>>) dst(%dma_wait3A_209 : memref<10000x128xf32, #tpu.memory_space<vmem_shared>>)
    %barrier3A_210 = arith.constant 0 : index
    tpu.barrier barrier_id(%barrier3A_210)
    "tpu.region"() ({
      %run_scoped3A = tpu.sem_alloc : memref<!tpu.dma_semaphore, #tpu.memory_space<semaphore_mem>>
      %dma_start3A_211 = arith.constant 0 : i32
      %dma_start3A_212 = arith.constant 0 : i32
      %dma_start3A_213 = tpu.memref_slice %arg5[%arg0, %arg1, %dma_start3A_211, %dma_start3A_212] : memref<2x16x625x128xf32, #tpu.memory_space<hbm>> -> memref<1x1x625x128xf32, #tpu.memory_space<hbm>>
      %dma_start3A_214 = tpu.memref_squeeze %dma_start3A_213 : memref<1x1x625x128xf32, #tpu.memory_space<hbm>> -> memref<625x128xf32, #tpu.memory_space<hbm>>
      %dma_start3A_215 = arith.constant 0 : i32
      %dma_start3A_216 = tpu.memref_slice %arg13[%mul3A_8, %dma_start3A_215] : memref<10000x128xf32, #tpu.memory_space<vmem_shared>> -> memref<625x128xf32, #tpu.memory_space<vmem_shared>>
      tpu.enqueue_dma source(%dma_start3A_216 : memref<625x128xf32, #tpu.memory_space<vmem_shared>>) target(%dma_start3A_214 : memref<625x128xf32, #tpu.memory_space<hbm>>) target_semaphore(%run_scoped3A : memref<!tpu.dma_semaphore, #tpu.memory_space<semaphore_mem>>)
      %dma_wait3A_217 = arith.constant 0 : i32
      %dma_wait3A_218 = arith.constant 0 : i32
      %dma_wait3A_219 = tpu.memref_slice %arg5[%arg0, %arg1, %dma_wait3A_217, %dma_wait3A_218] : memref<2x16x625x128xf32, #tpu.memory_space<hbm>> -> memref<1x1x625x128xf32, #tpu.memory_space<hbm>>
      %dma_wait3A_220 = tpu.memref_squeeze %dma_wait3A_219 : memref<1x1x625x128xf32, #tpu.memory_space<hbm>> -> memref<625x128xf32, #tpu.memory_space<hbm>>
      %dma_wait3A_221 = arith.constant 0 : i32
      %dma_wait3A_222 = tpu.memref_slice %arg13[%mul3A_8, %dma_wait3A_221] : memref<10000x128xf32, #tpu.memory_space<vmem_shared>> -> memref<625x128xf32, #tpu.memory_space<vmem_shared>>
      tpu.wait_dma2 semaphore(%run_scoped3A : memref<!tpu.dma_semaphore, #tpu.memory_space<semaphore_mem>>) src(%dma_wait3A_222 : memref<625x128xf32, #tpu.memory_space<vmem_shared>>) dst(%dma_wait3A_220 : memref<625x128xf32, #tpu.memory_space<hbm>>)
      tpu.yield
    }) : () -> ()
    return
  }
}

module attributes {stable_mosaic.version = 14 : i64} {
  func.func @_tc_pre_body(%arg0: memref<32x10000xi32, #tpu.memory_space<vmem>>, %arg1: memref<10000x128xf32, #tpu.memory_space<vmem>>, %arg2: memref<10000x1xf32, #tpu.memory_space<vmem>>, %arg3: memref<10000x128xf32, #tpu.memory_space<vmem>>) attributes {dimension_semantics = [], scalar_prefetch = 0 : i64, scratch_operands = 0 : i64, tpu.core_type = #tpu.core_type<tc>} {
    %get3A = arith.constant 0 : index
    %get3A_0 = arith.constant 0 : index
    %get3A_1 = vector.load %arg0[%get3A, %get3A_0] : memref<32x10000xi32, #tpu.memory_space<vmem>>, vector<32x10000xi32>
    %reduce_sum3A = arith.constant dense<0> : vector<10000xi32>
    %reduce_sum3A_2 = vector.multi_reduction <add>, %get3A_1, %reduce_sum3A [0] : vector<32x10000xi32> to vector<10000xi32>
    %convert_element_type3A = arith.sitofp %reduce_sum3A_2 : vector<10000xi32> to vector<10000xf32>
    %add3A = arith.constant 1.000000e+00 : f32
    %add3A_3 = vector.broadcast %add3A : f32 to vector<10000xf32>
    %add3A_4 = arith.addf %convert_element_type3A, %add3A_3 : vector<10000xf32>
    %rsqrt3A = math.rsqrt %add3A_4 : vector<10000xf32>
    %reshape3A = vector.shape_cast %rsqrt3A : vector<10000xf32> to vector<10000x1xf32>
    %swap3A = arith.constant 0 : index
    %swap3A_5 = arith.constant 0 : index
    %swap3A_6 = vector.load %arg2[%swap3A, %swap3A_5] : memref<10000x1xf32, #tpu.memory_space<vmem>>, vector<10000x1xf32>
    tpu.vector_store %arg2[%swap3A, %swap3A_5], %reshape3A {strides = array<i32>} : memref<10000x1xf32, #tpu.memory_space<vmem>>, vector<10000x1xf32>,
    %get3A_7 = arith.constant 0 : index
    %get3A_8 = arith.constant 0 : index
    %get3A_9 = vector.load %arg1[%get3A_7, %get3A_8] : memref<10000x128xf32, #tpu.memory_space<vmem>>, vector<10000x128xf32>
    %mul3A = vector.broadcast %reshape3A : vector<10000x1xf32> to vector<10000x128xf32>
    %mul3A_10 = arith.mulf %mul3A, %get3A_9 : vector<10000x128xf32>
    %swap3A_11 = arith.constant 0 : index
    %swap3A_12 = arith.constant 0 : index
    %swap3A_13 = vector.load %arg3[%swap3A_11, %swap3A_12] : memref<10000x128xf32, #tpu.memory_space<vmem>>, vector<10000x128xf32>
    tpu.vector_store %arg3[%swap3A_11, %swap3A_12], %mul3A_10 {strides = array<i32>} : memref<10000x128xf32, #tpu.memory_space<vmem>>, vector<10000x128xf32>,
    return
  }
}

module attributes {stable_mosaic.version = 14 : i64} {
  func.func @_tc_mid_body(%arg0: i32, %arg1: memref<1000x128xf32, #tpu.memory_space<vmem>>, %arg2: memref<1000x128xf32, #tpu.memory_space<vmem>>, %arg3: memref<1000x128xf32, #tpu.memory_space<vmem>>, %arg4: memref<1000x1xf32, #tpu.memory_space<vmem>>, %arg5: memref<128x256xf32, #tpu.memory_space<vmem>>, %arg6: memref<1x256xf32, #tpu.memory_space<vmem>>, %arg7: memref<256x128xf32, #tpu.memory_space<vmem>>, %arg8: memref<1000x128xf32, #tpu.memory_space<vmem>>) attributes {dimension_semantics = [#tpu.dimension_semantics<arbitrary>], iteration_bounds = array<i64: 10>, scalar_prefetch = 0 : i64, scratch_operands = 0 : i64, tpu.core_type = #tpu.core_type<tc>, window_params = [{transform_indices = @transform_0, window_bounds = array<i64: 1000, 128>}, {transform_indices = @transform_1, window_bounds = array<i64: 1000, 128>}, {transform_indices = @transform_2, window_bounds = array<i64: 1000, 128>}, {transform_indices = @transform_3, window_bounds = array<i64: 1000, 1>}, {pipeline_mode = #tpu.pipeline_mode<synchronous>, transform_indices = @transform_4, window_bounds = array<i64: 128, 256>}, {pipeline_mode = #tpu.pipeline_mode<synchronous>, transform_indices = @transform_5, window_bounds = array<i64: 1, 256>}, {pipeline_mode = #tpu.pipeline_mode<synchronous>, transform_indices = @transform_6, window_bounds = array<i64: 256, 128>}, {transform_indices = @transform_7, window_bounds = array<i64: 1000, 128>}]} {
    %get3A = arith.constant 0 : index
    %get3A_0 = arith.constant 0 : index
    %get3A_1 = vector.load %arg4[%get3A, %get3A_0] : memref<1000x1xf32, #tpu.memory_space<vmem>>, vector<1000x1xf32>
    %get3A_2 = arith.constant 0 : index
    %get3A_3 = arith.constant 0 : index
    %get3A_4 = vector.load %arg1[%get3A_2, %get3A_3] : memref<1000x128xf32, #tpu.memory_space<vmem>>, vector<1000x128xf32>
    %get3A_5 = arith.constant 0 : index
    %get3A_6 = arith.constant 0 : index
    %get3A_7 = vector.load %arg2[%get3A_5, %get3A_6] : memref<1000x128xf32, #tpu.memory_space<vmem>>, vector<1000x128xf32>
    %add3A = arith.addf %get3A_4, %get3A_7 : vector<1000x128xf32>
    %get3A_8 = arith.constant 0 : index
    %get3A_9 = arith.constant 0 : index
    %get3A_10 = vector.load %arg3[%get3A_8, %get3A_9] : memref<1000x128xf32, #tpu.memory_space<vmem>>, vector<1000x128xf32>
    %add3A_11 = arith.addf %add3A, %get3A_10 : vector<1000x128xf32>
    %mul3A = vector.broadcast %get3A_1 : vector<1000x1xf32> to vector<1000x128xf32>
    %mul3A_12 = arith.mulf %mul3A, %add3A_11 : vector<1000x128xf32>
    %get3A_13 = arith.constant 0 : index
    %get3A_14 = arith.constant 0 : index
    %get3A_15 = vector.load %arg5[%get3A_13, %get3A_14] : memref<128x256xf32, #tpu.memory_space<vmem>>, vector<128x256xf32>
    %dot_general3A = arith.constant dense<0.000000e+00> : vector<1000x256xf32>
    %dot_general3A_16 = tpu.matmul %mul3A_12, %get3A_15, %dot_general3A {dimension_numbers = #tpu.dot_dimension_numbers<[1], [0], [0], [1], [0, 0, 1, 1], [], []>, transpose_lhs_hint = false} : vector<1000x128xf32>, vector<128x256xf32>, vector<1000x256xf32> -> vector<1000x256xf32>
    %get3A_17 = arith.constant 0 : index
    %get3A_18 = arith.constant 0 : index
    %get3A_19 = vector.load %arg6[%get3A_17, %get3A_18] : memref<1x256xf32, #tpu.memory_space<vmem>>, vector<1x256xf32>
    %add3A_20 = vector.broadcast %get3A_19 : vector<1x256xf32> to vector<1000x256xf32>
    %add3A_21 = arith.addf %dot_general3A_16, %add3A_20 : vector<1000x256xf32>
    %max3A = arith.constant 0.000000e+00 : f32
    %max3A_22 = vector.broadcast %max3A : f32 to vector<1000x256xf32>
    %max3A_23 = arith.maximumf %add3A_21, %max3A_22 : vector<1000x256xf32>
    %get3A_24 = arith.constant 0 : index
    %get3A_25 = arith.constant 0 : index
    %get3A_26 = vector.load %arg7[%get3A_24, %get3A_25] : memref<256x128xf32, #tpu.memory_space<vmem>>, vector<256x128xf32>
    %dot_general3A_27 = arith.constant dense<0.000000e+00> : vector<1000x128xf32>
    %dot_general3A_28 = tpu.matmul %max3A_23, %get3A_26, %dot_general3A_27 {dimension_numbers = #tpu.dot_dimension_numbers<[1], [0], [0], [1], [0, 0, 1, 1], [], []>, transpose_lhs_hint = false} : vector<1000x256xf32>, vector<256x128xf32>, vector<1000x128xf32> -> vector<1000x128xf32>
    %get3A_29 = arith.constant 0 : index
    %get3A_30 = arith.constant 0 : index
    %get3A_31 = vector.load %arg4[%get3A_29, %get3A_30] : memref<1000x1xf32, #tpu.memory_space<vmem>>, vector<1000x1xf32>
    %mul3A_32 = vector.broadcast %get3A_31 : vector<1000x1xf32> to vector<1000x128xf32>
    %mul3A_33 = arith.mulf %mul3A_32, %dot_general3A_28 : vector<1000x128xf32>
    %swap3A = arith.constant 0 : index
    %swap3A_34 = arith.constant 0 : index
    %swap3A_35 = vector.load %arg8[%swap3A, %swap3A_34] : memref<1000x128xf32, #tpu.memory_space<vmem>>, vector<1000x128xf32>
    tpu.vector_store %arg8[%swap3A, %swap3A_34], %mul3A_33 {strides = array<i32>} : memref<1000x128xf32, #tpu.memory_space<vmem>>, vector<1000x128xf32>,
    return
  }
  func.func @transform_0(%arg0: i32) -> (i32, i32) {
    %c0_i32 = arith.constant 0 : i32
    %c0_i32_0 = arith.constant 0 : i32
    return %arg0, %c0_i32 : i32, i32
  }
  func.func @transform_1(%arg0: i32) -> (i32, i32) {
    %c0_i32 = arith.constant 0 : i32
    %c0_i32_0 = arith.constant 0 : i32
    return %arg0, %c0_i32 : i32, i32
  }
  func.func @transform_2(%arg0: i32) -> (i32, i32) {
    %c0_i32 = arith.constant 0 : i32
    %c0_i32_0 = arith.constant 0 : i32
    return %arg0, %c0_i32 : i32, i32
  }
  func.func @transform_3(%arg0: i32) -> (i32, i32) {
    %c0_i32 = arith.constant 0 : i32
    %c0_i32_0 = arith.constant 0 : i32
    return %arg0, %c0_i32 : i32, i32
  }
  func.func @transform_4(%arg0: i32) -> (i32, i32) {
    %c0_i32 = arith.constant 0 : i32
    %c0_i32_0 = arith.constant 0 : i32
    %c0_i32_1 = arith.constant 0 : i32
    return %c0_i32, %c0_i32_0 : i32, i32
  }
  func.func @transform_5(%arg0: i32) -> (i32, i32) {
    %c0_i32 = arith.constant 0 : i32
    %c0_i32_0 = arith.constant 0 : i32
    %c0_i32_1 = arith.constant 0 : i32
    return %c0_i32, %c0_i32_0 : i32, i32
  }
  func.func @transform_6(%arg0: i32) -> (i32, i32) {
    %c0_i32 = arith.constant 0 : i32
    %c0_i32_0 = arith.constant 0 : i32
    %c0_i32_1 = arith.constant 0 : i32
    return %c0_i32, %c0_i32_0 : i32, i32
  }
  func.func @transform_7(%arg0: i32) -> (i32, i32) {
    %c0_i32 = arith.constant 0 : i32
    %c0_i32_0 = arith.constant 0 : i32
    return %arg0, %c0_i32 : i32, i32
  }
}

module attributes {stable_mosaic.version = 14 : i64} {
  func.func @_tc_post_body(%arg0: i32, %arg1: memref<1000x128xf32, #tpu.memory_space<vmem>>, %arg2: memref<1000x128xf32, #tpu.memory_space<vmem>>, %arg3: memref<1000x128xf32, #tpu.memory_space<vmem>>, %arg4: memref<1000x1xf32, #tpu.memory_space<vmem>>, %arg5: memref<1x128xf32, #tpu.memory_space<vmem>>, %arg6: memref<1000x128xf32, #tpu.memory_space<vmem>>) attributes {dimension_semantics = [#tpu.dimension_semantics<arbitrary>], iteration_bounds = array<i64: 10>, scalar_prefetch = 0 : i64, scratch_operands = 0 : i64, tpu.core_type = #tpu.core_type<tc>, window_params = [{transform_indices = @transform_0, window_bounds = array<i64: 1000, 128>}, {transform_indices = @transform_1, window_bounds = array<i64: 1000, 128>}, {transform_indices = @transform_2, window_bounds = array<i64: 1000, 128>}, {transform_indices = @transform_3, window_bounds = array<i64: 1000, 1>}, {pipeline_mode = #tpu.pipeline_mode<synchronous>, transform_indices = @transform_4, window_bounds = array<i64: 1, 128>}, {transform_indices = @transform_5, window_bounds = array<i64: 1000, 128>}]} {
    %get3A = arith.constant 0 : index
    %get3A_0 = arith.constant 0 : index
    %get3A_1 = vector.load %arg4[%get3A, %get3A_0] : memref<1000x1xf32, #tpu.memory_space<vmem>>, vector<1000x1xf32>
    %get3A_2 = arith.constant 0 : index
    %get3A_3 = arith.constant 0 : index
    %get3A_4 = vector.load %arg1[%get3A_2, %get3A_3] : memref<1000x128xf32, #tpu.memory_space<vmem>>, vector<1000x128xf32>
    %get3A_5 = arith.constant 0 : index
    %get3A_6 = arith.constant 0 : index
    %get3A_7 = vector.load %arg2[%get3A_5, %get3A_6] : memref<1000x128xf32, #tpu.memory_space<vmem>>, vector<1000x128xf32>
    %add3A = arith.addf %get3A_4, %get3A_7 : vector<1000x128xf32>
    %get3A_8 = arith.constant 0 : index
    %get3A_9 = arith.constant 0 : index
    %get3A_10 = vector.load %arg3[%get3A_8, %get3A_9] : memref<1000x128xf32, #tpu.memory_space<vmem>>, vector<1000x128xf32>
    %add3A_11 = arith.addf %add3A, %get3A_10 : vector<1000x128xf32>
    %mul3A = vector.broadcast %get3A_1 : vector<1000x1xf32> to vector<1000x128xf32>
    %mul3A_12 = arith.mulf %mul3A, %add3A_11 : vector<1000x128xf32>
    %get3A_13 = arith.constant 0 : index
    %get3A_14 = arith.constant 0 : index
    %get3A_15 = vector.load %arg5[%get3A_13, %get3A_14] : memref<1x128xf32, #tpu.memory_space<vmem>>, vector<1x128xf32>
    %add3A_16 = vector.broadcast %get3A_15 : vector<1x128xf32> to vector<1000x128xf32>
    %add3A_17 = arith.addf %mul3A_12, %add3A_16 : vector<1000x128xf32>
    %reduce_max3A = arith.constant dense<0xFF800000> : vector<1000xf32>
    %reduce_max3A_18 = vector.multi_reduction <maximumf>, %add3A_17, %reduce_max3A [1] : vector<1000x128xf32> to vector<1000xf32>
    %broadcast_in_dim3A = vector.shape_cast %reduce_max3A_18 : vector<1000xf32> to vector<1000x1xf32>
    %sub3A = vector.broadcast %broadcast_in_dim3A : vector<1000x1xf32> to vector<1000x128xf32>
    %sub3A_19 = arith.subf %add3A_17, %sub3A : vector<1000x128xf32>
    %exp3A = math.exp %sub3A_19 : vector<1000x128xf32>
    %reduce_sum3A = arith.constant dense<0.000000e+00> : vector<1000xf32>
    %reduce_sum3A_20 = vector.multi_reduction <add>, %exp3A, %reduce_sum3A [1] : vector<1000x128xf32> to vector<1000xf32>
    %broadcast_in_dim3A_21 = vector.shape_cast %reduce_sum3A_20 : vector<1000xf32> to vector<1000x1xf32>
    %div3A = vector.broadcast %broadcast_in_dim3A_21 : vector<1000x1xf32> to vector<1000x128xf32>
    %div3A_22 = arith.divf %exp3A, %div3A : vector<1000x128xf32>
    %swap3A = arith.constant 0 : index
    %swap3A_23 = arith.constant 0 : index
    %swap3A_24 = vector.load %arg6[%swap3A, %swap3A_23] : memref<1000x128xf32, #tpu.memory_space<vmem>>, vector<1000x128xf32>
    tpu.vector_store %arg6[%swap3A, %swap3A_23], %div3A_22 {strides = array<i32>} : memref<1000x128xf32, #tpu.memory_space<vmem>>, vector<1000x128xf32>,
    return
  }
  func.func @transform_0(%arg0: i32) -> (i32, i32) {
    %c0_i32 = arith.constant 0 : i32
    %c0_i32_0 = arith.constant 0 : i32
    return %arg0, %c0_i32 : i32, i32
  }
  func.func @transform_1(%arg0: i32) -> (i32, i32) {
    %c0_i32 = arith.constant 0 : i32
    %c0_i32_0 = arith.constant 0 : i32
    return %arg0, %c0_i32 : i32, i32
  }
  func.func @transform_2(%arg0: i32) -> (i32, i32) {
    %c0_i32 = arith.constant 0 : i32
    %c0_i32_0 = arith.constant 0 : i32
    return %arg0, %c0_i32 : i32, i32
  }
  func.func @transform_3(%arg0: i32) -> (i32, i32) {
    %c0_i32 = arith.constant 0 : i32
    %c0_i32_0 = arith.constant 0 : i32
    return %arg0, %c0_i32 : i32, i32
  }
  func.func @transform_4(%arg0: i32) -> (i32, i32) {
    %c0_i32 = arith.constant 0 : i32
    %c0_i32_0 = arith.constant 0 : i32
    %c0_i32_1 = arith.constant 0 : i32
    return %c0_i32, %c0_i32_0 : i32, i32
  }
  func.func @transform_5(%arg0: i32) -> (i32, i32) {
    %c0_i32 = arith.constant 0 : i32
    %c0_i32_0 = arith.constant 0 : i32
    return %arg0, %c0_i32 : i32, i32
  }
}

</mosaic_0001>

<sc_bundles>
// kernel: kernel.11.cloned.1.call-start
scs
__scs_entry_jumppad:
0x0: {  	(pc) =	sbr.rel $0x88, $3  }
0x1: {  	(tag) =	ssettag $0x0;
	lr =	simm.s32 $0x1  }
0x2: {  	[smem:$0x3F9B] =	sst lr;
	_ =	strace $0xD0000000  }
0x3: {  	_ = 	snop  }
0x4: {  	_ = 	snop  }
0x5: {  	_ = 	snop  }
0x6: {  	_ = 	snop  }
0x7: {  	_ = 	snop  }
__scs_overlays_trampoline_lowered:
0x8: {  	[smem:$0x3FAA] =	sst s0  }
0x9: {  	[smem:$0x3FAB] =	sst s1  }
0xa: {  	[smem:$0x3FAC] =	sst s2  }
0xb: {  	[smem:$0x3FAD] =	sst s3  }
0xc: {  	[smem:$0x3FAE] =	sst s4  }
0xd: {  	[smem:$0x3FAF] =	sst s5  }
0xe: {  	[smem:$0x3FB0] =	sst s6  }
0xf: {  	[smem:$0x3FB1] =	sst s7  }
0x10: {  	[smem:$0x3FB2] =	sst s8  }
0x11: {  	[smem:$0x3FB3] =	sst s9;
	s0 =	simm.s32 @!p0 $0x0  }
0x12: {  	s1 =	sld [smem:$0x3F99];
	s0 =	simm.s32 @p0 $0x1  }
0x13: {  	[smem:$0x3FB4] =	sst s0;
	s0 =	simm.s32 @!p1 $0x0  }
0x14: {  	s2 =	sld [smem:$0x3F98];
	s0 =	simm.s32 @p1 $0x1  }
0x15: {  	[smem:$0x3FB5] =	sst s0;
	s0 =	simm.s32 @!p2 $0x0  }
0x16: {  	s3 =	sld [smem:$0x3FDB];
	s0 =	simm.s32 @p2 $0x1  }
0x17: {  	s4 =	simm.s32 $0x1BF5;
	[smem:$0x3FB7] =	sst s0  }
0x18: {  	s0 =	sld [smem:$0x3F9A];
	_ =	swait.ge [sflag:s4], $0x0  }
0x19: {  	s7 =	sld [smem:$0x3F9B]  }
0x1a: {  	s8 =	sadd.s32 $0xFFFFE003, lr  }
0x1b: {  	s9 =	sadd.s32 $0xFFFFFEF7, lr;
	s5 =	simm.s32 $0xFFFFFFFF;
	p2 =	slt.u32 s8, $0xFFFFF086  }
0x1c: {  	p1 =	slt.u32 s9, $0xF7A;
	s5 =	simm.s32 @!p2 $0x0  }
0x1d: {  	s5 =	simm.s32 @p1 $0x1;
	p0 =	seq.s32 s7, s2  }
0x1e: {  	s7 =	smul.u32 @!p0 $0xF7A, s2;
	p2 =	seq.s32 @!p0 s5, $0x0  }
0x1f: {  	s9 =	smul.u32 $0xF7A, s1;
	s8 =	simm.s32 @!p0 $0x1BF5;
	p2 =	por !p2, p0  }
0x20: {  	[sflag:s8] =	ssyncset.s32 @!p0 $0xFFFFF086;
	s6 =	sadd.s32 @!p0 s3, s7;
	s7 =	simm.s32 @!p0 $0x108  }
0x21: {  	s3 =	sadd.s32 s3, s9;
	s6 =	sadd.s32 @!p0 $0x88, s6;
	s7 =	simm.s32 @p2 $0x1082  }
0x22: {  	[simem:s7], [sflag:s8] =	dma.local @!p0 [hbm:s6], $0xF7A  }
0x23: {  	s9 =	sor.u32 $0xD0000000, s2;
	s6 =	simm.s32 $0x108;
	_ =	swait.ge @!p0 [sflag:s8], $0x0  }
0x24: {  	s3 =	sadd.s32 $0x88, s3;
	s6 =	simm.s32 @!p1 $0x1082;
	[sflag:s4] =	ssyncset.s32 $0xFFFFF086  }
0x25: {  	[simem:s6], [sflag:s4] =	dma.local [hbm:s3], $0xF7A  }
0x26: {  	[smem:$0x3F9B] =	sst s1;
	(tag) =	ssettag s2;
	_ =	strace s9  }
0x27: {  	s1 =	sld [smem:$0x3FAB]  }
0x28: {  	s2 =	sld [smem:$0x3FAC]  }
0x29: {  	s4 =	sld [smem:$0x3FAE]  }
0x2a: {  	p0 =	seq.s32 s5, $0x0;
	s5 =	sld [smem:$0x3FAF]  }
0x2b: {  	s6 =	sld [smem:$0x3FB0]  }
0x2c: {  	s7 =	sld [smem:$0x3FB1]  }
0x2d: {  	s3 =	simm.s32 $0x108;
	s8 =	sld [smem:$0x3FB2]  }
0x2e: {  	s3 =	simm.s32 @!p0 $0x1082;
	s9 =	sld [smem:$0x3FB3]  }
0x2f: {  	lr =	sadd.s32 s0, s3;
	s0 =	sld [smem:$0x3FAA]  }
0x30: {  	s3 =	sld [smem:$0x3FAD]  }
0x31: {  	[smem:$0x3FB6] =	sst s10  }
0x32: {  	s10 =	sld [smem:$0x3FB4];
	_ =	sdelay $0x3  }
0x33: {  	p0 =	seq.s32 s10, $0x1;
	s10 =	sld [smem:$0x3FB6];
	_ =	sdelay $0x3  }
0x34: {  	[smem:$0x3FB6] =	sst s10  }
0x35: {  	s10 =	sld [smem:$0x3FB5];
	_ =	sdelay $0x3  }
0x36: {  	p1 =	seq.s32 s10, $0x1;
	s10 =	sld [smem:$0x3FB6];
	_ =	sdelay $0x3  }
0x37: {  	[smem:$0x3FB6] =	sst s10  }
0x38: {  	s10 =	sld [smem:$0x3FB7]  }
0x39: {  	_ = 	snop;
	(pc) =	sbr.ind lr, $3  }
0x3a: {  	_ = 	snop  }
0x3b: {  	_ = 	snop  }
0x3c: {  	p2 =	seq.s32 s10, $0x1;
	s10 =	sld [smem:$0x3FB6]  }
0x3d: {  	_ =	shalt  }
0x3e: {  	_ =	shalt  }
0x3f: {  	_ =	shalt  }
0x40: {  	_ =	shalt  }
0x41: {  	_ =	shalt  }
0x42: {  	_ =	shalt  }
0x43: {  	_ =	shalt  }
0x44: {  	_ =	shalt  }
0x45: {  	_ =	shalt  }
0x46: {  	_ =	shalt  }
0x47: {  	_ =	shalt  }
0x48: {  	_ =	shalt  }
0x49: {  	_ =	shalt  }
0x4a: {  	_ =	shalt  }
0x4b: {  	_ =	shalt  }
0x4c: {  	_ =	shalt  }
0x4d: {  	_ =	shalt  }
0x4e: {  	_ =	shalt  }
0x4f: {  	_ =	shalt  }
0x50: {  	_ =	shalt  }
0x51: {  	_ =	shalt  }
0x52: {  	_ =	shalt  }
0x53: {  	_ =	shalt  }
0x54: {  	_ =	shalt  }
0x55: {  	_ =	shalt  }
0x56: {  	_ =	shalt  }
0x57: {  	_ =	shalt  }
0x58: {  	_ =	shalt  }
0x59: {  	_ =	shalt  }
0x5a: {  	_ =	shalt  }
0x5b: {  	_ =	shalt  }
0x5c: {  	_ =	shalt  }
0x5d: {  	_ =	shalt  }
0x5e: {  	_ =	shalt  }
0x5f: {  	_ =	shalt  }
0x60: {  	_ =	shalt  }
0x61: {  	_ =	shalt  }
0x62: {  	_ =	shalt  }
0x63: {  	_ =	shalt  }
0x64: {  	_ =	shalt  }
0x65: {  	_ =	shalt  }
0x66: {  	_ =	shalt  }
0x67: {  	_ =	shalt  }
0x68: {  	_ =	shalt  }
0x69: {  	_ =	shalt  }
0x6a: {  	_ =	shalt  }
0x6b: {  	_ =	shalt  }
0x6c: {  	_ =	shalt  }
0x6d: {  	_ =	shalt  }
0x6e: {  	_ =	shalt  }
0x6f: {  	_ =	shalt  }
0x70: {  	_ =	shalt  }
0x71: {  	_ =	shalt  }
0x72: {  	_ =	shalt  }
0x73: {  	_ =	shalt  }
0x74: {  	_ =	shalt  }
0x75: {  	_ =	shalt  }
0x76: {  	_ =	shalt  }
0x77: {  	_ =	shalt  }
0x78: {  	_ =	shalt  }
0x79: {  	_ =	shalt  }
0x7a: {  	_ =	shalt  }
0x7b: {  	_ =	shalt  }
0x7c: {  	_ =	shalt  }
0x7d: {  	_ =	shalt  }
0x7e: {  	_ =	shalt  }
0x7f: {  	_ =	shalt  }
0x80: {  	_ =	shalt  }
0x81: {  	_ =	shalt  }
0x82: {  	_ =	shalt  }
0x83: {  	_ =	shalt  }
0x84: {  	_ =	shalt  }
0x85: {  	_ =	shalt  }
0x86: {  	_ =	shalt  }
0x87: {  	_ =	shalt  }
.Lfunc_end0:
.L_simem_size_0:
called_computation.1_lowered:
.L_overlay_start_0:
0x88: {  	s2 =	sld [smem:$0x3FD9]  }
0x89: {  	s3 =	sld [smem:$0x3FFE];
	_ =	sdelay $0x1  }
0x8a: {  	s1 =	srdreg.scid  }
0x8b: {  	s0 =	sand.u32 $0x1, s1  }
0x8c: {  	s17 =	sshll.u32 s0, $0xA;
	s2 =	sadd.s32 s3, s2  }
0x8d: {  	s2 =	sadd.s32 s2, s17  }
0x8e: {  	[smem:$0x3FC2] =	sst s2  }
0x8f: {  	_ = 	snop  }
0x90: {  	s2 =	sld [smem:$0x3FD0];
	(tm) =	ssettm $0x1  }
0x91: {  	s18 =	sld [smem:$0x3FFB];
	_ =	sdelay $0x3  }
0x92: {  	_ =	strace s18  }
0x93: {  	s3 =	sld [smem:$0x3FFC];
	_ =	sdelay $0x3  }
0x94: {  	_ =	strace s3  }
0x95: {  	s3 =	sld [smem:$0x3FFD];
	_ =	sdelay $0x3  }
0x96: {  	_ =	strace s3  }
0x97: {  	_ =	strace $0x8FFFFFFF  }
0x98: {  	s19 =	sld [smem:$0x3FDB];
	_ =	sdelay $0x1  }
0x99: {  	s4 =	simm.s32 $_scs_section_size  }
0x9a: {  	s5 =	simm.s32 $_size__tile_overlayer_lowered;
	s6 =	simm.s32 $_tile_overlayer_lowered  }
0x9b: {  	s22 =	simm.s32 $0x1BFF;
	s21 =	sshll.u32 s6, $0x1;
	s3 =	sadd.s32 s4, s19  }
0x9c: {  	s7 =	simm.s32 $0x0;
	s20 =	sshll.u32 s5, $0x1;
	s5 =	sadd.s32 s21, s3  }
0x9d: {  	[timem:s7], [sflag:s22] =	dma.local [hbm:s5], s20  }
0x9e: {  	_ =	swait.ge [sflag:s22], s20  }
0x9f: {  	s4 =	ssub.s32 $0x0, s20;
	[sflag:s22] =	ssyncset.done $0x0  }
0xa0: {  	[sflag:s22] =	ssyncadd.s32 s4;
	_ =	sdelay $0x1  }
0xa1: {  	s23 =	simm.s32 $0x1B8B  }
0xa2: {  	_ =	swait.ge [sflag:s23], $0x1  }
0xa3: {  	[sflag:s23] =	ssyncset.done $0x0  }
0xa4: {  	s25 =	simm.s32 $0x1B8E;
	s24 =	sld [smem:$0x3FFE];
	[sflag:s23] =	ssyncadd.s32 $0xFFFFFFFF  }
0xa5: {  	s26 =	simm.s32 $execute0_lowered;
	[smem:$0x3FD2] =	sst s25  }
0xa6: {  	s5 =	sshll.u32 s26, $0x1;
	_ =	strace $0x80000049;
	[dreg:$0x1] =	wrdreg $0xFFFFFFFF  }
0xa7: {  	s28 =	simm.s32 $_size_execute0_lowered;
	s3 =	sadd.s32 s3, s5;
	[dreg:$0x0] =	wrdreg $0x0  }
0xa8: {  	s5 =	sshll.u32 s28, $0x1;
	[dreg:$0x2] =	wrdreg s3  }
0xa9: {  	[dreg:$0x3] =	wrdreg s5  }
0xaa: {  	[dreg:$0x4] =	wrdreg $0xC0  }
0xab: {  	_ =	task [dreg:s7], $0x5FFFF  }
0xac: {  	[dreg:$0x1] =	wrdreg $0xFFFFFFFF  }
0xad: {  	[dreg:$0x0] =	wrdreg $0x60  }
0xae: {  	[dreg:$0x2] =	wrdreg s2  }
0xaf: {  	[dreg:$0x3] =	wrdreg s24  }
0xb0: {  	[dreg:$0x4] =	wrdreg $0xA1000  }
0xb1: {  	[dreg:$0x5] =	wrdreg $0x9  }
0xb2: {  	_ =	task.clear_ibuf [dreg:s7], $0x6FFFF;
	_ =	strace $0x90000049  }
0xb3: {  	s29 =	simm.s32 $0x9;
	_ =	strace $0x8000004B  }
0xb4: {  	_ =	swait.ge [sflag:s29], $0x1  }
0xb5: {  	[sflag:s29] =	ssyncadd.s32 $0xFFFFFFFF  }
0xb6: {  	_ =	strace $0x9000004B  }
0xb7: {  	_ =	sfence  }
0xb8: {  	s30 =	sld [smem:$0x0];
	_ =	sdelay $0x2  }
0xb9: {  	s31 =	sshll.u32 s1, $0xD;
	s1 =	sshrl.u32 s1, $0x2  }
0xba: {  	s3 =	sand.u32 $0x4000, s31;
	s1 =	sadd.s32 s1, s30  }
0xbb: {  	s0 =	sor.u32 s3, s0;
	s1 =	sshll.u32 s1, $0x11  }
0xbc: {  	s0 =	sor.u32 s1, s0  }
0xbd: {  	s0 =	sadd.s32 $0x8F2B, s0  }
0xbe: {  	[sflag:s0] =	ssyncadd.remote.s32 $0x1  }
0xbf: {  	_ =	sfence.sel $0xFFFF  }
0xc0: {  	[dreg:$0x0] =	wrdreg $0xFFFFFFFF;
	(pc) =	sbr.abs _section_cstart, $3  }
0xc1: {  	[dreg:$0x1] =	wrdreg $0xFFFFFFFF  }
0xc2: {  	_ =	task.clear_ibuf [dreg:s7], $0x2FFFF;
	_ =	strace $0x9FFFFFFF  }
0xc3: {  	(tm) =	ssettm $0x7FFFFFFF  }
tec
execute0_lowered:
.L_overlay_start_1:
0x0: {  	(tag) =	ssettag $0x1  }
0x1: {  	s0 =	srdreg.scid;
	s1 =	rddreg [dreg:$0x0]  }
0x2: {  	s12 =	stileid.u32;
	s5 =	rddreg [dreg:$0x1]  }
0x3: {  	s3 =	rddreg [dreg:$0x2];
	s28 =	simm.s32 $0x2900;
	s29 =	simm.s32 $0x2780  }
0x4: {  	s30 =	simm.s32 $0x50;
	s31 =	simm.s32 $0x2800;
	s8 =	smul.u32 $0x13C00, s12  }
0x5: {  	s0 =	sand.u32 $0x1, s0;
	s2 =	sshll.u32 s12, $0x1;
	s9 =	smul.u32 $0x4E200, s12  }
0x6: {  	s4 =	sshrl.u32 s12, $0x2;
	s10 =	sadd.s32 $0xDC00, s5;
	s19 =	smul.u32 $0xFA, s12  }
0x7: {  	s12 =	simm.s32 $0x8;
	s2 =	sor.u32 s0, s2;
	s6 =	smul.u32 $0x13C00, s4  }
0x8: {  	s4 =	simm.s32 $0x0;
	s25 =	smul.u32 $0x13C000, s0;
	s26 =	ssub.s32 $0x2, s0  }
0x9: {  	s0 =	smul.u32 $0x7D, s0;
	s24 =	sshll.u32 s2, $0x7;
	[smem:$0x7FF] =	sst s4  }
0xa: {  	s11 =	sshrl.u32 s26, $0x1;
	s9 =	sshrl.u32 s9, $0x2;
	s13 =	smul.u32 $0x3E80, s2  }
0xb: {  	s2 =	smul.u32 $0x280, s2;
	s7 =	sand.u32 $0x380, s24;
	_ =	strace $0x8000004A  }
0xc: {  	s0 =	sadd.s32 s0, s19;
	s6 =	sor.u32 s6, s7;
	s7 =	sadd.s32 s8, s25  }
0xd: {  	s8 =	ssub.s32 s26, s11;
	s6 =	sshrl.u32 s6, $0x3;
	s7 =	sshrl.u32 s7, $0x3  }
0xe: {  	s26 =	smax.u32 s8, $0x1;
	s6 =	sadd.s32 s6, s5;
	s7 =	sadd.s32 s7, s5  }
0xf: {  	s5 =	sadd.s32 s9, s3;
	[dreg:$0x12] =	wrdreg s26;
	s6 =	sadd.s32 $0x1D600, s6  }
0x10: {  	s18 =	sand.u32 $0x7FC00, s13;
	s11 =	sadd.s32 $0x2800, s5;
	[dreg:$0x4] =	wrdreg s6  }
0x11: {  	s2 =	sand.u32 $0x380, s2;
	s9 =	sadd.s32 $0x5000, s5;
	[dreg:$0x5] =	wrdreg s11  }
0x12: {  	s0 =	sshll.u32 s0, $0x4;
	s14 =	sadd.s32 $0x7800, s5;
	[dreg:$0x6] =	wrdreg s9  }
0x13: {  	s2 =	sor.u32 s2, s18;
	s15 =	sadd.s32 $0xA000, s5;
	[dreg:$0x7] =	wrdreg s14  }
0x14: {  	s0 =	sadd.s32 s10, s0;
	s16 =	sadd.s32 $0xC800, s5;
	[dreg:$0x8] =	wrdreg s15  }
0x15: {  	s8 =	simm.s32 $0x5;
	s17 =	sadd.s32 $0xF000, s5;
	[dreg:$0x9] =	wrdreg s16  }
0x16: {  	s2 =	sshrl.u32 s2, $0x3;
	s20 =	sadd.s32 $0x11800, s5;
	[dreg:$0xa] =	wrdreg s17  }
0x17: {  	s26 =	simm.s32 $0xA;
	s2 =	sadd.s32 s10, s2;
	[dreg:$0xb] =	wrdreg s20  }
0x18: {  	s25 =	sadd.s32 $0x4E600, s7;
	s7 =	simm.s32 $0x2;
	[dreg:$0xc] =	wrdreg s2  }
0x19: {  	s6 =	sshrl.u32 s13, $0x3;
	[dreg:$0x11] =	wrdreg s25;
	s2 =	simm.s32 $0x5100  }
0x1a: {  	s25 =	simm.s32 $0x2880;
	s9 =	simm.s32 $0x7;
	s6 =	sadd.s32 s10, s6  }
0x1b: {  	s11 =	simm.s32 $0x6;
	s13 =	simm.s32 $0x9;
	s21 =	sadd.s32 $0x10, s6  }
0x1c: {  	s14 =	simm.s32 $0x0;
	s22 =	sadd.s32 $0x20, s6;
	[dreg:$0xd] =	wrdreg s21  }
0x1d: {  	s10 =	simm.s32 $0x3;
	s23 =	sadd.s32 $0x30, s6;
	[dreg:$0xe] =	wrdreg s22  }
0x1e: {  	s24 =	sadd.s32 $0x40, s6;
	s6 =	simm.s32 $0x7900;
	[dreg:$0xf] =	wrdreg s23  }
0x1f: {  	[dreg:$0x10] =	wrdreg s24;
	s21 =	sadd.s32 $0x70, s0;
	s22 =	sadd.s32 $0x60, s0  }
0x20: {  	v0 =	vimm.f32 $0.0e+00;
	s23 =	sadd.s32 $0x50, s0;
	s0 =	simm.s32 $0x1;
	s24 =	simm.s32 $0x4  }
.LBB2_1:
0x21: {  	s15 =	rddreg [dreg:$0x4];
	s16 =	simm.s32 $0x80;
	s17 =	simm.s32 $0x400  }
0x22: {  	[tilespmem:s4], [sflag:$0xA] =	stream.strided.gather [hbm4b:s15+s16], $0x2780, s17, s16, $0x38;
	[tilespmem:$0x1D980] =	vst v63  }
0x23: {  	_ =	swait.ge [sflag:s26], $0x2780  }
0x24: {  	[sflag:s26] =	ssyncset.done $0x0  }
0x25: {  	s15 =	simm.s32 $0x0;
	s16 =	simm.s32 $0x200;
	[sflag:s26] =	ssyncadd.s32 $0xFFFFD880  }
.LBB2_2:
0x26: {  	p0 =	sne.s32 s16, $0x9E00;
	[tilespmem:s15+$0x2970] =	vst v0  }
0x27: {  	[tilespmem:s15+$0x2900] =	vst v0  }
0x28: {  	[tilespmem:s15+$0x2910] =	vst v0  }
.Ltmp0:
0x29: {  	[tilespmem:s15+$0x2920] =	vst v0;
	(pc) =	sbr.rel @p0 .LBB2_2-.Ltmp0, $4  }
0x2a: {  	[tilespmem:s15+$0x2930] =	vst v0  }
0x2b: {  	[tilespmem:s15+$0x2940] =	vst v0  }
0x2c: {  	[tilespmem:s15+$0x2950] =	vst v0  }
0x2d: {  	[tilespmem:s15+$0x2960] =	vst v0;
	s15 =	sshra.s32 s16, $0x2;
	s16 =	sadd.s32 $0x200, s16  }
0x2e: {  	[tilespmem:s15+$0x2970] =	vst v0  }
0x2f: {  	[tilespmem:s15+$0x2900] =	vst v0  }
0x30: {  	[tilespmem:s15+$0x2910] =	vst v0  }
0x31: {  	[tilespmem:s15+$0x2920] =	vst v0  }
0x32: {  	[tilespmem:s15+$0x2930] =	vst v0  }
0x33: {  	[tilespmem:s15+$0x2940] =	vst v0  }
0x34: {  	[tilespmem:s15+$0x2950] =	vst v0  }
0x35: {  	[tilespmem:s15+$0x2960] =	vst v0  }
0x36: {  	[spmem:s5] =	stream.linear.scatter [tilespmem:s28], [sflag:$0xA], $0x2800, $0x38;
	[tilespmem:$0x1D980] =	vst v63  }
0x37: {  	_ =	swait.ge [sflag:s26], $0x2800  }
0x38: {  	[sflag:s26] =	ssyncset.done $0x0  }
0x39: {  	s17 =	rddreg [dreg:$0x5];
	[sflag:s26] =	ssyncadd.s32 $0xFFFFD800  }
0x3a: {  	[spmem:s17] =	stream.linear.scatter [tilespmem:s28], [sflag:$0xA], $0x2800, $0x38;
	[tilespmem:$0x1D980] =	vst v63  }
0x3b: {  	_ =	swait.ge [sflag:s26], $0x2800  }
0x3c: {  	[sflag:s26] =	ssyncset.done $0x0  }
0x3d: {  	s18 =	rddreg [dreg:$0x6];
	[sflag:s26] =	ssyncadd.s32 $0xFFFFD800  }
0x3e: {  	[spmem:s18] =	stream.linear.scatter [tilespmem:s28], [sflag:$0xA], $0x2800, $0x38;
	[tilespmem:$0x1D980] =	vst v63  }
0x3f: {  	_ =	swait.ge [sflag:s26], $0x2800  }
0x40: {  	[sflag:s26] =	ssyncset.done $0x0  }
0x41: {  	s19 =	rddreg [dreg:$0x7];
	[sflag:s26] =	ssyncadd.s32 $0xFFFFD800  }
0x42: {  	[spmem:s19] =	stream.linear.scatter [tilespmem:s28], [sflag:$0xA], $0x2800, $0x38;
	[tilespmem:$0x1D980] =	vst v63  }
0x43: {  	_ =	swait.ge [sflag:s26], $0x2800  }
0x44: {  	[sflag:s26] =	ssyncset.done $0x0  }
0x45: {  	s20 =	rddreg [dreg:$0x8];
	[sflag:s26] =	ssyncadd.s32 $0xFFFFD800  }
0x46: {  	[spmem:s20] =	stream.linear.scatter [tilespmem:s28], [sflag:$0xA], $0x2800, $0x38;
	[tilespmem:$0x1D980] =	vst v63  }
0x47: {  	_ =	swait.ge [sflag:s26], $0x2800  }
0x48: {  	[sflag:s26] =	ssyncset.done $0x0  }
0x49: {  	s16 =	rddreg [dreg:$0x9];
	[sflag:s26] =	ssyncadd.s32 $0xFFFFD800  }
0x4a: {  	[spmem:s16] =	stream.linear.scatter [tilespmem:s28], [sflag:$0xA], $0x2800, $0x38;
	[tilespmem:$0x1D980] =	vst v63  }
0x4b: {  	_ =	swait.ge [sflag:s26], $0x2800  }
0x4c: {  	[sflag:s26] =	ssyncset.done $0x0  }
0x4d: {  	s17 =	rddreg [dreg:$0xa];
	[sflag:s26] =	ssyncadd.s32 $0xFFFFD800  }
0x4e: {  	[spmem:s17] =	stream.linear.scatter [tilespmem:s28], [sflag:$0xA], $0x2800, $0x38;
	[tilespmem:$0x1D980] =	vst v63  }
0x4f: {  	_ =	swait.ge [sflag:s26], $0x2800  }
0x50: {  	[sflag:s26] =	ssyncset.done $0x0  }
0x51: {  	s18 =	rddreg [dreg:$0xb];
	[sflag:s26] =	ssyncadd.s32 $0xFFFFD800  }
0x52: {  	[spmem:s18] =	stream.linear.scatter [tilespmem:s28], [sflag:$0xA], $0x2080, $0x38;
	[tilespmem:$0x1D980] =	vst v63  }
0x53: {  	_ =	swait.ge [sflag:s26], $0x2080  }
0x54: {  	[sflag:s26] =	ssyncset.done $0x0  }
0x55: {  	[sflag:s26] =	ssyncadd.s32 $0xFFFFDF80  }
0x56: {  	[bflag:$0x0] =	sbarrier.arrive $0xFFFF  }
0x57: {  	s15 =	simm.s32 $0x0;
	s16 =	rddreg [dreg:$0xc]  }
0x58: {  	[tilespmem:s29], [sflag:$0x4] =	stream.linear.gather [hbm4b:s16+s15], $0x80, $0x38;
	[tilespmem:$0x1D980] =	vst v63  }
0x59: {  	_ = 	snop  }
0x5a: {  	[tilespmem:s28], [sflag:$0x1] =	stream.indirect.gather [hbm4b:s1+s30], $0x80, s15, s30, $0xb8;
	[tilespmem:$0x1D980] =	vst v63  }
0x5b: {  	s19 =	rddreg [dreg:$0xd]  }
0x5c: {  	[tilespmem:s31], [sflag:$0x5] =	stream.linear.gather [hbm4b:s19+s15], $0x80, $0x38;
	[tilespmem:$0x1D980] =	vst v63  }
0x5d: {  	_ = 	snop  }
0x5e: {  	[tilespmem:s2], [sflag:$0x2] =	stream.indirect.gather [hbm4b:s1+s30], $0x80, s30, s30, $0xb8;
	[tilespmem:$0x1D980] =	vst v63  }
0x5f: {  	_ =	swait.ge [sflag:s0], $0x2800  }
0x60: {  	[sflag:s0] =	ssyncset.done $0x0  }
0x61: {  	[sflag:s0] =	ssyncadd.s32 $0xFFFFD800  }
0x62: {  	_ =	swait.ge [sflag:s24], $0x80  }
0x63: {  	[sflag:s24] =	ssyncset.done $0x0  }
0x64: {  	[sflag:s24] =	ssyncadd.s32 $0xFFFFFF80  }
0x65: {  	[spmem:s3] =	stream.indirect.scatter.add.f32 [tilespmem:s28], [sflag:$0x7], $0x80, s29, s30, $0xb8;
	[tilespmem:$0x1D980] =	vst v63  }
0x66: {  	s20 =	rddreg [dreg:$0xe]  }
0x67: {  	[tilespmem:s25], [sflag:$0x6] =	stream.linear.gather [hbm4b:s20+s15], $0x80, $0x38;
	[tilespmem:$0x1D980] =	vst v63  }
0x68: {  	s17 =	simm.s32 $0xA0  }
0x69: {  	[tilespmem:s6], [sflag:$0x3] =	stream.indirect.gather [hbm4b:s1+s30], $0x80, s17, s30, $0xb8;
	[tilespmem:$0x1D980] =	vst v63  }
0x6a: {  	_ =	swait.ge [sflag:s7], $0x2800  }
0x6b: {  	[sflag:s7] =	ssyncset.done $0x0  }
0x6c: {  	[sflag:s7] =	ssyncadd.s32 $0xFFFFD800  }
0x6d: {  	_ =	swait.ge [sflag:s8], $0x80  }
0x6e: {  	[sflag:s8] =	ssyncset.done $0x0  }
0x6f: {  	[sflag:s8] =	ssyncadd.s32 $0xFFFFFF80  }
0x70: {  	[spmem:s3] =	stream.indirect.scatter.add.f32 [tilespmem:s2], [sflag:$0x8], $0x80, s31, s30, $0xb8;
	[tilespmem:$0x1D980] =	vst v63  }
0x71: {  	_ =	swait.ge [sflag:s9], $0x2800  }
0x72: {  	[sflag:s9] =	ssyncset.done $0x0  }
0x73: {  	s18 =	rddreg [dreg:$0xf];
	[sflag:s9] =	ssyncadd.s32 $0xFFFFD800  }
0x74: {  	[tilespmem:s29], [sflag:$0x4] =	stream.linear.gather [hbm4b:s18+s15], $0x80, $0x38;
	[tilespmem:$0x1D980] =	vst v63  }
0x75: {  	s19 =	simm.s32 $0xF0  }
0x76: {  	[tilespmem:s28], [sflag:$0x1] =	stream.indirect.gather [hbm4b:s1+s30], $0x80, s19, s30, $0xb8;
	[tilespmem:$0x1D980] =	vst v63  }
0x77: {  	_ =	swait.ge [sflag:s10], $0x2800  }
0x78: {  	[sflag:s10] =	ssyncset.done $0x0  }
0x79: {  	[sflag:s10] =	ssyncadd.s32 $0xFFFFD800  }
0x7a: {  	_ =	swait.ge [sflag:s11], $0x80  }
0x7b: {  	[sflag:s11] =	ssyncset.done $0x0  }
0x7c: {  	[sflag:s11] =	ssyncadd.s32 $0xFFFFFF80  }
0x7d: {  	[spmem:s3] =	stream.indirect.scatter.add.f32 [tilespmem:s6], [sflag:$0x9], $0x80, s25, s30, $0xb8;
	[tilespmem:$0x1D980] =	vst v63  }
0x7e: {  	_ =	swait.ge [sflag:s12], $0x2800  }
0x7f: {  	[sflag:s12] =	ssyncset.done $0x0  }
0x80: {  	s20 =	rddreg [dreg:$0x10];
	[sflag:s12] =	ssyncadd.s32 $0xFFFFD800  }
0x81: {  	[tilespmem:s31], [sflag:$0x5] =	stream.linear.gather [hbm4b:s20+s15], $0x80, $0x38;
	[tilespmem:$0x1D980] =	vst v63  }
0x82: {  	s17 =	simm.s32 $0x140  }
0x83: {  	[tilespmem:s2], [sflag:$0x2] =	stream.indirect.gather [hbm4b:s1+s30], $0x80, s17, s30, $0xb8;
	[tilespmem:$0x1D980] =	vst v63  }
0x84: {  	_ =	swait.ge [sflag:s0], $0x2800  }
0x85: {  	[sflag:s0] =	ssyncset.done $0x0  }
0x86: {  	[sflag:s0] =	ssyncadd.s32 $0xFFFFD800  }
0x87: {  	_ =	swait.ge [sflag:s24], $0x80  }
0x88: {  	[sflag:s24] =	ssyncset.done $0x0  }
0x89: {  	[sflag:s24] =	ssyncadd.s32 $0xFFFFFF80  }
0x8a: {  	[spmem:s3] =	stream.indirect.scatter.add.f32 [tilespmem:s28], [sflag:$0x7], $0x80, s29, s30, $0xb8;
	[tilespmem:$0x1D980] =	vst v63  }
0x8b: {  	_ =	swait.ge [sflag:s13], $0x2800  }
0x8c: {  	[sflag:s13] =	ssyncset.done $0x0  }
0x8d: {  	[sflag:s13] =	ssyncadd.s32 $0xFFFFD800  }
0x8e: {  	[tilespmem:s25], [sflag:$0x6] =	stream.linear.gather [hbm4b:s23+s4], $0x80, $0x38;
	[tilespmem:$0x1D980] =	vst v63  }
0x8f: {  	s18 =	simm.s32 $0x190  }
0x90: {  	[tilespmem:s6], [sflag:$0x3] =	stream.indirect.gather [hbm4b:s1+s30], $0x80, s18, s30, $0xb8;
	[tilespmem:$0x1D980] =	vst v63  }
0x91: {  	_ =	swait.ge [sflag:s7], $0x2800  }
0x92: {  	[sflag:s7] =	ssyncset.done $0x0  }
0x93: {  	[sflag:s7] =	ssyncadd.s32 $0xFFFFD800  }
0x94: {  	_ =	swait.ge [sflag:s8], $0x80  }
0x95: {  	[sflag:s8] =	ssyncset.done $0x0  }
0x96: {  	[sflag:s8] =	ssyncadd.s32 $0xFFFFFF80  }
0x97: {  	[spmem:s3] =	stream.indirect.scatter.add.f32 [tilespmem:s2], [sflag:$0x8], $0x80, s31, s30, $0xb8;
	[tilespmem:$0x1D980] =	vst v63  }
0x98: {  	_ =	swait.ge [sflag:s9], $0x2800  }
0x99: {  	[sflag:s9] =	ssyncset.done $0x0  }
0x9a: {  	[sflag:s9] =	ssyncadd.s32 $0xFFFFD800  }
0x9b: {  	[tilespmem:s29], [sflag:$0x4] =	stream.linear.gather [hbm4b:s22+s4], $0x80, $0x38;
	[tilespmem:$0x1D980] =	vst v63  }
0x9c: {  	s19 =	simm.s32 $0x1E0  }
0x9d: {  	[tilespmem:s28], [sflag:$0x1] =	stream.indirect.gather [hbm4b:s1+s30], $0x80, s19, s30, $0xb8;
	[tilespmem:$0x1D980] =	vst v63  }
0x9e: {  	_ =	swait.ge [sflag:s10], $0x2800  }
0x9f: {  	[sflag:s10] =	ssyncset.done $0x0  }
0xa0: {  	[sflag:s10] =	ssyncadd.s32 $0xFFFFD800  }
0xa1: {  	_ =	swait.ge [sflag:s11], $0x80  }
0xa2: {  	[sflag:s11] =	ssyncset.done $0x0  }
0xa3: {  	[sflag:s11] =	ssyncadd.s32 $0xFFFFFF80  }
0xa4: {  	[spmem:s3] =	stream.indirect.scatter.add.f32 [tilespmem:s6], [sflag:$0x9], $0x80, s25, s30, $0xb8;
	[tilespmem:$0x1D980] =	vst v63  }
0xa5: {  	_ =	swait.ge [sflag:s12], $0x2800  }
0xa6: {  	[sflag:s12] =	ssyncset.done $0x0  }
0xa7: {  	[sflag:s12] =	ssyncadd.s32 $0xFFFFD800  }
0xa8: {  	[tilespmem:s31], [sflag:$0x5] =	stream.linear.gather [hbm4b:s21+s4], $0x80, $0x38;
	[tilespmem:$0x1D980] =	vst v63  }
0xa9: {  	s20 =	simm.s32 $0x230  }
0xaa: {  	[tilespmem:s2], [sflag:$0x2] =	stream.indirect.gather [hbm4b:s1+s30], $0x80, s20, s30, $0xb8;
	[tilespmem:$0x1D980] =	vst v63  }
0xab: {  	_ =	swait.ge [sflag:s0], $0x2800  }
0xac: {  	[sflag:s0] =	ssyncset.done $0x0  }
0xad: {  	[sflag:s0] =	ssyncadd.s32 $0xFFFFD800  }
0xae: {  	_ =	swait.ge [sflag:s24], $0x80  }
0xaf: {  	s16 =	sadd.s32 $0x30, s23;
	s15 =	simm.s32 $0x3C0;
	[sflag:s24] =	ssyncset.done $0x0  }
0xb0: {  	s17 =	sadd.s32 $0x30, s21;
	s18 =	sadd.s32 $0x30, s22;
	[sflag:s24] =	ssyncadd.s32 $0xFFFFFF80  }
.LBB2_4:
0xb1: {  	[spmem:s3] =	stream.indirect.scatter.add.f32 [tilespmem:s28], [sflag:$0x7], $0x80, s29, s30, $0xb8;
	[tilespmem:$0x1D980] =	vst v63  }
0xb2: {  	s19 =	smov.u32 s15  }
0xb3: {  	p0 =	sne.s32 s15, $0x9240;
	s15 =	sadd.s32 $0x3C0, s15;
	_ =	swait.ge [sflag:s13], $0x2800  }
0xb4: {  	[sflag:s13] =	ssyncset.done $0x0  }
0xb5: {  	s19 =	sshra.s32 s19, $0x2;
	[sflag:s13] =	ssyncadd.s32 $0xFFFFD800  }
0xb6: {  	[tilespmem:s25], [sflag:$0x6] =	stream.linear.gather [hbm4b:s16+s4], $0x80, $0x38;
	[tilespmem:$0x1D980] =	vst v63  }
0xb7: {  	s20 =	sadd.s32 $0x190, s19  }
0xb8: {  	[tilespmem:s6], [sflag:$0x3] =	stream.indirect.gather [hbm4b:s1+s30], $0x80, s20, s30, $0xb8;
	[tilespmem:$0x1D980] =	vst v63  }
0xb9: {  	_ =	swait.ge [sflag:s7], $0x2800  }
0xba: {  	[sflag:s7] =	ssyncset.done $0x0  }
0xbb: {  	[sflag:s7] =	ssyncadd.s32 $0xFFFFD800  }
0xbc: {  	_ =	swait.ge [sflag:s8], $0x80  }
0xbd: {  	[sflag:s8] =	ssyncset.done $0x0  }
0xbe: {  	[sflag:s8] =	ssyncadd.s32 $0xFFFFFF80  }
0xbf: {  	[spmem:s3] =	stream.indirect.scatter.add.f32 [tilespmem:s2], [sflag:$0x8], $0x80, s31, s30, $0xb8;
	[tilespmem:$0x1D980] =	vst v63  }
0xc0: {  	_ =	swait.ge [sflag:s9], $0x2800  }
0xc1: {  	[sflag:s9] =	ssyncset.done $0x0  }
0xc2: {  	[sflag:s9] =	ssyncadd.s32 $0xFFFFD800  }
0xc3: {  	[tilespmem:s29], [sflag:$0x4] =	stream.linear.gather [hbm4b:s18+s4], $0x80, $0x38;
	[tilespmem:$0x1D980] =	vst v63  }
0xc4: {  	s20 =	sadd.s32 $0x1E0, s19  }
0xc5: {  	[tilespmem:s28], [sflag:$0x1] =	stream.indirect.gather [hbm4b:s1+s30], $0x80, s20, s30, $0xb8;
	[tilespmem:$0x1D980] =	vst v63  }
0xc6: {  	_ =	swait.ge [sflag:s10], $0x2800  }
0xc7: {  	[sflag:s10] =	ssyncset.done $0x0  }
0xc8: {  	[sflag:s10] =	ssyncadd.s32 $0xFFFFD800  }
0xc9: {  	_ =	swait.ge [sflag:s11], $0x80  }
0xca: {  	[sflag:s11] =	ssyncset.done $0x0  }
0xcb: {  	[sflag:s11] =	ssyncadd.s32 $0xFFFFFF80  }
0xcc: {  	[spmem:s3] =	stream.indirect.scatter.add.f32 [tilespmem:s6], [sflag:$0x9], $0x80, s25, s30, $0xb8;
	[tilespmem:$0x1D980] =	vst v63  }
0xcd: {  	_ =	swait.ge [sflag:s12], $0x2800  }
0xce: {  	[sflag:s12] =	ssyncset.done $0x0  }
0xcf: {  	[sflag:s12] =	ssyncadd.s32 $0xFFFFD800  }
0xd0: {  	[tilespmem:s31], [sflag:$0x5] =	stream.linear.gather [hbm4b:s17+s4], $0x80, $0x38;
	[tilespmem:$0x1D980] =	vst v63  }
0xd1: {  	s19 =	sadd.s32 $0x230, s19  }
0xd2: {  	[tilespmem:s2], [sflag:$0x2] =	stream.indirect.gather [hbm4b:s1+s30], $0x80, s19, s30, $0xb8;
	[tilespmem:$0x1D980] =	vst v63  }
0xd3: {  	_ =	swait.ge [sflag:s0], $0x2800  }
.Ltmp1:
0xd4: {  	[sflag:s0] =	ssyncset.done $0x0;
	(pc) =	sbr.rel @p0 .LBB2_4-.Ltmp1, $4  }
0xd5: {  	[sflag:s0] =	ssyncadd.s32 $0xFFFFD800  }
0xd6: {  	_ =	swait.ge [sflag:s24], $0x80  }
0xd7: {  	s16 =	sadd.s32 $0x30, s16;
	[sflag:s24] =	ssyncset.done $0x0  }
0xd8: {  	s18 =	sadd.s32 $0x30, s18;
	s17 =	sadd.s32 $0x30, s17;
	[sflag:s24] =	ssyncadd.s32 $0xFFFFFF80  }
0xd9: {  	[spmem:s3] =	stream.indirect.scatter.add.f32 [tilespmem:s28], [sflag:$0x7], $0x80, s29, s30, $0xb8;
	[tilespmem:$0x1D980] =	vst v63  }
0xda: {  	_ =	swait.ge [sflag:s13], $0x2800  }
0xdb: {  	[sflag:s13] =	ssyncset.done $0x0  }
0xdc: {  	[sflag:s13] =	ssyncadd.s32 $0xFFFFD800  }
0xdd: {  	_ =	swait.ge [sflag:s7], $0x2800  }
0xde: {  	[sflag:s7] =	ssyncset.done $0x0  }
0xdf: {  	[sflag:s7] =	ssyncadd.s32 $0xFFFFD800  }
0xe0: {  	_ =	swait.ge [sflag:s8], $0x80  }
0xe1: {  	[sflag:s8] =	ssyncset.done $0x0  }
0xe2: {  	[sflag:s8] =	ssyncadd.s32 $0xFFFFFF80  }
0xe3: {  	[spmem:s3] =	stream.indirect.scatter.add.f32 [tilespmem:s2], [sflag:$0x8], $0x80, s31, s30, $0xb8;
	[tilespmem:$0x1D980] =	vst v63  }
0xe4: {  	_ =	swait.ge [sflag:s9], $0x2800  }
0xe5: {  	[sflag:s9] =	ssyncset.done $0x0  }
0xe6: {  	[sflag:s9] =	ssyncadd.s32 $0xFFFFD800  }
0xe7: {  	_ =	swait.ge [sflag:s12], $0x2800  }
0xe8: {  	[sflag:s12] =	ssyncset.done $0x0  }
0xe9: {  	s15 =	stileid.u32;
	[sflag:s12] =	ssyncadd.s32 $0xFFFFD800  }
0xea: {  	s15 =	sshll.u32 s15, $0x6;
	[bflag:$0x0] =	sbarrier.arrive $0xFFFF  }
0xeb: {  	s16 =	sshrl.u32 s5, $0x3;
	s15 =	sor.u32 $0x1C0A, s15;
	s17 =	rddreg [dreg:$0x11]  }
0xec: {  	[hbm:s17], [sflag:s15] =	dma.local [spmem:s16], $0x2710  }
0xed: {  	_ =	swait.ge [sflag:s26], $0x2710  }
0xee: {  	s14 =	sadd.s32 $0x1, s14;
	s20 =	rddreg [dreg:$0x12]  }
0xef: {  	p0 =	sne.s32 s14, s20  }
.Ltmp2:
0xf0: {  	_ = 	snop;
	(pc) =	sbr.rel @p0 .LBB2_1-.Ltmp2, $3  }
0xf1: {  	_ =	sdelay $0x1  }
0xf2: {  	[sflag:s26] =	ssyncset.done $0x0  }
0xf3: {  	[sflag:s26] =	ssyncadd.s32 $0xFFFFD8F0  }
0xf4: {  	_ =	sfence.sel $0x180000  }
0xf5: {  	[bflag:$0x0] =	sbarrier.arrive $0xFFFF  }
0xf6: {  	_ =	strace $0x9000004A  }
0xf7: {  	s0 =	stileid.u32;
	[bflag:$0x2] =	sbarrier.arrive $0xFFFF  }
0xf8: {  	p0 =	sne.s32 s0, $0x0;
	s0 =	rddreg [dreg:$0x3]  }
0xf9: {  	s0 =	sadd.s32 @!p0 $0x100000, s0  }
0xfa: {  	[sflag:s0] =	ssyncadd.tile.s32 @!p0 $0x1;
	_ =	shalt  }
.Lfunc_end2:
_tile_overlayer_lowered:
.L_overlay_start_2:
0xfb: {  	(tag) =	ssettag $0x2  }
0xfc: {  	s0 =	rddreg [dreg:$0x0];
	s2 =	stileid.u32  }
0xfd: {  	s1 =	rddreg [dreg:$0x1];
	p0 =	sne.s32 s2, $0x0  }
0xfe: {  	s3 =	rddreg [dreg:$0x2];
	[bflag:$0x3] =	sbarrier.arrive $0xFFFF;
	s2 =	simm.s32 @!p0 $0x1C0A  }
0xff: {  	[timem:s3], [sflag:s2] =	dma.local @!p0 [hbm:s0], s1  }
0x100: {  	s0 =	simm.s32 @!p0 $0xA  }
0x101: {  	_ =	swait.ge @!p0 [sflag:s0], s1  }
0x102: {  	s1 =	ssub.s32 @!p0 $0x0, s1;
	[sflag:s0] =	ssyncset.done @!p0 $0x0  }
0x103: {  	[sflag:s0] =	ssyncadd.s32 @!p0 s1  }
0x104: {  	[bflag:$0x3] =	sbarrier.arrive $0xFFFF  }
0x105: {  	_ =	shalt  }

// kernel: kernel.14.cloned.1.call-start
scs
__scs_entry_jumppad:
0x0: {  	(pc) =	sbr.rel $0x88, $3  }
0x1: {  	(tag) =	ssettag $0x0;
	lr =	simm.s32 $0x1  }
0x2: {  	[smem:$0x3F9B] =	sst lr;
	_ =	strace $0xD0000000  }
0x3: {  	_ = 	snop  }
0x4: {  	_ = 	snop  }
0x5: {  	_ = 	snop  }
0x6: {  	_ = 	snop  }
0x7: {  	_ = 	snop  }
__scs_overlays_trampoline_lowered:
0x8: {  	[smem:$0x3FAA] =	sst s0  }
0x9: {  	[smem:$0x3FAB] =	sst s1  }
0xa: {  	[smem:$0x3FAC] =	sst s2  }
0xb: {  	[smem:$0x3FAD] =	sst s3  }
0xc: {  	[smem:$0x3FAE] =	sst s4  }
0xd: {  	[smem:$0x3FAF] =	sst s5  }
0xe: {  	[smem:$0x3FB0] =	sst s6  }
0xf: {  	[smem:$0x3FB1] =	sst s7  }
0x10: {  	[smem:$0x3FB2] =	sst s8  }
0x11: {  	[smem:$0x3FB3] =	sst s9;
	s0 =	simm.s32 @!p0 $0x0  }
0x12: {  	s1 =	sld [smem:$0x3F99];
	s0 =	simm.s32 @p0 $0x1  }
0x13: {  	[smem:$0x3FB4] =	sst s0;
	s0 =	simm.s32 @!p1 $0x0  }
0x14: {  	s2 =	sld [smem:$0x3F98];
	s0 =	simm.s32 @p1 $0x1  }
0x15: {  	[smem:$0x3FB5] =	sst s0;
	s0 =	simm.s32 @!p2 $0x0  }
0x16: {  	s3 =	sld [smem:$0x3FDB];
	s0 =	simm.s32 @p2 $0x1  }
0x17: {  	s4 =	simm.s32 $0x1BF5;
	[smem:$0x3FB7] =	sst s0  }
0x18: {  	s0 =	sld [smem:$0x3F9A];
	_ =	swait.ge [sflag:s4], $0x0  }
0x19: {  	s7 =	sld [smem:$0x3F9B]  }
0x1a: {  	s8 =	sadd.s32 $0xFFFFE003, lr  }
0x1b: {  	s9 =	sadd.s32 $0xFFFFFEF7, lr;
	s5 =	simm.s32 $0xFFFFFFFF;
	p2 =	slt.u32 s8, $0xFFFFF086  }
0x1c: {  	p1 =	slt.u32 s9, $0xF7A;
	s5 =	simm.s32 @!p2 $0x0  }
0x1d: {  	s5 =	simm.s32 @p1 $0x1;
	p0 =	seq.s32 s7, s2  }
0x1e: {  	s7 =	smul.u32 @!p0 $0xF7A, s2;
	p2 =	seq.s32 @!p0 s5, $0x0  }
0x1f: {  	s9 =	smul.u32 $0xF7A, s1;
	s8 =	simm.s32 @!p0 $0x1BF5;
	p2 =	por !p2, p0  }
0x20: {  	[sflag:s8] =	ssyncset.s32 @!p0 $0xFFFFF086;
	s6 =	sadd.s32 @!p0 s3, s7;
	s7 =	simm.s32 @!p0 $0x108  }
0x21: {  	s3 =	sadd.s32 s3, s9;
	s6 =	sadd.s32 @!p0 $0x88, s6;
	s7 =	simm.s32 @p2 $0x1082  }
0x22: {  	[simem:s7], [sflag:s8] =	dma.local @!p0 [hbm:s6], $0xF7A  }
0x23: {  	s9 =	sor.u32 $0xD0000000, s2;
	s6 =	simm.s32 $0x108;
	_ =	swait.ge @!p0 [sflag:s8], $0x0  }
0x24: {  	s3 =	sadd.s32 $0x88, s3;
	s6 =	simm.s32 @!p1 $0x1082;
	[sflag:s4] =	ssyncset.s32 $0xFFFFF086  }
0x25: {  	[simem:s6], [sflag:s4] =	dma.local [hbm:s3], $0xF7A  }
0x26: {  	[smem:$0x3F9B] =	sst s1;
	(tag) =	ssettag s2;
	_ =	strace s9  }
0x27: {  	s1 =	sld [smem:$0x3FAB]  }
0x28: {  	s2 =	sld [smem:$0x3FAC]  }
0x29: {  	s4 =	sld [smem:$0x3FAE]  }
0x2a: {  	p0 =	seq.s32 s5, $0x0;
	s5 =	sld [smem:$0x3FAF]  }
0x2b: {  	s6 =	sld [smem:$0x3FB0]  }
0x2c: {  	s7 =	sld [smem:$0x3FB1]  }
0x2d: {  	s3 =	simm.s32 $0x108;
	s8 =	sld [smem:$0x3FB2]  }
0x2e: {  	s3 =	simm.s32 @!p0 $0x1082;
	s9 =	sld [smem:$0x3FB3]  }
0x2f: {  	lr =	sadd.s32 s0, s3;
	s0 =	sld [smem:$0x3FAA]  }
0x30: {  	s3 =	sld [smem:$0x3FAD]  }
0x31: {  	[smem:$0x3FB6] =	sst s10  }
0x32: {  	s10 =	sld [smem:$0x3FB4];
	_ =	sdelay $0x3  }
0x33: {  	p0 =	seq.s32 s10, $0x1;
	s10 =	sld [smem:$0x3FB6];
	_ =	sdelay $0x3  }
0x34: {  	[smem:$0x3FB6] =	sst s10  }
0x35: {  	s10 =	sld [smem:$0x3FB5];
	_ =	sdelay $0x3  }
0x36: {  	p1 =	seq.s32 s10, $0x1;
	s10 =	sld [smem:$0x3FB6];
	_ =	sdelay $0x3  }
0x37: {  	[smem:$0x3FB6] =	sst s10  }
0x38: {  	s10 =	sld [smem:$0x3FB7]  }
0x39: {  	_ = 	snop;
	(pc) =	sbr.ind lr, $3  }
0x3a: {  	_ = 	snop  }
0x3b: {  	_ = 	snop  }
0x3c: {  	p2 =	seq.s32 s10, $0x1;
	s10 =	sld [smem:$0x3FB6]  }
0x3d: {  	_ =	shalt  }
0x3e: {  	_ =	shalt  }
0x3f: {  	_ =	shalt  }
0x40: {  	_ =	shalt  }
0x41: {  	_ =	shalt  }
0x42: {  	_ =	shalt  }
0x43: {  	_ =	shalt  }
0x44: {  	_ =	shalt  }
0x45: {  	_ =	shalt  }
0x46: {  	_ =	shalt  }
0x47: {  	_ =	shalt  }
0x48: {  	_ =	shalt  }
0x49: {  	_ =	shalt  }
0x4a: {  	_ =	shalt  }
0x4b: {  	_ =	shalt  }
0x4c: {  	_ =	shalt  }
0x4d: {  	_ =	shalt  }
0x4e: {  	_ =	shalt  }
0x4f: {  	_ =	shalt  }
0x50: {  	_ =	shalt  }
0x51: {  	_ =	shalt  }
0x52: {  	_ =	shalt  }
0x53: {  	_ =	shalt  }
0x54: {  	_ =	shalt  }
0x55: {  	_ =	shalt  }
0x56: {  	_ =	shalt  }
0x57: {  	_ =	shalt  }
0x58: {  	_ =	shalt  }
0x59: {  	_ =	shalt  }
0x5a: {  	_ =	shalt  }
0x5b: {  	_ =	shalt  }
0x5c: {  	_ =	shalt  }
0x5d: {  	_ =	shalt  }
0x5e: {  	_ =	shalt  }
0x5f: {  	_ =	shalt  }
0x60: {  	_ =	shalt  }
0x61: {  	_ =	shalt  }
0x62: {  	_ =	shalt  }
0x63: {  	_ =	shalt  }
0x64: {  	_ =	shalt  }
0x65: {  	_ =	shalt  }
0x66: {  	_ =	shalt  }
0x67: {  	_ =	shalt  }
0x68: {  	_ =	shalt  }
0x69: {  	_ =	shalt  }
0x6a: {  	_ =	shalt  }
0x6b: {  	_ =	shalt  }
0x6c: {  	_ =	shalt  }
0x6d: {  	_ =	shalt  }
0x6e: {  	_ =	shalt  }
0x6f: {  	_ =	shalt  }
0x70: {  	_ =	shalt  }
0x71: {  	_ =	shalt  }
0x72: {  	_ =	shalt  }
0x73: {  	_ =	shalt  }
0x74: {  	_ =	shalt  }
0x75: {  	_ =	shalt  }
0x76: {  	_ =	shalt  }
0x77: {  	_ =	shalt  }
0x78: {  	_ =	shalt  }
0x79: {  	_ =	shalt  }
0x7a: {  	_ =	shalt  }
0x7b: {  	_ =	shalt  }
0x7c: {  	_ =	shalt  }
0x7d: {  	_ =	shalt  }
0x7e: {  	_ =	shalt  }
0x7f: {  	_ =	shalt  }
0x80: {  	_ =	shalt  }
0x81: {  	_ =	shalt  }
0x82: {  	_ =	shalt  }
0x83: {  	_ =	shalt  }
0x84: {  	_ =	shalt  }
0x85: {  	_ =	shalt  }
0x86: {  	_ =	shalt  }
0x87: {  	_ =	shalt  }
.Lfunc_end0:
.L_simem_size_0:
called_computation.2_lowered:
.L_overlay_start_0:
0x88: {  	s2 =	sld [smem:$0x3FD9]  }
0x89: {  	s3 =	sld [smem:$0x3FFE];
	_ =	sdelay $0x1  }
0x8a: {  	s1 =	srdreg.scid  }
0x8b: {  	s0 =	sand.u32 $0x1, s1  }
0x8c: {  	s17 =	sshll.u32 s0, $0xA;
	s2 =	sadd.s32 s3, s2  }
0x8d: {  	s2 =	sadd.s32 s2, s17  }
0x8e: {  	[smem:$0x3FC2] =	sst s2  }
0x8f: {  	_ = 	snop  }
0x90: {  	s2 =	sld [smem:$0x3FD0];
	(tm) =	ssettm $0x1  }
0x91: {  	s18 =	sld [smem:$0x3FFB];
	_ =	sdelay $0x3  }
0x92: {  	_ =	strace s18  }
0x93: {  	s3 =	sld [smem:$0x3FFC];
	_ =	sdelay $0x3  }
0x94: {  	_ =	strace s3  }
0x95: {  	s3 =	sld [smem:$0x3FFD];
	_ =	sdelay $0x3  }
0x96: {  	_ =	strace s3  }
0x97: {  	_ =	strace $0x8FFFFFFF  }
0x98: {  	s19 =	sld [smem:$0x3FDB];
	_ =	sdelay $0x1  }
0x99: {  	s4 =	simm.s32 $_scs_section_size  }
0x9a: {  	s5 =	simm.s32 $_size__tile_overlayer_lowered;
	s6 =	simm.s32 $_tile_overlayer_lowered  }
0x9b: {  	s22 =	simm.s32 $0x1BFF;
	s21 =	sshll.u32 s6, $0x1;
	s3 =	sadd.s32 s4, s19  }
0x9c: {  	s7 =	simm.s32 $0x0;
	s20 =	sshll.u32 s5, $0x1;
	s5 =	sadd.s32 s21, s3  }
0x9d: {  	[timem:s7], [sflag:s22] =	dma.local [hbm:s5], s20  }
0x9e: {  	_ =	swait.ge [sflag:s22], s20  }
0x9f: {  	s4 =	ssub.s32 $0x0, s20;
	[sflag:s22] =	ssyncset.done $0x0  }
0xa0: {  	[sflag:s22] =	ssyncadd.s32 s4;
	_ =	sdelay $0x1  }
0xa1: {  	s23 =	simm.s32 $0x1B8B  }
0xa2: {  	_ =	swait.ge [sflag:s23], $0x1  }
0xa3: {  	[sflag:s23] =	ssyncset.done $0x0  }
0xa4: {  	s25 =	simm.s32 $0x1B8E;
	s24 =	sld [smem:$0x3FFE];
	[sflag:s23] =	ssyncadd.s32 $0xFFFFFFFF  }
0xa5: {  	s26 =	simm.s32 $execute0_lowered;
	[smem:$0x3FD2] =	sst s25  }
0xa6: {  	s5 =	sshll.u32 s26, $0x1;
	_ =	strace $0x8000004C;
	[dreg:$0x1] =	wrdreg $0xFFFFFFFF  }
0xa7: {  	s28 =	simm.s32 $_size_execute0_lowered;
	s3 =	sadd.s32 s3, s5;
	[dreg:$0x0] =	wrdreg $0x0  }
0xa8: {  	s5 =	sshll.u32 s28, $0x1;
	[dreg:$0x2] =	wrdreg s3  }
0xa9: {  	[dreg:$0x3] =	wrdreg s5  }
0xaa: {  	[dreg:$0x4] =	wrdreg $0xC0  }
0xab: {  	_ =	task [dreg:s7], $0x5FFFF  }
0xac: {  	[dreg:$0x1] =	wrdreg $0xFFFFFFFF  }
0xad: {  	[dreg:$0x0] =	wrdreg $0x60  }
0xae: {  	[dreg:$0x2] =	wrdreg s2  }
0xaf: {  	[dreg:$0x3] =	wrdreg s24  }
0xb0: {  	[dreg:$0x4] =	wrdreg $0xA1000  }
0xb1: {  	[dreg:$0x5] =	wrdreg $0x9  }
0xb2: {  	_ =	task.clear_ibuf [dreg:s7], $0x6FFFF;
	_ =	strace $0x9000004C  }
0xb3: {  	s29 =	simm.s32 $0x9;
	_ =	strace $0x8000004E  }
0xb4: {  	_ =	swait.ge [sflag:s29], $0x1  }
0xb5: {  	[sflag:s29] =	ssyncadd.s32 $0xFFFFFFFF  }
0xb6: {  	_ =	strace $0x9000004E  }
0xb7: {  	_ =	sfence  }
0xb8: {  	s30 =	sld [smem:$0x0];
	_ =	sdelay $0x2  }
0xb9: {  	s31 =	sshll.u32 s1, $0xD;
	s1 =	sshrl.u32 s1, $0x2  }
0xba: {  	s3 =	sand.u32 $0x4000, s31;
	s1 =	sadd.s32 s1, s30  }
0xbb: {  	s0 =	sor.u32 s3, s0;
	s1 =	sshll.u32 s1, $0x11  }
0xbc: {  	s0 =	sor.u32 s1, s0  }
0xbd: {  	s0 =	sadd.s32 $0x8F2B, s0  }
0xbe: {  	[sflag:s0] =	ssyncadd.remote.s32 $0x1  }
0xbf: {  	_ =	sfence.sel $0xFFFF  }
0xc0: {  	[dreg:$0x0] =	wrdreg $0xFFFFFFFF;
	(pc) =	sbr.abs _section_cstart, $3  }
0xc1: {  	[dreg:$0x1] =	wrdreg $0xFFFFFFFF  }
0xc2: {  	_ =	task.clear_ibuf [dreg:s7], $0x2FFFF;
	_ =	strace $0x9FFFFFFF  }
0xc3: {  	(tm) =	ssettm $0x7FFFFFFF  }
tec
execute0_lowered:
.L_overlay_start_1:
0x0: {  	(tag) =	ssettag $0x1  }
0x1: {  	s0 =	srdreg.scid;
	s1 =	rddreg [dreg:$0x0]  }
0x2: {  	s12 =	stileid.u32;
	s5 =	rddreg [dreg:$0x1]  }
0x3: {  	s3 =	rddreg [dreg:$0x2];
	s28 =	simm.s32 $0x2900;
	s29 =	simm.s32 $0x2780  }
0x4: {  	s30 =	simm.s32 $0x50;
	s31 =	simm.s32 $0x2800;
	s8 =	smul.u32 $0x13C00, s12  }
0x5: {  	s0 =	sand.u32 $0x1, s0;
	s2 =	sshll.u32 s12, $0x1;
	s9 =	smul.u32 $0x4E200, s12  }
0x6: {  	s4 =	sshrl.u32 s12, $0x2;
	s10 =	sadd.s32 $0xDC00, s5;
	s19 =	smul.u32 $0xFA, s12  }
0x7: {  	s12 =	simm.s32 $0x8;
	s2 =	sor.u32 s0, s2;
	s6 =	smul.u32 $0x13C00, s4  }
0x8: {  	s4 =	simm.s32 $0x0;
	s25 =	smul.u32 $0x13C000, s0;
	s26 =	ssub.s32 $0x2, s0  }
0x9: {  	s0 =	smul.u32 $0x7D, s0;
	s24 =	sshll.u32 s2, $0x7;
	[smem:$0x7FF] =	sst s4  }
0xa: {  	s11 =	sshrl.u32 s26, $0x1;
	s9 =	sshrl.u32 s9, $0x2;
	s13 =	smul.u32 $0x3E80, s2  }
0xb: {  	s2 =	smul.u32 $0x280, s2;
	s7 =	sand.u32 $0x380, s24;
	_ =	strace $0x8000004D  }
0xc: {  	s0 =	sadd.s32 s0, s19;
	s6 =	sor.u32 s6, s7;
	s7 =	sadd.s32 s8, s25  }
0xd: {  	s8 =	ssub.s32 s26, s11;
	s6 =	sshrl.u32 s6, $0x3;
	s7 =	sshrl.u32 s7, $0x3  }
0xe: {  	s26 =	smax.u32 s8, $0x1;
	s6 =	sadd.s32 s6, s5;
	s7 =	sadd.s32 s7, s5  }
0xf: {  	s5 =	sadd.s32 s9, s3;
	[dreg:$0x12] =	wrdreg s26;
	s6 =	sadd.s32 $0x1D600, s6  }
0x10: {  	s18 =	sand.u32 $0x7FC00, s13;
	s11 =	sadd.s32 $0x2800, s5;
	[dreg:$0x4] =	wrdreg s6  }
0x11: {  	s2 =	sand.u32 $0x380, s2;
	s9 =	sadd.s32 $0x5000, s5;
	[dreg:$0x5] =	wrdreg s11  }
0x12: {  	s0 =	sshll.u32 s0, $0x4;
	s14 =	sadd.s32 $0x7800, s5;
	[dreg:$0x6] =	wrdreg s9  }
0x13: {  	s2 =	sor.u32 s2, s18;
	s15 =	sadd.s32 $0xA000, s5;
	[dreg:$0x7] =	wrdreg s14  }
0x14: {  	s0 =	sadd.s32 s10, s0;
	s16 =	sadd.s32 $0xC800, s5;
	[dreg:$0x8] =	wrdreg s15  }
0x15: {  	s8 =	simm.s32 $0x5;
	s17 =	sadd.s32 $0xF000, s5;
	[dreg:$0x9] =	wrdreg s16  }
0x16: {  	s2 =	sshrl.u32 s2, $0x3;
	s20 =	sadd.s32 $0x11800, s5;
	[dreg:$0xa] =	wrdreg s17  }
0x17: {  	s26 =	simm.s32 $0xA;
	s2 =	sadd.s32 s10, s2;
	[dreg:$0xb] =	wrdreg s20  }
0x18: {  	s25 =	sadd.s32 $0x4E600, s7;
	s7 =	simm.s32 $0x2;
	[dreg:$0xc] =	wrdreg s2  }
0x19: {  	s6 =	sshrl.u32 s13, $0x3;
	[dreg:$0x11] =	wrdreg s25;
	s2 =	simm.s32 $0x5100  }
0x1a: {  	s25 =	simm.s32 $0x2880;
	s9 =	simm.s32 $0x7;
	s6 =	sadd.s32 s10, s6  }
0x1b: {  	s11 =	simm.s32 $0x6;
	s13 =	simm.s32 $0x9;
	s21 =	sadd.s32 $0x10, s6  }
0x1c: {  	s14 =	simm.s32 $0x0;
	s22 =	sadd.s32 $0x20, s6;
	[dreg:$0xd] =	wrdreg s21  }
0x1d: {  	s10 =	simm.s32 $0x3;
	s23 =	sadd.s32 $0x30, s6;
	[dreg:$0xe] =	wrdreg s22  }
0x1e: {  	s24 =	sadd.s32 $0x40, s6;
	s6 =	simm.s32 $0x7900;
	[dreg:$0xf] =	wrdreg s23  }
0x1f: {  	[dreg:$0x10] =	wrdreg s24;
	s21 =	sadd.s32 $0x70, s0;
	s22 =	sadd.s32 $0x60, s0  }
0x20: {  	v0 =	vimm.f32 $0.0e+00;
	s23 =	sadd.s32 $0x50, s0;
	s0 =	simm.s32 $0x1;
	s24 =	simm.s32 $0x4  }
.LBB2_1:
0x21: {  	s15 =	rddreg [dreg:$0x4];
	s16 =	simm.s32 $0x80;
	s17 =	simm.s32 $0x400  }
0x22: {  	[tilespmem:s4], [sflag:$0xA] =	stream.strided.gather [hbm4b:s15+s16], $0x2780, s17, s16, $0x38;
	[tilespmem:$0x1D980] =	vst v63  }
0x23: {  	_ =	swait.ge [sflag:s26], $0x2780  }
0x24: {  	[sflag:s26] =	ssyncset.done $0x0  }
0x25: {  	s15 =	simm.s32 $0x0;
	s16 =	simm.s32 $0x200;
	[sflag:s26] =	ssyncadd.s32 $0xFFFFD880  }
.LBB2_2:
0x26: {  	p0 =	sne.s32 s16, $0x9E00;
	[tilespmem:s15+$0x2970] =	vst v0  }
0x27: {  	[tilespmem:s15+$0x2900] =	vst v0  }
0x28: {  	[tilespmem:s15+$0x2910] =	vst v0  }
.Ltmp0:
0x29: {  	[tilespmem:s15+$0x2920] =	vst v0;
	(pc) =	sbr.rel @p0 .LBB2_2-.Ltmp0, $4  }
0x2a: {  	[tilespmem:s15+$0x2930] =	vst v0  }
0x2b: {  	[tilespmem:s15+$0x2940] =	vst v0  }
0x2c: {  	[tilespmem:s15+$0x2950] =	vst v0  }
0x2d: {  	[tilespmem:s15+$0x2960] =	vst v0;
	s15 =	sshra.s32 s16, $0x2;
	s16 =	sadd.s32 $0x200, s16  }
0x2e: {  	[tilespmem:s15+$0x2970] =	vst v0  }
0x2f: {  	[tilespmem:s15+$0x2900] =	vst v0  }
0x30: {  	[tilespmem:s15+$0x2910] =	vst v0  }
0x31: {  	[tilespmem:s15+$0x2920] =	vst v0  }
0x32: {  	[tilespmem:s15+$0x2930] =	vst v0  }
0x33: {  	[tilespmem:s15+$0x2940] =	vst v0  }
0x34: {  	[tilespmem:s15+$0x2950] =	vst v0  }
0x35: {  	[tilespmem:s15+$0x2960] =	vst v0  }
0x36: {  	[spmem:s5] =	stream.linear.scatter [tilespmem:s28], [sflag:$0xA], $0x2800, $0x38;
	[tilespmem:$0x1D980] =	vst v63  }
0x37: {  	_ =	swait.ge [sflag:s26], $0x2800  }
0x38: {  	[sflag:s26] =	ssyncset.done $0x0  }
0x39: {  	s17 =	rddreg [dreg:$0x5];
	[sflag:s26] =	ssyncadd.s32 $0xFFFFD800  }
0x3a: {  	[spmem:s17] =	stream.linear.scatter [tilespmem:s28], [sflag:$0xA], $0x2800, $0x38;
	[tilespmem:$0x1D980] =	vst v63  }
0x3b: {  	_ =	swait.ge [sflag:s26], $0x2800  }
0x3c: {  	[sflag:s26] =	ssyncset.done $0x0  }
0x3d: {  	s18 =	rddreg [dreg:$0x6];
	[sflag:s26] =	ssyncadd.s32 $0xFFFFD800  }
0x3e: {  	[spmem:s18] =	stream.linear.scatter [tilespmem:s28], [sflag:$0xA], $0x2800, $0x38;
	[tilespmem:$0x1D980] =	vst v63  }
0x3f: {  	_ =	swait.ge [sflag:s26], $0x2800  }
0x40: {  	[sflag:s26] =	ssyncset.done $0x0  }
0x41: {  	s19 =	rddreg [dreg:$0x7];
	[sflag:s26] =	ssyncadd.s32 $0xFFFFD800  }
0x42: {  	[spmem:s19] =	stream.linear.scatter [tilespmem:s28], [sflag:$0xA], $0x2800, $0x38;
	[tilespmem:$0x1D980] =	vst v63  }
0x43: {  	_ =	swait.ge [sflag:s26], $0x2800  }
0x44: {  	[sflag:s26] =	ssyncset.done $0x0  }
0x45: {  	s20 =	rddreg [dreg:$0x8];
	[sflag:s26] =	ssyncadd.s32 $0xFFFFD800  }
0x46: {  	[spmem:s20] =	stream.linear.scatter [tilespmem:s28], [sflag:$0xA], $0x2800, $0x38;
	[tilespmem:$0x1D980] =	vst v63  }
0x47: {  	_ =	swait.ge [sflag:s26], $0x2800  }
0x48: {  	[sflag:s26] =	ssyncset.done $0x0  }
0x49: {  	s16 =	rddreg [dreg:$0x9];
	[sflag:s26] =	ssyncadd.s32 $0xFFFFD800  }
0x4a: {  	[spmem:s16] =	stream.linear.scatter [tilespmem:s28], [sflag:$0xA], $0x2800, $0x38;
	[tilespmem:$0x1D980] =	vst v63  }
0x4b: {  	_ =	swait.ge [sflag:s26], $0x2800  }
0x4c: {  	[sflag:s26] =	ssyncset.done $0x0  }
0x4d: {  	s17 =	rddreg [dreg:$0xa];
	[sflag:s26] =	ssyncadd.s32 $0xFFFFD800  }
0x4e: {  	[spmem:s17] =	stream.linear.scatter [tilespmem:s28], [sflag:$0xA], $0x2800, $0x38;
	[tilespmem:$0x1D980] =	vst v63  }
0x4f: {  	_ =	swait.ge [sflag:s26], $0x2800  }
0x50: {  	[sflag:s26] =	ssyncset.done $0x0  }
0x51: {  	s18 =	rddreg [dreg:$0xb];
	[sflag:s26] =	ssyncadd.s32 $0xFFFFD800  }
0x52: {  	[spmem:s18] =	stream.linear.scatter [tilespmem:s28], [sflag:$0xA], $0x2080, $0x38;
	[tilespmem:$0x1D980] =	vst v63  }
0x53: {  	_ =	swait.ge [sflag:s26], $0x2080  }
0x54: {  	[sflag:s26] =	ssyncset.done $0x0  }
0x55: {  	[sflag:s26] =	ssyncadd.s32 $0xFFFFDF80  }
0x56: {  	[bflag:$0x0] =	sbarrier.arrive $0xFFFF  }
0x57: {  	s15 =	simm.s32 $0x0;
	s16 =	rddreg [dreg:$0xc]  }
0x58: {  	[tilespmem:s29], [sflag:$0x4] =	stream.linear.gather [hbm4b:s16+s15], $0x80, $0x38;
	[tilespmem:$0x1D980] =	vst v63  }
0x59: {  	_ = 	snop  }
0x5a: {  	[tilespmem:s28], [sflag:$0x1] =	stream.indirect.gather [hbm4b:s1+s30], $0x80, s15, s30, $0xb8;
	[tilespmem:$0x1D980] =	vst v63  }
0x5b: {  	s19 =	rddreg [dreg:$0xd]  }
0x5c: {  	[tilespmem:s31], [sflag:$0x5] =	stream.linear.gather [hbm4b:s19+s15], $0x80, $0x38;
	[tilespmem:$0x1D980] =	vst v63  }
0x5d: {  	_ = 	snop  }
0x5e: {  	[tilespmem:s2], [sflag:$0x2] =	stream.indirect.gather [hbm4b:s1+s30], $0x80, s30, s30, $0xb8;
	[tilespmem:$0x1D980] =	vst v63  }
0x5f: {  	_ =	swait.ge [sflag:s0], $0x2800  }
0x60: {  	[sflag:s0] =	ssyncset.done $0x0  }
0x61: {  	[sflag:s0] =	ssyncadd.s32 $0xFFFFD800  }
0x62: {  	_ =	swait.ge [sflag:s24], $0x80  }
0x63: {  	[sflag:s24] =	ssyncset.done $0x0  }
0x64: {  	[sflag:s24] =	ssyncadd.s32 $0xFFFFFF80  }
0x65: {  	[spmem:s3] =	stream.indirect.scatter.add.f32 [tilespmem:s28], [sflag:$0x7], $0x80, s29, s30, $0xb8;
	[tilespmem:$0x1D980] =	vst v63  }
0x66: {  	s20 =	rddreg [dreg:$0xe]  }
0x67: {  	[tilespmem:s25], [sflag:$0x6] =	stream.linear.gather [hbm4b:s20+s15], $0x80, $0x38;
	[tilespmem:$0x1D980] =	vst v63  }
0x68: {  	s17 =	simm.s32 $0xA0  }
0x69: {  	[tilespmem:s6], [sflag:$0x3] =	stream.indirect.gather [hbm4b:s1+s30], $0x80, s17, s30, $0xb8;
	[tilespmem:$0x1D980] =	vst v63  }
0x6a: {  	_ =	swait.ge [sflag:s7], $0x2800  }
0x6b: {  	[sflag:s7] =	ssyncset.done $0x0  }
0x6c: {  	[sflag:s7] =	ssyncadd.s32 $0xFFFFD800  }
0x6d: {  	_ =	swait.ge [sflag:s8], $0x80  }
0x6e: {  	[sflag:s8] =	ssyncset.done $0x0  }
0x6f: {  	[sflag:s8] =	ssyncadd.s32 $0xFFFFFF80  }
0x70: {  	[spmem:s3] =	stream.indirect.scatter.add.f32 [tilespmem:s2], [sflag:$0x8], $0x80, s31, s30, $0xb8;
	[tilespmem:$0x1D980] =	vst v63  }
0x71: {  	_ =	swait.ge [sflag:s9], $0x2800  }
0x72: {  	[sflag:s9] =	ssyncset.done $0x0  }
0x73: {  	s18 =	rddreg [dreg:$0xf];
	[sflag:s9] =	ssyncadd.s32 $0xFFFFD800  }
0x74: {  	[tilespmem:s29], [sflag:$0x4] =	stream.linear.gather [hbm4b:s18+s15], $0x80, $0x38;
	[tilespmem:$0x1D980] =	vst v63  }
0x75: {  	s19 =	simm.s32 $0xF0  }
0x76: {  	[tilespmem:s28], [sflag:$0x1] =	stream.indirect.gather [hbm4b:s1+s30], $0x80, s19, s30, $0xb8;
	[tilespmem:$0x1D980] =	vst v63  }
0x77: {  	_ =	swait.ge [sflag:s10], $0x2800  }
0x78: {  	[sflag:s10] =	ssyncset.done $0x0  }
0x79: {  	[sflag:s10] =	ssyncadd.s32 $0xFFFFD800  }
0x7a: {  	_ =	swait.ge [sflag:s11], $0x80  }
0x7b: {  	[sflag:s11] =	ssyncset.done $0x0  }
0x7c: {  	[sflag:s11] =	ssyncadd.s32 $0xFFFFFF80  }
0x7d: {  	[spmem:s3] =	stream.indirect.scatter.add.f32 [tilespmem:s6], [sflag:$0x9], $0x80, s25, s30, $0xb8;
	[tilespmem:$0x1D980] =	vst v63  }
0x7e: {  	_ =	swait.ge [sflag:s12], $0x2800  }
0x7f: {  	[sflag:s12] =	ssyncset.done $0x0  }
0x80: {  	s20 =	rddreg [dreg:$0x10];
	[sflag:s12] =	ssyncadd.s32 $0xFFFFD800  }
0x81: {  	[tilespmem:s31], [sflag:$0x5] =	stream.linear.gather [hbm4b:s20+s15], $0x80, $0x38;
	[tilespmem:$0x1D980] =	vst v63  }
0x82: {  	s17 =	simm.s32 $0x140  }
0x83: {  	[tilespmem:s2], [sflag:$0x2] =	stream.indirect.gather [hbm4b:s1+s30], $0x80, s17, s30, $0xb8;
	[tilespmem:$0x1D980] =	vst v63  }
0x84: {  	_ =	swait.ge [sflag:s0], $0x2800  }
0x85: {  	[sflag:s0] =	ssyncset.done $0x0  }
0x86: {  	[sflag:s0] =	ssyncadd.s32 $0xFFFFD800  }
0x87: {  	_ =	swait.ge [sflag:s24], $0x80  }
0x88: {  	[sflag:s24] =	ssyncset.done $0x0  }
0x89: {  	[sflag:s24] =	ssyncadd.s32 $0xFFFFFF80  }
0x8a: {  	[spmem:s3] =	stream.indirect.scatter.add.f32 [tilespmem:s28], [sflag:$0x7], $0x80, s29, s30, $0xb8;
	[tilespmem:$0x1D980] =	vst v63  }
0x8b: {  	_ =	swait.ge [sflag:s13], $0x2800  }
0x8c: {  	[sflag:s13] =	ssyncset.done $0x0  }
0x8d: {  	[sflag:s13] =	ssyncadd.s32 $0xFFFFD800  }
0x8e: {  	[tilespmem:s25], [sflag:$0x6] =	stream.linear.gather [hbm4b:s23+s4], $0x80, $0x38;
	[tilespmem:$0x1D980] =	vst v63  }
0x8f: {  	s18 =	simm.s32 $0x190  }
0x90: {  	[tilespmem:s6], [sflag:$0x3] =	stream.indirect.gather [hbm4b:s1+s30], $0x80, s18, s30, $0xb8;
	[tilespmem:$0x1D980] =	vst v63  }
0x91: {  	_ =	swait.ge [sflag:s7], $0x2800  }
0x92: {  	[sflag:s7] =	ssyncset.done $0x0  }
0x93: {  	[sflag:s7] =	ssyncadd.s32 $0xFFFFD800  }
0x94: {  	_ =	swait.ge [sflag:s8], $0x80  }
0x95: {  	[sflag:s8] =	ssyncset.done $0x0  }
0x96: {  	[sflag:s8] =	ssyncadd.s32 $0xFFFFFF80  }
0x97: {  	[spmem:s3] =	stream.indirect.scatter.add.f32 [tilespmem:s2], [sflag:$0x8], $0x80, s31, s30, $0xb8;
	[tilespmem:$0x1D980] =	vst v63  }
0x98: {  	_ =	swait.ge [sflag:s9], $0x2800  }
0x99: {  	[sflag:s9] =	ssyncset.done $0x0  }
0x9a: {  	[sflag:s9] =	ssyncadd.s32 $0xFFFFD800  }
0x9b: {  	[tilespmem:s29], [sflag:$0x4] =	stream.linear.gather [hbm4b:s22+s4], $0x80, $0x38;
	[tilespmem:$0x1D980] =	vst v63  }
0x9c: {  	s19 =	simm.s32 $0x1E0  }
0x9d: {  	[tilespmem:s28], [sflag:$0x1] =	stream.indirect.gather [hbm4b:s1+s30], $0x80, s19, s30, $0xb8;
	[tilespmem:$0x1D980] =	vst v63  }
0x9e: {  	_ =	swait.ge [sflag:s10], $0x2800  }
0x9f: {  	[sflag:s10] =	ssyncset.done $0x0  }
0xa0: {  	[sflag:s10] =	ssyncadd.s32 $0xFFFFD800  }
0xa1: {  	_ =	swait.ge [sflag:s11], $0x80  }
0xa2: {  	[sflag:s11] =	ssyncset.done $0x0  }
0xa3: {  	[sflag:s11] =	ssyncadd.s32 $0xFFFFFF80  }
0xa4: {  	[spmem:s3] =	stream.indirect.scatter.add.f32 [tilespmem:s6], [sflag:$0x9], $0x80, s25, s30, $0xb8;
	[tilespmem:$0x1D980] =	vst v63  }
0xa5: {  	_ =	swait.ge [sflag:s12], $0x2800  }
0xa6: {  	[sflag:s12] =	ssyncset.done $0x0  }
0xa7: {  	[sflag:s12] =	ssyncadd.s32 $0xFFFFD800  }
0xa8: {  	[tilespmem:s31], [sflag:$0x5] =	stream.linear.gather [hbm4b:s21+s4], $0x80, $0x38;
	[tilespmem:$0x1D980] =	vst v63  }
0xa9: {  	s20 =	simm.s32 $0x230  }
0xaa: {  	[tilespmem:s2], [sflag:$0x2] =	stream.indirect.gather [hbm4b:s1+s30], $0x80, s20, s30, $0xb8;
	[tilespmem:$0x1D980] =	vst v63  }
0xab: {  	_ =	swait.ge [sflag:s0], $0x2800  }
0xac: {  	[sflag:s0] =	ssyncset.done $0x0  }
0xad: {  	[sflag:s0] =	ssyncadd.s32 $0xFFFFD800  }
0xae: {  	_ =	swait.ge [sflag:s24], $0x80  }
0xaf: {  	s16 =	sadd.s32 $0x30, s23;
	s15 =	simm.s32 $0x3C0;
	[sflag:s24] =	ssyncset.done $0x0  }
0xb0: {  	s17 =	sadd.s32 $0x30, s21;
	s18 =	sadd.s32 $0x30, s22;
	[sflag:s24] =	ssyncadd.s32 $0xFFFFFF80  }
.LBB2_4:
0xb1: {  	[spmem:s3] =	stream.indirect.scatter.add.f32 [tilespmem:s28], [sflag:$0x7], $0x80, s29, s30, $0xb8;
	[tilespmem:$0x1D980] =	vst v63  }
0xb2: {  	s19 =	smov.u32 s15  }
0xb3: {  	p0 =	sne.s32 s15, $0x9240;
	s15 =	sadd.s32 $0x3C0, s15;
	_ =	swait.ge [sflag:s13], $0x2800  }
0xb4: {  	[sflag:s13] =	ssyncset.done $0x0  }
0xb5: {  	s19 =	sshra.s32 s19, $0x2;
	[sflag:s13] =	ssyncadd.s32 $0xFFFFD800  }
0xb6: {  	[tilespmem:s25], [sflag:$0x6] =	stream.linear.gather [hbm4b:s16+s4], $0x80, $0x38;
	[tilespmem:$0x1D980] =	vst v63  }
0xb7: {  	s20 =	sadd.s32 $0x190, s19  }
0xb8: {  	[tilespmem:s6], [sflag:$0x3] =	stream.indirect.gather [hbm4b:s1+s30], $0x80, s20, s30, $0xb8;
	[tilespmem:$0x1D980] =	vst v63  }
0xb9: {  	_ =	swait.ge [sflag:s7], $0x2800  }
0xba: {  	[sflag:s7] =	ssyncset.done $0x0  }
0xbb: {  	[sflag:s7] =	ssyncadd.s32 $0xFFFFD800  }
0xbc: {  	_ =	swait.ge [sflag:s8], $0x80  }
0xbd: {  	[sflag:s8] =	ssyncset.done $0x0  }
0xbe: {  	[sflag:s8] =	ssyncadd.s32 $0xFFFFFF80  }
0xbf: {  	[spmem:s3] =	stream.indirect.scatter.add.f32 [tilespmem:s2], [sflag:$0x8], $0x80, s31, s30, $0xb8;
	[tilespmem:$0x1D980] =	vst v63  }
0xc0: {  	_ =	swait.ge [sflag:s9], $0x2800  }
0xc1: {  	[sflag:s9] =	ssyncset.done $0x0  }
0xc2: {  	[sflag:s9] =	ssyncadd.s32 $0xFFFFD800  }
0xc3: {  	[tilespmem:s29], [sflag:$0x4] =	stream.linear.gather [hbm4b:s18+s4], $0x80, $0x38;
	[tilespmem:$0x1D980] =	vst v63  }
0xc4: {  	s20 =	sadd.s32 $0x1E0, s19  }
0xc5: {  	[tilespmem:s28], [sflag:$0x1] =	stream.indirect.gather [hbm4b:s1+s30], $0x80, s20, s30, $0xb8;
	[tilespmem:$0x1D980] =	vst v63  }
0xc6: {  	_ =	swait.ge [sflag:s10], $0x2800  }
0xc7: {  	[sflag:s10] =	ssyncset.done $0x0  }
0xc8: {  	[sflag:s10] =	ssyncadd.s32 $0xFFFFD800  }
0xc9: {  	_ =	swait.ge [sflag:s11], $0x80  }
0xca: {  	[sflag:s11] =	ssyncset.done $0x0  }
0xcb: {  	[sflag:s11] =	ssyncadd.s32 $0xFFFFFF80  }
0xcc: {  	[spmem:s3] =	stream.indirect.scatter.add.f32 [tilespmem:s6], [sflag:$0x9], $0x80, s25, s30, $0xb8;
	[tilespmem:$0x1D980] =	vst v63  }
0xcd: {  	_ =	swait.ge [sflag:s12], $0x2800  }
0xce: {  	[sflag:s12] =	ssyncset.done $0x0  }
0xcf: {  	[sflag:s12] =	ssyncadd.s32 $0xFFFFD800  }
0xd0: {  	[tilespmem:s31], [sflag:$0x5] =	stream.linear.gather [hbm4b:s17+s4], $0x80, $0x38;
	[tilespmem:$0x1D980] =	vst v63  }
0xd1: {  	s19 =	sadd.s32 $0x230, s19  }
0xd2: {  	[tilespmem:s2], [sflag:$0x2] =	stream.indirect.gather [hbm4b:s1+s30], $0x80, s19, s30, $0xb8;
	[tilespmem:$0x1D980] =	vst v63  }
0xd3: {  	_ =	swait.ge [sflag:s0], $0x2800  }
.Ltmp1:
0xd4: {  	[sflag:s0] =	ssyncset.done $0x0;
	(pc) =	sbr.rel @p0 .LBB2_4-.Ltmp1, $4  }
0xd5: {  	[sflag:s0] =	ssyncadd.s32 $0xFFFFD800  }
0xd6: {  	_ =	swait.ge [sflag:s24], $0x80  }
0xd7: {  	s16 =	sadd.s32 $0x30, s16;
	[sflag:s24] =	ssyncset.done $0x0  }
0xd8: {  	s18 =	sadd.s32 $0x30, s18;
	s17 =	sadd.s32 $0x30, s17;
	[sflag:s24] =	ssyncadd.s32 $0xFFFFFF80  }
0xd9: {  	[spmem:s3] =	stream.indirect.scatter.add.f32 [tilespmem:s28], [sflag:$0x7], $0x80, s29, s30, $0xb8;
	[tilespmem:$0x1D980] =	vst v63  }
0xda: {  	_ =	swait.ge [sflag:s13], $0x2800  }
0xdb: {  	[sflag:s13] =	ssyncset.done $0x0  }
0xdc: {  	[sflag:s13] =	ssyncadd.s32 $0xFFFFD800  }
0xdd: {  	_ =	swait.ge [sflag:s7], $0x2800  }
0xde: {  	[sflag:s7] =	ssyncset.done $0x0  }
0xdf: {  	[sflag:s7] =	ssyncadd.s32 $0xFFFFD800  }
0xe0: {  	_ =	swait.ge [sflag:s8], $0x80  }
0xe1: {  	[sflag:s8] =	ssyncset.done $0x0  }
0xe2: {  	[sflag:s8] =	ssyncadd.s32 $0xFFFFFF80  }
0xe3: {  	[spmem:s3] =	stream.indirect.scatter.add.f32 [tilespmem:s2], [sflag:$0x8], $0x80, s31, s30, $0xb8;
	[tilespmem:$0x1D980] =	vst v63  }
0xe4: {  	_ =	swait.ge [sflag:s9], $0x2800  }
0xe5: {  	[sflag:s9] =	ssyncset.done $0x0  }
0xe6: {  	[sflag:s9] =	ssyncadd.s32 $0xFFFFD800  }
0xe7: {  	_ =	swait.ge [sflag:s12], $0x2800  }
0xe8: {  	[sflag:s12] =	ssyncset.done $0x0  }
0xe9: {  	s15 =	stileid.u32;
	[sflag:s12] =	ssyncadd.s32 $0xFFFFD800  }
0xea: {  	s15 =	sshll.u32 s15, $0x6;
	[bflag:$0x0] =	sbarrier.arrive $0xFFFF  }
0xeb: {  	s16 =	sshrl.u32 s5, $0x3;
	s15 =	sor.u32 $0x1C0A, s15;
	s17 =	rddreg [dreg:$0x11]  }
0xec: {  	[hbm:s17], [sflag:s15] =	dma.local [spmem:s16], $0x2710  }
0xed: {  	_ =	swait.ge [sflag:s26], $0x2710  }
0xee: {  	s14 =	sadd.s32 $0x1, s14;
	s20 =	rddreg [dreg:$0x12]  }
0xef: {  	p0 =	sne.s32 s14, s20  }
.Ltmp2:
0xf0: {  	_ = 	snop;
	(pc) =	sbr.rel @p0 .LBB2_1-.Ltmp2, $3  }
0xf1: {  	_ =	sdelay $0x1  }
0xf2: {  	[sflag:s26] =	ssyncset.done $0x0  }
0xf3: {  	[sflag:s26] =	ssyncadd.s32 $0xFFFFD8F0  }
0xf4: {  	_ =	sfence.sel $0x180000  }
0xf5: {  	[bflag:$0x0] =	sbarrier.arrive $0xFFFF  }
0xf6: {  	_ =	strace $0x9000004D  }
0xf7: {  	s0 =	stileid.u32;
	[bflag:$0x2] =	sbarrier.arrive $0xFFFF  }
0xf8: {  	p0 =	sne.s32 s0, $0x0;
	s0 =	rddreg [dreg:$0x3]  }
0xf9: {  	s0 =	sadd.s32 @!p0 $0x100000, s0  }
0xfa: {  	[sflag:s0] =	ssyncadd.tile.s32 @!p0 $0x1;
	_ =	shalt  }
.Lfunc_end2:
_tile_overlayer_lowered:
.L_overlay_start_2:
0xfb: {  	(tag) =	ssettag $0x2  }
0xfc: {  	s0 =	rddreg [dreg:$0x0];
	s2 =	stileid.u32  }
0xfd: {  	s1 =	rddreg [dreg:$0x1];
	p0 =	sne.s32 s2, $0x0  }
0xfe: {  	s3 =	rddreg [dreg:$0x2];
	[bflag:$0x3] =	sbarrier.arrive $0xFFFF;
	s2 =	simm.s32 @!p0 $0x1C0A  }
0xff: {  	[timem:s3], [sflag:s2] =	dma.local @!p0 [hbm:s0], s1  }
0x100: {  	s0 =	simm.s32 @!p0 $0xA  }
0x101: {  	_ =	swait.ge @!p0 [sflag:s0], s1  }
0x102: {  	s1 =	ssub.s32 @!p0 $0x0, s1;
	[sflag:s0] =	ssyncset.done @!p0 $0x0  }
0x103: {  	[sflag:s0] =	ssyncadd.s32 @!p0 s1  }
0x104: {  	[bflag:$0x3] =	sbarrier.arrive $0xFFFF  }
0x105: {  	_ =	shalt  }

// kernel: kernel.8.cloned.1.call-start
scs
__scs_entry_jumppad:
0x0: {  	(pc) =	sbr.rel $0x88, $3  }
0x1: {  	(tag) =	ssettag $0x0;
	lr =	simm.s32 $0x1  }
0x2: {  	[smem:$0x3F9B] =	sst lr;
	_ =	strace $0xD0000000  }
0x3: {  	_ = 	snop  }
0x4: {  	_ = 	snop  }
0x5: {  	_ = 	snop  }
0x6: {  	_ = 	snop  }
0x7: {  	_ = 	snop  }
__scs_overlays_trampoline_lowered:
0x8: {  	[smem:$0x3FAA] =	sst s0  }
0x9: {  	[smem:$0x3FAB] =	sst s1  }
0xa: {  	[smem:$0x3FAC] =	sst s2  }
0xb: {  	[smem:$0x3FAD] =	sst s3  }
0xc: {  	[smem:$0x3FAE] =	sst s4  }
0xd: {  	[smem:$0x3FAF] =	sst s5  }
0xe: {  	[smem:$0x3FB0] =	sst s6  }
0xf: {  	[smem:$0x3FB1] =	sst s7  }
0x10: {  	[smem:$0x3FB2] =	sst s8  }
0x11: {  	[smem:$0x3FB3] =	sst s9;
	s0 =	simm.s32 @!p0 $0x0  }
0x12: {  	s1 =	sld [smem:$0x3F99];
	s0 =	simm.s32 @p0 $0x1  }
0x13: {  	[smem:$0x3FB4] =	sst s0;
	s0 =	simm.s32 @!p1 $0x0  }
0x14: {  	s2 =	sld [smem:$0x3F98];
	s0 =	simm.s32 @p1 $0x1  }
0x15: {  	[smem:$0x3FB5] =	sst s0;
	s0 =	simm.s32 @!p2 $0x0  }
0x16: {  	s3 =	sld [smem:$0x3FDB];
	s0 =	simm.s32 @p2 $0x1  }
0x17: {  	s4 =	simm.s32 $0x1BF5;
	[smem:$0x3FB7] =	sst s0  }
0x18: {  	s0 =	sld [smem:$0x3F9A];
	_ =	swait.ge [sflag:s4], $0x0  }
0x19: {  	s7 =	sld [smem:$0x3F9B]  }
0x1a: {  	s8 =	sadd.s32 $0xFFFFE003, lr  }
0x1b: {  	s9 =	sadd.s32 $0xFFFFFEF7, lr;
	s5 =	simm.s32 $0xFFFFFFFF;
	p2 =	slt.u32 s8, $0xFFFFF086  }
0x1c: {  	p1 =	slt.u32 s9, $0xF7A;
	s5 =	simm.s32 @!p2 $0x0  }
0x1d: {  	s5 =	simm.s32 @p1 $0x1;
	p0 =	seq.s32 s7, s2  }
0x1e: {  	s7 =	smul.u32 @!p0 $0xF7A, s2;
	p2 =	seq.s32 @!p0 s5, $0x0  }
0x1f: {  	s9 =	smul.u32 $0xF7A, s1;
	s8 =	simm.s32 @!p0 $0x1BF5;
	p2 =	por !p2, p0  }
0x20: {  	[sflag:s8] =	ssyncset.s32 @!p0 $0xFFFFF086;
	s6 =	sadd.s32 @!p0 s3, s7;
	s7 =	simm.s32 @!p0 $0x108  }
0x21: {  	s3 =	sadd.s32 s3, s9;
	s6 =	sadd.s32 @!p0 $0x88, s6;
	s7 =	simm.s32 @p2 $0x1082  }
0x22: {  	[simem:s7], [sflag:s8] =	dma.local @!p0 [hbm:s6], $0xF7A  }
0x23: {  	s9 =	sor.u32 $0xD0000000, s2;
	s6 =	simm.s32 $0x108;
	_ =	swait.ge @!p0 [sflag:s8], $0x0  }
0x24: {  	s3 =	sadd.s32 $0x88, s3;
	s6 =	simm.s32 @!p1 $0x1082;
	[sflag:s4] =	ssyncset.s32 $0xFFFFF086  }
0x25: {  	[simem:s6], [sflag:s4] =	dma.local [hbm:s3], $0xF7A  }
0x26: {  	[smem:$0x3F9B] =	sst s1;
	(tag) =	ssettag s2;
	_ =	strace s9  }
0x27: {  	s1 =	sld [smem:$0x3FAB]  }
0x28: {  	s2 =	sld [smem:$0x3FAC]  }
0x29: {  	s4 =	sld [smem:$0x3FAE]  }
0x2a: {  	p0 =	seq.s32 s5, $0x0;
	s5 =	sld [smem:$0x3FAF]  }
0x2b: {  	s6 =	sld [smem:$0x3FB0]  }
0x2c: {  	s7 =	sld [smem:$0x3FB1]  }
0x2d: {  	s3 =	simm.s32 $0x108;
	s8 =	sld [smem:$0x3FB2]  }
0x2e: {  	s3 =	simm.s32 @!p0 $0x1082;
	s9 =	sld [smem:$0x3FB3]  }
0x2f: {  	lr =	sadd.s32 s0, s3;
	s0 =	sld [smem:$0x3FAA]  }
0x30: {  	s3 =	sld [smem:$0x3FAD]  }
0x31: {  	[smem:$0x3FB6] =	sst s10  }
0x32: {  	s10 =	sld [smem:$0x3FB4];
	_ =	sdelay $0x3  }
0x33: {  	p0 =	seq.s32 s10, $0x1;
	s10 =	sld [smem:$0x3FB6];
	_ =	sdelay $0x3  }
0x34: {  	[smem:$0x3FB6] =	sst s10  }
0x35: {  	s10 =	sld [smem:$0x3FB5];
	_ =	sdelay $0x3  }
0x36: {  	p1 =	seq.s32 s10, $0x1;
	s10 =	sld [smem:$0x3FB6];
	_ =	sdelay $0x3  }
0x37: {  	[smem:$0x3FB6] =	sst s10  }
0x38: {  	s10 =	sld [smem:$0x3FB7]  }
0x39: {  	_ = 	snop;
	(pc) =	sbr.ind lr, $3  }
0x3a: {  	_ = 	snop  }
0x3b: {  	_ = 	snop  }
0x3c: {  	p2 =	seq.s32 s10, $0x1;
	s10 =	sld [smem:$0x3FB6]  }
0x3d: {  	_ =	shalt  }
0x3e: {  	_ =	shalt  }
0x3f: {  	_ =	shalt  }
0x40: {  	_ =	shalt  }
0x41: {  	_ =	shalt  }
0x42: {  	_ =	shalt  }
0x43: {  	_ =	shalt  }
0x44: {  	_ =	shalt  }
0x45: {  	_ =	shalt  }
0x46: {  	_ =	shalt  }
0x47: {  	_ =	shalt  }
0x48: {  	_ =	shalt  }
0x49: {  	_ =	shalt  }
0x4a: {  	_ =	shalt  }
0x4b: {  	_ =	shalt  }
0x4c: {  	_ =	shalt  }
0x4d: {  	_ =	shalt  }
0x4e: {  	_ =	shalt  }
0x4f: {  	_ =	shalt  }
0x50: {  	_ =	shalt  }
0x51: {  	_ =	shalt  }
0x52: {  	_ =	shalt  }
0x53: {  	_ =	shalt  }
0x54: {  	_ =	shalt  }
0x55: {  	_ =	shalt  }
0x56: {  	_ =	shalt  }
0x57: {  	_ =	shalt  }
0x58: {  	_ =	shalt  }
0x59: {  	_ =	shalt  }
0x5a: {  	_ =	shalt  }
0x5b: {  	_ =	shalt  }
0x5c: {  	_ =	shalt  }
0x5d: {  	_ =	shalt  }
0x5e: {  	_ =	shalt  }
0x5f: {  	_ =	shalt  }
0x60: {  	_ =	shalt  }
0x61: {  	_ =	shalt  }
0x62: {  	_ =	shalt  }
0x63: {  	_ =	shalt  }
0x64: {  	_ =	shalt  }
0x65: {  	_ =	shalt  }
0x66: {  	_ =	shalt  }
0x67: {  	_ =	shalt  }
0x68: {  	_ =	shalt  }
0x69: {  	_ =	shalt  }
0x6a: {  	_ =	shalt  }
0x6b: {  	_ =	shalt  }
0x6c: {  	_ =	shalt  }
0x6d: {  	_ =	shalt  }
0x6e: {  	_ =	shalt  }
0x6f: {  	_ =	shalt  }
0x70: {  	_ =	shalt  }
0x71: {  	_ =	shalt  }
0x72: {  	_ =	shalt  }
0x73: {  	_ =	shalt  }
0x74: {  	_ =	shalt  }
0x75: {  	_ =	shalt  }
0x76: {  	_ =	shalt  }
0x77: {  	_ =	shalt  }
0x78: {  	_ =	shalt  }
0x79: {  	_ =	shalt  }
0x7a: {  	_ =	shalt  }
0x7b: {  	_ =	shalt  }
0x7c: {  	_ =	shalt  }
0x7d: {  	_ =	shalt  }
0x7e: {  	_ =	shalt  }
0x7f: {  	_ =	shalt  }
0x80: {  	_ =	shalt  }
0x81: {  	_ =	shalt  }
0x82: {  	_ =	shalt  }
0x83: {  	_ =	shalt  }
0x84: {  	_ =	shalt  }
0x85: {  	_ =	shalt  }
0x86: {  	_ =	shalt  }
0x87: {  	_ =	shalt  }
.Lfunc_end0:
.L_simem_size_0:
called_computation_lowered:
.L_overlay_start_0:
0x88: {  	s2 =	sld [smem:$0x3FD9]  }
0x89: {  	s3 =	sld [smem:$0x3FFE];
	_ =	sdelay $0x1  }
0x8a: {  	s1 =	srdreg.scid  }
0x8b: {  	s0 =	sand.u32 $0x1, s1  }
0x8c: {  	s17 =	sshll.u32 s0, $0xA;
	s2 =	sadd.s32 s3, s2  }
0x8d: {  	s2 =	sadd.s32 s2, s17  }
0x8e: {  	[smem:$0x3FC2] =	sst s2  }
0x8f: {  	_ = 	snop  }
0x90: {  	s2 =	sld [smem:$0x3FD0];
	(tm) =	ssettm $0x1  }
0x91: {  	s18 =	sld [smem:$0x3FFB];
	_ =	sdelay $0x3  }
0x92: {  	_ =	strace s18  }
0x93: {  	s3 =	sld [smem:$0x3FFC];
	_ =	sdelay $0x3  }
0x94: {  	_ =	strace s3  }
0x95: {  	s3 =	sld [smem:$0x3FFD];
	_ =	sdelay $0x3  }
0x96: {  	_ =	strace s3  }
0x97: {  	_ =	strace $0x8FFFFFFF  }
0x98: {  	s19 =	sld [smem:$0x3FDB];
	_ =	sdelay $0x1  }
0x99: {  	s4 =	simm.s32 $_scs_section_size  }
0x9a: {  	s5 =	simm.s32 $_size__tile_overlayer_lowered;
	s6 =	simm.s32 $_tile_overlayer_lowered  }
0x9b: {  	s22 =	simm.s32 $0x1BFF;
	s21 =	sshll.u32 s6, $0x1;
	s3 =	sadd.s32 s4, s19  }
0x9c: {  	s7 =	simm.s32 $0x0;
	s20 =	sshll.u32 s5, $0x1;
	s5 =	sadd.s32 s21, s3  }
0x9d: {  	[timem:s7], [sflag:s22] =	dma.local [hbm:s5], s20  }
0x9e: {  	_ =	swait.ge [sflag:s22], s20  }
0x9f: {  	s4 =	ssub.s32 $0x0, s20;
	[sflag:s22] =	ssyncset.done $0x0  }
0xa0: {  	[sflag:s22] =	ssyncadd.s32 s4;
	_ =	sdelay $0x1  }
0xa1: {  	s23 =	simm.s32 $0x1B8B  }
0xa2: {  	_ =	swait.ge [sflag:s23], $0x1  }
0xa3: {  	[sflag:s23] =	ssyncset.done $0x0  }
0xa4: {  	s25 =	simm.s32 $0x1B8E;
	s24 =	sld [smem:$0x3FFE];
	[sflag:s23] =	ssyncadd.s32 $0xFFFFFFFF  }
0xa5: {  	s26 =	simm.s32 $execute0_lowered;
	[smem:$0x3FD2] =	sst s25  }
0xa6: {  	s5 =	sshll.u32 s26, $0x1;
	_ =	strace $0x80000046;
	[dreg:$0x1] =	wrdreg $0xFFFFFFFF  }
0xa7: {  	s28 =	simm.s32 $_size_execute0_lowered;
	s3 =	sadd.s32 s3, s5;
	[dreg:$0x0] =	wrdreg $0x0  }
0xa8: {  	s5 =	sshll.u32 s28, $0x1;
	[dreg:$0x2] =	wrdreg s3  }
0xa9: {  	[dreg:$0x3] =	wrdreg s5  }
0xaa: {  	[dreg:$0x4] =	wrdreg $0xC0  }
0xab: {  	_ =	task [dreg:s7], $0x5FFFF  }
0xac: {  	[dreg:$0x1] =	wrdreg $0xFFFFFFFF  }
0xad: {  	[dreg:$0x0] =	wrdreg $0x60  }
0xae: {  	[dreg:$0x2] =	wrdreg s2  }
0xaf: {  	[dreg:$0x3] =	wrdreg s24  }
0xb0: {  	[dreg:$0x4] =	wrdreg $0x9  }
0xb1: {  	_ =	task.clear_ibuf [dreg:s7], $0x5FFFF;
	_ =	strace $0x90000046  }
0xb2: {  	s29 =	simm.s32 $0x9;
	_ =	strace $0x80000048  }
0xb3: {  	_ =	swait.ge [sflag:s29], $0x1  }
0xb4: {  	[sflag:s29] =	ssyncadd.s32 $0xFFFFFFFF  }
0xb5: {  	_ =	strace $0x90000048  }
0xb6: {  	_ =	sfence  }
0xb7: {  	s30 =	sld [smem:$0x0];
	_ =	sdelay $0x2  }
0xb8: {  	s31 =	sshll.u32 s1, $0xD;
	s1 =	sshrl.u32 s1, $0x2  }
0xb9: {  	s3 =	sand.u32 $0x4000, s31;
	s1 =	sadd.s32 s1, s30  }
0xba: {  	s0 =	sor.u32 s3, s0;
	s1 =	sshll.u32 s1, $0x11  }
0xbb: {  	s0 =	sor.u32 s1, s0  }
0xbc: {  	s0 =	sadd.s32 $0x8F2B, s0  }
0xbd: {  	[sflag:s0] =	ssyncadd.remote.s32 $0x1  }
0xbe: {  	_ =	sfence.sel $0xFFFF  }
0xbf: {  	[dreg:$0x0] =	wrdreg $0xFFFFFFFF;
	(pc) =	sbr.abs _section_cstart, $3  }
0xc0: {  	[dreg:$0x1] =	wrdreg $0xFFFFFFFF  }
0xc1: {  	_ =	task.clear_ibuf [dreg:s7], $0x2FFFF;
	_ =	strace $0x9FFFFFFF  }
0xc2: {  	(tm) =	ssettm $0x7FFFFFFF  }
0xc3: {  	_ =	shalt  }
tec
execute0_lowered:
.L_overlay_start_1:
0x0: {  	(tag) =	ssettag $0x1  }
0x1: {  	s3 =	rddreg [dreg:$0x0];
	s1 =	srdreg.scid  }
0x2: {  	s0 =	stileid.u32;
	s6 =	rddreg [dreg:$0x1];
	s8 =	simm.s32 $0x1  }
0x3: {  	s9 =	simm.s32 $0x2780;
	s10 =	simm.s32 $0x0;
	s4 =	sand.u32 $0x1, s1  }
0x4: {  	s29 =	sshrl.u32 s0, $0x2;
	s2 =	sshll.u32 s0, $0x8;
	s1 =	rddreg [dreg:$0x2]  }
0x5: {  	s5 =	smul.u32 $0x13C00, s29;
	s30 =	sshll.u32 s4, $0x7;
	s2 =	sand.u32 $0x300, s2  }
0x6: {  	s4 =	ssub.s32 $0x2, s4;
	s7 =	sor.u32 s30, s2;
	s2 =	simm.s32 $0x0  }
0x7: {  	s31 =	sshrl.u32 s4, $0x1;
	s5 =	sor.u32 s5, s7;
	[smem:$0x7FF] =	sst s2  }
0x8: {  	s7 =	ssub.s32 s4, s31;
	s5 =	sshrl.u32 s5, $0x3;
	_ =	strace $0x80000047  }
0x9: {  	s6 =	sadd.s32 s5, s6;
	s3 =	sadd.s32 s3, s5;
	s5 =	smax.u32 s7, $0x1  }
0xa: {  	v0 =	vimm.s32 $0x0;
	v1 =	vimm.s32 $0x1;
	s7 =	simm.s32 $0x400;
	s4 =	sadd.s32 $0x3E00, s6;
	s6 =	simm.s32 $0x80  }
.LBB2_1:
0xb: {  	[tilespmem:s2], [sflag:$0x1] =	stream.strided.gather [hbm4b:s3+s6], $0x2780, s7, s6, $0x38;
	[tilespmem:$0x4F00] =	vst v63  }
0xc: {  	_ =	swait.ge [sflag:s8], $0x2780  }
0xd: {  	[sflag:s8] =	ssyncset.done $0x0  }
0xe: {  	s11 =	simm.s32 $0x0;
	[sflag:s8] =	ssyncadd.s32 $0xFFFFD880  }
.LBB2_2:
0xf: {  	p0 =	sne.s32 s11, $0x9C00  }
.Ltmp0:
0x10: {  	_ = 	snop;
	(pc) =	sbr.rel @p0 .LBB2_2-.Ltmp0, $3  }
0x11: {  	_ =	sdelay $0x1  }
0x12: {  	s12 =	sshra.s32 s11, $0x2  }
0x13: {  	s11 =	sadd.s32 $0x40, s11;
	[tilespmem:s12+$0x2780] =	vst v0  }
0x14: {  	s12 =	simm.s32 $0x0;
	s11 =	simm.s32 $0x40  }
.LBB2_4:
0x15: {  	p0 =	sne.s32 s11, $0x9C00;
	v2 =	vld [tilespmem:s12+$0x0];
	_ =	sdelay $0x3  }
.Ltmp1:
0x16: {  	(pc) =	sbr.rel @p0 .LBB2_4-.Ltmp1, $2  }
0x17: {  	_ =	sdelay $0x2  }
0x18: {  	s12 =	sshra.s32 s11, $0x2;
	s11 =	sadd.s32 $0x40, s11;
	[tilespmem:v2+s9+$0x0] =	vst.idx.add.s32.msk $0xffff, v1  }
0x19: {  	v2 =	vld [tilespmem:s12+$0x0];
	_ =	sdelay $0x5  }
0x1a: {  	s10 =	sadd.s32 $0x1, s10  }
0x1b: {  	p0 =	sne.s32 s10, s5  }
.Ltmp2:
0x1c: {  	[tilespmem:v2+s9+$0x0] =	vst.idx.add.s32.msk $0xffff, v1;
	(pc) =	sbr.rel @p0 .LBB2_1-.Ltmp2, $4  }
0x1d: {  	[hbm4b:s4+s6] =	stream.strided.scatter [tilespmem:s9], [sflag:$0x1], $0x2780, s7, s6, $0x38;
	[tilespmem:$0x4F00] =	vst v63  }
0x1e: {  	_ =	swait.ge [sflag:s8], $0x2780  }
0x1f: {  	[sflag:s8] =	ssyncset.done $0x0  }
0x20: {  	[sflag:s8] =	ssyncadd.s32 $0xFFFFD880  }
0x21: {  	_ =	sfence.sel $0x180000  }
0x22: {  	[bflag:$0x0] =	sbarrier.arrive $0xFFFF  }
0x23: {  	p0 =	sne.s32 s0, $0x0;
	_ =	strace $0x90000047  }
0x24: {  	s0 =	sadd.s32 @!p0 $0x100000, s1;
	[bflag:$0x2] =	sbarrier.arrive $0xFFFF  }
0x25: {  	[sflag:s0] =	ssyncadd.tile.s32 @!p0 $0x1;
	_ =	shalt  }
.Lfunc_end2:
_tile_overlayer_lowered:
.L_overlay_start_2:
0x26: {  	(tag) =	ssettag $0x2  }
0x27: {  	s0 =	rddreg [dreg:$0x0];
	s2 =	stileid.u32  }
0x28: {  	s1 =	rddreg [dreg:$0x1];
	p0 =	sne.s32 s2, $0x0  }
0x29: {  	s3 =	rddreg [dreg:$0x2];
	[bflag:$0x3] =	sbarrier.arrive $0xFFFF;
	s2 =	simm.s32 @!p0 $0x1C01  }
0x2a: {  	[timem:s3], [sflag:s2] =	dma.local @!p0 [hbm:s0], s1  }
0x2b: {  	s0 =	simm.s32 @!p0 $0x1  }
0x2c: {  	_ =	swait.ge @!p0 [sflag:s0], s1  }
0x2d: {  	s1 =	ssub.s32 @!p0 $0x0, s1;
	[sflag:s0] =	ssyncset.done @!p0 $0x0  }
0x2e: {  	[sflag:s0] =	ssyncadd.s32 @!p0 s1  }
0x2f: {  	[bflag:$0x3] =	sbarrier.arrive $0xFFFF  }
0x30: {  	_ =	shalt  }

</sc_bundles>
